<compile_context>
chip_gen: v7x
topology: tpu7x:2x2x1
jax: 0.10.2.dev20260603
libtpu: 0.0.44.dev20260713+nightly
codegen_flags: <defaults>
</compile_context>

<pallas_src>
import functools

import jax
import jax.numpy as jnp
from jax import lax
from jax.experimental import pallas as pl
from jax.experimental.pallas import tpu as pltpu
from jax.experimental.pallas import tpu_sc as plsc

D = 64
L = 16

_info = plsc.get_sparse_core_info()
NC, NS = _info.num_cores, _info.num_subcores
NW = NC * NS

B_TOTAL = 4096 * 200
B_PER_W = B_TOTAL // NW
CHUNK = 128
N_CHUNKS = B_PER_W // CHUNK
NVREG = CHUNK // L

NBUF = 4

_mesh = plsc.VectorSubcoreMesh(core_axis_name="c", subcore_axis_name="s")


@functools.partial(
    pl.kernel,
    out_type=jax.ShapeDtypeStruct((B_TOTAL, 2 * D), jnp.float32),
    mesh=_mesh,
    scratch_types=[
        pltpu.VMEM((N_CHUNKS, CHUNK), jnp.int32),
        pltpu.VMEM((NBUF, CHUNK, D), jnp.float32),
        pltpu.VMEM((NBUF, CHUNK, 2 * D), jnp.float32),
        [pltpu.SemaphoreType.DMA] * NBUF,
        [pltpu.SemaphoreType.DMA] * NBUF,
    ],
    compiler_params=pltpu.CompilerParams(use_tc_tiling_on_sc=False),
)
def _emb_kernel(idx_hbm, table_hbm, out_hbm, idx_v, rows_v, wide_v, gsems,
                ssems):
    wid = lax.axis_index("s") * NC + lax.axis_index("c")
    base = wid * B_PER_W

    pltpu.sync_copy(idx_hbm.at[wid], idx_v)

    def fire_gather(c, b):
        row = idx_v.at[c]
        for j in range(NVREG):
            iv = row[pl.ds(j * L, L)]
            pltpu.async_copy(
                table_hbm.at[iv], rows_v.at[b, pl.ds(j * L, L)], gsems[b])

    def wait_gather(c, b):
        row = idx_v.at[c]
        for j in range(NVREG):
            iv = row[pl.ds(j * L, L)]
            pltpu.make_async_copy(
                table_hbm.at[iv], rows_v.at[b, pl.ds(j * L, L)],
                gsems[b]).wait()

    def fire_scatter(c, b):
        pltpu.async_copy(
            rows_v.at[b],
            out_hbm.at[pl.ds(base + c * CHUNK, CHUNK), pl.ds(0, D)],
            ssems[b])

    def wait_scatter(c, b):
        pltpu.make_async_copy(
            rows_v.at[b],
            out_hbm.at[pl.ds(base + c * CHUNK, CHUNK), pl.ds(0, D)],
            ssems[b]).wait()

    for b in range(NBUF):
        fire_gather(b, b)

    @pl.loop(0, N_CHUNKS, step=NBUF)
    def _body(t):
        for b in range(NBUF):
            wait_gather(t + b, b)
            fire_scatter(t + b, b)
        for b in range(NBUF):
            nxt = t + NBUF + b

            @pl.when(nxt < N_CHUNKS)
            def _():
                wait_scatter(t + b, b)
                fire_gather(nxt, b)

    for b in range(NBUF):
        wait_scatter(N_CHUNKS - NBUF + b, b)


def kernel(x, table):
    idx = x.reshape(NW, N_CHUNKS, CHUNK).astype(jnp.int32)
    out = _emb_kernel(idx, table)
    return out[:, :D].reshape(4096, 200, D)

# --- scband reference (transcript-rebuilt; emitter-appended) ---
"""Pipeline reference for scband-embedding-14534169329997 (READ-ONLY COPY).

The authoritative reference and input builder live on the scoring server;
editing this copy changes nothing except your own understanding.
"""

import jax, jax.numpy as jnp
import numpy as np

VOCAB_SIZE = 1000000
D_MODEL = 64

def setup_inputs(seed: int = 0) -> dict:
    key = jax.random.key(seed)
    k1, k2 = jax.random.split(key)
    x = jax.random.randint(k1, (4096, 200), 0, VOCAB_SIZE, dtype=jnp.int64 if jax.config.jax_enable_x64 else jnp.int32)
    table = jax.random.normal(k2, (VOCAB_SIZE, D_MODEL), dtype=jnp.float32)
    return {"x": x, "table": table}

def reference(x, table):
    # nn.Embedding forward: gather rows of the table by index
    return jnp.take(table, x, axis=0)

if __name__ == "__main__":
    import jax
    _d = setup_inputs()
    print(jax.jit(kernel)(*tuple(_d.values())))

</pallas_src>

<mosaic_0001>
#map = affine_map<(d0, d1) -> (0, 0, 0)>
#map1 = affine_map<(d0, d1) -> (0, 0)>
module attributes {stable_mosaic.version = 14 : i64} {
  func.func @_emb_kernel(%arg0: i32, %arg1: i32, %arg2: memref<32x200x128xi32, #tpu.memory_space<hbm>>, %arg3: memref<1000000x64xf32, #tpu.memory_space<hbm>>, %arg4: memref<819200x128xf32, #tpu.memory_space<hbm>>, %arg5: memref<200x128xi32, #tpu.memory_space<vmem>>, %arg6: memref<4x128x64xf32, #tpu.memory_space<vmem>>, %arg7: memref<4x128x128xf32, #tpu.memory_space<vmem>>, %arg8: memref<!tpu.dma_semaphore, #tpu.memory_space<semaphore_mem>>, %arg9: memref<!tpu.dma_semaphore, #tpu.memory_space<semaphore_mem>>, %arg10: memref<!tpu.dma_semaphore, #tpu.memory_space<semaphore_mem>>, %arg11: memref<!tpu.dma_semaphore, #tpu.memory_space<semaphore_mem>>, %arg12: memref<!tpu.dma_semaphore, #tpu.memory_space<semaphore_mem>>, %arg13: memref<!tpu.dma_semaphore, #tpu.memory_space<semaphore_mem>>, %arg14: memref<!tpu.dma_semaphore, #tpu.memory_space<semaphore_mem>>, %arg15: memref<!tpu.dma_semaphore, #tpu.memory_space<semaphore_mem>>) attributes {dimension_semantics = [#tpu.dimension_semantics<core_parallel>, #tpu.dimension_semantics<subcore_parallel>], iteration_bounds = array<i64: 2, 16>, scalar_prefetch = 0 : i64, scratch_operands = 11 : i64, tpu.core_type = #tpu.core_type<sc_vector_subcore>, window_params = [{transform_indices = #map}, {transform_indices = #map1}, {transform_indices = #map1}]} {
    %mul3A = arith.constant 2 : i32
    %mul3A_0 = arith.muli %arg1, %mul3A : i32
    %add3A = arith.addi %mul3A_0, %arg0 : i32
    %mul3A_1 = arith.constant 25600 : i32
    %mul3A_2 = arith.muli %add3A, %mul3A_1 : i32
    "tpu.region"() ({
      %run_scoped3A = tpu.sem_alloc : memref<!tpu.dma_semaphore, #tpu.memory_space<semaphore_mem>>
      %dma_start3A_544 = arith.constant 0 : i32
      %dma_start3A_545 = arith.constant 0 : i32
      %dma_start3A_546 = tpu.memref_slice %arg2[%add3A, %dma_start3A_544, %dma_start3A_545] : memref<32x200x128xi32, #tpu.memory_space<hbm>> -> memref<1x200x128xi32, #tpu.memory_space<hbm>>
      %dma_start3A_547 = tpu.memref_squeeze %dma_start3A_546 : memref<1x200x128xi32, #tpu.memory_space<hbm>> -> memref<200x128xi32, #tpu.memory_space<hbm>>
      %dma_start3A_548 = arith.constant 0 : i32
      %dma_start3A_549 = arith.constant 0 : i32
      %dma_start3A_550 = tpu.memref_slice %arg2[%add3A, %dma_start3A_548, %dma_start3A_549] : memref<32x200x128xi32, #tpu.memory_space<hbm>> -> memref<1x200x128xi32, #tpu.memory_space<hbm>>
      %dma_start3A_551 = tpu.memref_squeeze %dma_start3A_550 : memref<1x200x128xi32, #tpu.memory_space<hbm>> -> memref<200x128xi32, #tpu.memory_space<hbm>>
      tpu.enqueue_dma source(%dma_start3A_551 : memref<200x128xi32, #tpu.memory_space<hbm>>) target(%arg5 : memref<200x128xi32, #tpu.memory_space<vmem>>) target_semaphore(%run_scoped3A : memref<!tpu.dma_semaphore, #tpu.memory_space<semaphore_mem>>)
      %dma_wait3A_552 = arith.constant 0 : i32
      %dma_wait3A_553 = arith.constant 0 : i32
      %dma_wait3A_554 = tpu.memref_slice %arg2[%add3A, %dma_wait3A_552, %dma_wait3A_553] : memref<32x200x128xi32, #tpu.memory_space<hbm>> -> memref<1x200x128xi32, #tpu.memory_space<hbm>>
      %dma_wait3A_555 = tpu.memref_squeeze %dma_wait3A_554 : memref<1x200x128xi32, #tpu.memory_space<hbm>> -> memref<200x128xi32, #tpu.memory_space<hbm>>
      %dma_wait3A_556 = arith.constant 0 : i32
      %dma_wait3A_557 = arith.constant 0 : i32
      %dma_wait3A_558 = tpu.memref_slice %arg2[%add3A, %dma_wait3A_556, %dma_wait3A_557] : memref<32x200x128xi32, #tpu.memory_space<hbm>> -> memref<1x200x128xi32, #tpu.memory_space<hbm>>
      %dma_wait3A_559 = tpu.memref_squeeze %dma_wait3A_558 : memref<1x200x128xi32, #tpu.memory_space<hbm>> -> memref<200x128xi32, #tpu.memory_space<hbm>>
      tpu.wait_dma2 semaphore(%run_scoped3A : memref<!tpu.dma_semaphore, #tpu.memory_space<semaphore_mem>>) src(%dma_wait3A_559 : memref<200x128xi32, #tpu.memory_space<hbm>>) dst(%arg5 : memref<200x128xi32, #tpu.memory_space<vmem>>)
      tpu.yield
    }) : () -> ()
    %get3A = arith.constant 0 : i32
    %get3A_3 = arith.constant 0 : i32
    %get3A_4 = tpu.memref_slice %arg5[%get3A, %get3A_3] : memref<200x128xi32, #tpu.memory_space<vmem>> -> memref<1x128xi32, #tpu.memory_space<vmem>>
    %get3A_5 = tpu.memref_squeeze %get3A_4 : memref<1x128xi32, #tpu.memory_space<vmem>> -> memref<128xi32, #tpu.memory_space<vmem>>
    %get3A_6 = arith.constant 0 : index
    %get3A_7 = tpu.vector_load %get3A_5[%get3A_6] {strides = array<i32>} : memref<128xi32, #tpu.memory_space<vmem>>, vector<16xi32>,
    %get3A_8 = vector.shape_cast %get3A_7 : vector<16xi32> to vector<16xi32>
    %dma_start3A = arith.constant 0 : i32
    %dma_start3A_9 = arith.constant 0 : i32
    %dma_start3A_10 = arith.constant 0 : i32
    %dma_start3A_11 = tpu.memref_slice %arg6[%dma_start3A, %dma_start3A_9, %dma_start3A_10] : memref<4x128x64xf32, #tpu.memory_space<vmem>> -> memref<1x16x64xf32, #tpu.memory_space<vmem>>
    %dma_start3A_12 = tpu.memref_squeeze %dma_start3A_11 : memref<1x16x64xf32, #tpu.memory_space<vmem>> -> memref<16x64xf32, #tpu.memory_space<vmem>>
    %dma_start3A_13 = arith.constant 0 : i32
    %dma_start3A_14 = arith.constant 0 : i32
    %dma_start3A_15 = tpu.memref_slice %arg3[%dma_start3A_13, %dma_start3A_14] : memref<1000000x64xf32, #tpu.memory_space<hbm>> -> memref<1000000x64xf32, #tpu.memory_space<hbm>>
    tpu.enqueue_indirect_dma source(%dma_start3A_15 : memref<1000000x64xf32, #tpu.memory_space<hbm>>) target(%dma_start3A_12 : memref<16x64xf32, #tpu.memory_space<vmem>>) offsets(%get3A_8 : vector<16xi32>) semaphore(%arg8 : memref<!tpu.dma_semaphore, #tpu.memory_space<semaphore_mem>>)
    %get3A_16 = arith.constant 0 : i32
    %get3A_17 = arith.constant 0 : i32
    %get3A_18 = tpu.memref_slice %arg5[%get3A_16, %get3A_17] : memref<200x128xi32, #tpu.memory_space<vmem>> -> memref<1x128xi32, #tpu.memory_space<vmem>>
    %get3A_19 = tpu.memref_squeeze %get3A_18 : memref<1x128xi32, #tpu.memory_space<vmem>> -> memref<128xi32, #tpu.memory_space<vmem>>
    %get3A_20 = arith.constant 16 : index
    %get3A_21 = tpu.vector_load %get3A_19[%get3A_20] {strides = array<i32>} : memref<128xi32, #tpu.memory_space<vmem>>, vector<16xi32>,
    %get3A_22 = vector.shape_cast %get3A_21 : vector<16xi32> to vector<16xi32>
    %dma_start3A_23 = arith.constant 0 : i32
    %dma_start3A_24 = arith.constant 16 : i32
    %dma_start3A_25 = arith.constant 0 : i32
    %dma_start3A_26 = tpu.memref_slice %arg6[%dma_start3A_23, %dma_start3A_24, %dma_start3A_25] : memref<4x128x64xf32, #tpu.memory_space<vmem>> -> memref<1x16x64xf32, #tpu.memory_space<vmem>>
    %dma_start3A_27 = tpu.memref_squeeze %dma_start3A_26 : memref<1x16x64xf32, #tpu.memory_space<vmem>> -> memref<16x64xf32, #tpu.memory_space<vmem>>
    %dma_start3A_28 = arith.constant 0 : i32
    %dma_start3A_29 = arith.constant 0 : i32
    %dma_start3A_30 = tpu.memref_slice %arg3[%dma_start3A_28, %dma_start3A_29] : memref<1000000x64xf32, #tpu.memory_space<hbm>> -> memref<1000000x64xf32, #tpu.memory_space<hbm>>
    tpu.enqueue_indirect_dma source(%dma_start3A_30 : memref<1000000x64xf32, #tpu.memory_space<hbm>>) target(%dma_start3A_27 : memref<16x64xf32, #tpu.memory_space<vmem>>) offsets(%get3A_22 : vector<16xi32>) semaphore(%arg8 : memref<!tpu.dma_semaphore, #tpu.memory_space<semaphore_mem>>)
    %get3A_31 = arith.constant 0 : i32
    %get3A_32 = arith.constant 0 : i32
    %get3A_33 = tpu.memref_slice %arg5[%get3A_31, %get3A_32] : memref<200x128xi32, #tpu.memory_space<vmem>> -> memref<1x128xi32, #tpu.memory_space<vmem>>
    %get3A_34 = tpu.memref_squeeze %get3A_33 : memref<1x128xi32, #tpu.memory_space<vmem>> -> memref<128xi32, #tpu.memory_space<vmem>>
    %get3A_35 = arith.constant 32 : index
    %get3A_36 = tpu.vector_load %get3A_34[%get3A_35] {strides = array<i32>} : memref<128xi32, #tpu.memory_space<vmem>>, vector<16xi32>,
    %get3A_37 = vector.shape_cast %get3A_36 : vector<16xi32> to vector<16xi32>
    %dma_start3A_38 = arith.constant 0 : i32
    %dma_start3A_39 = arith.constant 32 : i32
    %dma_start3A_40 = arith.constant 0 : i32
    %dma_start3A_41 = tpu.memref_slice %arg6[%dma_start3A_38, %dma_start3A_39, %dma_start3A_40] : memref<4x128x64xf32, #tpu.memory_space<vmem>> -> memref<1x16x64xf32, #tpu.memory_space<vmem>>
    %dma_start3A_42 = tpu.memref_squeeze %dma_start3A_41 : memref<1x16x64xf32, #tpu.memory_space<vmem>> -> memref<16x64xf32, #tpu.memory_space<vmem>>
    %dma_start3A_43 = arith.constant 0 : i32
    %dma_start3A_44 = arith.constant 0 : i32
    %dma_start3A_45 = tpu.memref_slice %arg3[%dma_start3A_43, %dma_start3A_44] : memref<1000000x64xf32, #tpu.memory_space<hbm>> -> memref<1000000x64xf32, #tpu.memory_space<hbm>>
    tpu.enqueue_indirect_dma source(%dma_start3A_45 : memref<1000000x64xf32, #tpu.memory_space<hbm>>) target(%dma_start3A_42 : memref<16x64xf32, #tpu.memory_space<vmem>>) offsets(%get3A_37 : vector<16xi32>) semaphore(%arg8 : memref<!tpu.dma_semaphore, #tpu.memory_space<semaphore_mem>>)
    %get3A_46 = arith.constant 0 : i32
    %get3A_47 = arith.constant 0 : i32
    %get3A_48 = tpu.memref_slice %arg5[%get3A_46, %get3A_47] : memref<200x128xi32, #tpu.memory_space<vmem>> -> memref<1x128xi32, #tpu.memory_space<vmem>>
    %get3A_49 = tpu.memref_squeeze %get3A_48 : memref<1x128xi32, #tpu.memory_space<vmem>> -> memref<128xi32, #tpu.memory_space<vmem>>
    %get3A_50 = arith.constant 48 : index
    %get3A_51 = tpu.vector_load %get3A_49[%get3A_50] {strides = array<i32>} : memref<128xi32, #tpu.memory_space<vmem>>, vector<16xi32>,
    %get3A_52 = vector.shape_cast %get3A_51 : vector<16xi32> to vector<16xi32>
    %dma_start3A_53 = arith.constant 0 : i32
    %dma_start3A_54 = arith.constant 48 : i32
    %dma_start3A_55 = arith.constant 0 : i32
    %dma_start3A_56 = tpu.memref_slice %arg6[%dma_start3A_53, %dma_start3A_54, %dma_start3A_55] : memref<4x128x64xf32, #tpu.memory_space<vmem>> -> memref<1x16x64xf32, #tpu.memory_space<vmem>>
    %dma_start3A_57 = tpu.memref_squeeze %dma_start3A_56 : memref<1x16x64xf32, #tpu.memory_space<vmem>> -> memref<16x64xf32, #tpu.memory_space<vmem>>
    %dma_start3A_58 = arith.constant 0 : i32
    %dma_start3A_59 = arith.constant 0 : i32
    %dma_start3A_60 = tpu.memref_slice %arg3[%dma_start3A_58, %dma_start3A_59] : memref<1000000x64xf32, #tpu.memory_space<hbm>> -> memref<1000000x64xf32, #tpu.memory_space<hbm>>
    tpu.enqueue_indirect_dma source(%dma_start3A_60 : memref<1000000x64xf32, #tpu.memory_space<hbm>>) target(%dma_start3A_57 : memref<16x64xf32, #tpu.memory_space<vmem>>) offsets(%get3A_52 : vector<16xi32>) semaphore(%arg8 : memref<!tpu.dma_semaphore, #tpu.memory_space<semaphore_mem>>)
    %get3A_61 = arith.constant 0 : i32
    %get3A_62 = arith.constant 0 : i32
    %get3A_63 = tpu.memref_slice %arg5[%get3A_61, %get3A_62] : memref<200x128xi32, #tpu.memory_space<vmem>> -> memref<1x128xi32, #tpu.memory_space<vmem>>
    %get3A_64 = tpu.memref_squeeze %get3A_63 : memref<1x128xi32, #tpu.memory_space<vmem>> -> memref<128xi32, #tpu.memory_space<vmem>>
    %get3A_65 = arith.constant 64 : index
    %get3A_66 = tpu.vector_load %get3A_64[%get3A_65] {strides = array<i32>} : memref<128xi32, #tpu.memory_space<vmem>>, vector<16xi32>,
    %get3A_67 = vector.shape_cast %get3A_66 : vector<16xi32> to vector<16xi32>
    %dma_start3A_68 = arith.constant 0 : i32
    %dma_start3A_69 = arith.constant 64 : i32
    %dma_start3A_70 = arith.constant 0 : i32
    %dma_start3A_71 = tpu.memref_slice %arg6[%dma_start3A_68, %dma_start3A_69, %dma_start3A_70] : memref<4x128x64xf32, #tpu.memory_space<vmem>> -> memref<1x16x64xf32, #tpu.memory_space<vmem>>
    %dma_start3A_72 = tpu.memref_squeeze %dma_start3A_71 : memref<1x16x64xf32, #tpu.memory_space<vmem>> -> memref<16x64xf32, #tpu.memory_space<vmem>>
    %dma_start3A_73 = arith.constant 0 : i32
    %dma_start3A_74 = arith.constant 0 : i32
    %dma_start3A_75 = tpu.memref_slice %arg3[%dma_start3A_73, %dma_start3A_74] : memref<1000000x64xf32, #tpu.memory_space<hbm>> -> memref<1000000x64xf32, #tpu.memory_space<hbm>>
    tpu.enqueue_indirect_dma source(%dma_start3A_75 : memref<1000000x64xf32, #tpu.memory_space<hbm>>) target(%dma_start3A_72 : memref<16x64xf32, #tpu.memory_space<vmem>>) offsets(%get3A_67 : vector<16xi32>) semaphore(%arg8 : memref<!tpu.dma_semaphore, #tpu.memory_space<semaphore_mem>>)
    %get3A_76 = arith.constant 0 : i32
    %get3A_77 = arith.constant 0 : i32
    %get3A_78 = tpu.memref_slice %arg5[%get3A_76, %get3A_77] : memref<200x128xi32, #tpu.memory_space<vmem>> -> memref<1x128xi32, #tpu.memory_space<vmem>>
    %get3A_79 = tpu.memref_squeeze %get3A_78 : memref<1x128xi32, #tpu.memory_space<vmem>> -> memref<128xi32, #tpu.memory_space<vmem>>
    %get3A_80 = arith.constant 80 : index
    %get3A_81 = tpu.vector_load %get3A_79[%get3A_80] {strides = array<i32>} : memref<128xi32, #tpu.memory_space<vmem>>, vector<16xi32>,
    %get3A_82 = vector.shape_cast %get3A_81 : vector<16xi32> to vector<16xi32>
    %dma_start3A_83 = arith.constant 0 : i32
    %dma_start3A_84 = arith.constant 80 : i32
    %dma_start3A_85 = arith.constant 0 : i32
    %dma_start3A_86 = tpu.memref_slice %arg6[%dma_start3A_83, %dma_start3A_84, %dma_start3A_85] : memref<4x128x64xf32, #tpu.memory_space<vmem>> -> memref<1x16x64xf32, #tpu.memory_space<vmem>>
    %dma_start3A_87 = tpu.memref_squeeze %dma_start3A_86 : memref<1x16x64xf32, #tpu.memory_space<vmem>> -> memref<16x64xf32, #tpu.memory_space<vmem>>
    %dma_start3A_88 = arith.constant 0 : i32
    %dma_start3A_89 = arith.constant 0 : i32
    %dma_start3A_90 = tpu.memref_slice %arg3[%dma_start3A_88, %dma_start3A_89] : memref<1000000x64xf32, #tpu.memory_space<hbm>> -> memref<1000000x64xf32, #tpu.memory_space<hbm>>
    tpu.enqueue_indirect_dma source(%dma_start3A_90 : memref<1000000x64xf32, #tpu.memory_space<hbm>>) target(%dma_start3A_87 : memref<16x64xf32, #tpu.memory_space<vmem>>) offsets(%get3A_82 : vector<16xi32>) semaphore(%arg8 : memref<!tpu.dma_semaphore, #tpu.memory_space<semaphore_mem>>)
    %get3A_91 = arith.constant 0 : i32
    %get3A_92 = arith.constant 0 : i32
    %get3A_93 = tpu.memref_slice %arg5[%get3A_91, %get3A_92] : memref<200x128xi32, #tpu.memory_space<vmem>> -> memref<1x128xi32, #tpu.memory_space<vmem>>
    %get3A_94 = tpu.memref_squeeze %get3A_93 : memref<1x128xi32, #tpu.memory_space<vmem>> -> memref<128xi32, #tpu.memory_space<vmem>>
    %get3A_95 = arith.constant 96 : index
    %get3A_96 = tpu.vector_load %get3A_94[%get3A_95] {strides = array<i32>} : memref<128xi32, #tpu.memory_space<vmem>>, vector<16xi32>,
    %get3A_97 = vector.shape_cast %get3A_96 : vector<16xi32> to vector<16xi32>
    %dma_start3A_98 = arith.constant 0 : i32
    %dma_start3A_99 = arith.constant 96 : i32
    %dma_start3A_100 = arith.constant 0 : i32
    %dma_start3A_101 = tpu.memref_slice %arg6[%dma_start3A_98, %dma_start3A_99, %dma_start3A_100] : memref<4x128x64xf32, #tpu.memory_space<vmem>> -> memref<1x16x64xf32, #tpu.memory_space<vmem>>
    %dma_start3A_102 = tpu.memref_squeeze %dma_start3A_101 : memref<1x16x64xf32, #tpu.memory_space<vmem>> -> memref<16x64xf32, #tpu.memory_space<vmem>>
    %dma_start3A_103 = arith.constant 0 : i32
    %dma_start3A_104 = arith.constant 0 : i32
    %dma_start3A_105 = tpu.memref_slice %arg3[%dma_start3A_103, %dma_start3A_104] : memref<1000000x64xf32, #tpu.memory_space<hbm>> -> memref<1000000x64xf32, #tpu.memory_space<hbm>>
    tpu.enqueue_indirect_dma source(%dma_start3A_105 : memref<1000000x64xf32, #tpu.memory_space<hbm>>) target(%dma_start3A_102 : memref<16x64xf32, #tpu.memory_space<vmem>>) offsets(%get3A_97 : vector<16xi32>) semaphore(%arg8 : memref<!tpu.dma_semaphore, #tpu.memory_space<semaphore_mem>>)
    %get3A_106 = arith.constant 0 : i32
    %get3A_107 = arith.constant 0 : i32
    %get3A_108 = tpu.memref_slice %arg5[%get3A_106, %get3A_107] : memref<200x128xi32, #tpu.memory_space<vmem>> -> memref<1x128xi32, #tpu.memory_space<vmem>>
    %get3A_109 = tpu.memref_squeeze %get3A_108 : memref<1x128xi32, #tpu.memory_space<vmem>> -> memref<128xi32, #tpu.memory_space<vmem>>
    %get3A_110 = arith.constant 112 : index
    %get3A_111 = tpu.vector_load %get3A_109[%get3A_110] {strides = array<i32>} : memref<128xi32, #tpu.memory_space<vmem>>, vector<16xi32>,
    %get3A_112 = vector.shape_cast %get3A_111 : vector<16xi32> to vector<16xi32>
    %dma_start3A_113 = arith.constant 0 : i32
    %dma_start3A_114 = arith.constant 112 : i32
    %dma_start3A_115 = arith.constant 0 : i32
    %dma_start3A_116 = tpu.memref_slice %arg6[%dma_start3A_113, %dma_start3A_114, %dma_start3A_115] : memref<4x128x64xf32, #tpu.memory_space<vmem>> -> memref<1x16x64xf32, #tpu.memory_space<vmem>>
    %dma_start3A_117 = tpu.memref_squeeze %dma_start3A_116 : memref<1x16x64xf32, #tpu.memory_space<vmem>> -> memref<16x64xf32, #tpu.memory_space<vmem>>
    %dma_start3A_118 = arith.constant 0 : i32
    %dma_start3A_119 = arith.constant 0 : i32
    %dma_start3A_120 = tpu.memref_slice %arg3[%dma_start3A_118, %dma_start3A_119] : memref<1000000x64xf32, #tpu.memory_space<hbm>> -> memref<1000000x64xf32, #tpu.memory_space<hbm>>
    tpu.enqueue_indirect_dma source(%dma_start3A_120 : memref<1000000x64xf32, #tpu.memory_space<hbm>>) target(%dma_start3A_117 : memref<16x64xf32, #tpu.memory_space<vmem>>) offsets(%get3A_112 : vector<16xi32>) semaphore(%arg8 : memref<!tpu.dma_semaphore, #tpu.memory_space<semaphore_mem>>)
    %get3A_121 = arith.constant 1 : i32
    %get3A_122 = arith.constant 0 : i32
    %get3A_123 = tpu.memref_slice %arg5[%get3A_121, %get3A_122] : memref<200x128xi32, #tpu.memory_space<vmem>> -> memref<1x128xi32, #tpu.memory_space<vmem>>
    %get3A_124 = tpu.memref_squeeze %get3A_123 : memref<1x128xi32, #tpu.memory_space<vmem>> -> memref<128xi32, #tpu.memory_space<vmem>>
    %get3A_125 = arith.constant 0 : index
    %get3A_126 = tpu.vector_load %get3A_124[%get3A_125] {strides = array<i32>} : memref<128xi32, #tpu.memory_space<vmem>>, vector<16xi32>,
    %get3A_127 = vector.shape_cast %get3A_126 : vector<16xi32> to vector<16xi32>
    %dma_start3A_128 = arith.constant 1 : i32
    %dma_start3A_129 = arith.constant 0 : i32
    %dma_start3A_130 = arith.constant 0 : i32
    %dma_start3A_131 = tpu.memref_slice %arg6[%dma_start3A_128, %dma_start3A_129, %dma_start3A_130] : memref<4x128x64xf32, #tpu.memory_space<vmem>> -> memref<1x16x64xf32, #tpu.memory_space<vmem>>
    %dma_start3A_132 = tpu.memref_squeeze %dma_start3A_131 : memref<1x16x64xf32, #tpu.memory_space<vmem>> -> memref<16x64xf32, #tpu.memory_space<vmem>>
    %dma_start3A_133 = arith.constant 0 : i32
    %dma_start3A_134 = arith.constant 0 : i32
    %dma_start3A_135 = tpu.memref_slice %arg3[%dma_start3A_133, %dma_start3A_134] : memref<1000000x64xf32, #tpu.memory_space<hbm>> -> memref<1000000x64xf32, #tpu.memory_space<hbm>>
    tpu.enqueue_indirect_dma source(%dma_start3A_135 : memref<1000000x64xf32, #tpu.memory_space<hbm>>) target(%dma_start3A_132 : memref<16x64xf32, #tpu.memory_space<vmem>>) offsets(%get3A_127 : vector<16xi32>) semaphore(%arg9 : memref<!tpu.dma_semaphore, #tpu.memory_space<semaphore_mem>>)
    %get3A_136 = arith.constant 1 : i32
    %get3A_137 = arith.constant 0 : i32
    %get3A_138 = tpu.memref_slice %arg5[%get3A_136, %get3A_137] : memref<200x128xi32, #tpu.memory_space<vmem>> -> memref<1x128xi32, #tpu.memory_space<vmem>>
    %get3A_139 = tpu.memref_squeeze %get3A_138 : memref<1x128xi32, #tpu.memory_space<vmem>> -> memref<128xi32, #tpu.memory_space<vmem>>
    %get3A_140 = arith.constant 16 : index
    %get3A_141 = tpu.vector_load %get3A_139[%get3A_140] {strides = array<i32>} : memref<128xi32, #tpu.memory_space<vmem>>, vector<16xi32>,
    %get3A_142 = vector.shape_cast %get3A_141 : vector<16xi32> to vector<16xi32>
    %dma_start3A_143 = arith.constant 1 : i32
    %dma_start3A_144 = arith.constant 16 : i32
    %dma_start3A_145 = arith.constant 0 : i32
    %dma_start3A_146 = tpu.memref_slice %arg6[%dma_start3A_143, %dma_start3A_144, %dma_start3A_145] : memref<4x128x64xf32, #tpu.memory_space<vmem>> -> memref<1x16x64xf32, #tpu.memory_space<vmem>>
    %dma_start3A_147 = tpu.memref_squeeze %dma_start3A_146 : memref<1x16x64xf32, #tpu.memory_space<vmem>> -> memref<16x64xf32, #tpu.memory_space<vmem>>
    %dma_start3A_148 = arith.constant 0 : i32
    %dma_start3A_149 = arith.constant 0 : i32
    %dma_start3A_150 = tpu.memref_slice %arg3[%dma_start3A_148, %dma_start3A_149] : memref<1000000x64xf32, #tpu.memory_space<hbm>> -> memref<1000000x64xf32, #tpu.memory_space<hbm>>
    tpu.enqueue_indirect_dma source(%dma_start3A_150 : memref<1000000x64xf32, #tpu.memory_space<hbm>>) target(%dma_start3A_147 : memref<16x64xf32, #tpu.memory_space<vmem>>) offsets(%get3A_142 : vector<16xi32>) semaphore(%arg9 : memref<!tpu.dma_semaphore, #tpu.memory_space<semaphore_mem>>)
    %get3A_151 = arith.constant 1 : i32
    %get3A_152 = arith.constant 0 : i32
    %get3A_153 = tpu.memref_slice %arg5[%get3A_151, %get3A_152] : memref<200x128xi32, #tpu.memory_space<vmem>> -> memref<1x128xi32, #tpu.memory_space<vmem>>
    %get3A_154 = tpu.memref_squeeze %get3A_153 : memref<1x128xi32, #tpu.memory_space<vmem>> -> memref<128xi32, #tpu.memory_space<vmem>>
    %get3A_155 = arith.constant 32 : index
    %get3A_156 = tpu.vector_load %get3A_154[%get3A_155] {strides = array<i32>} : memref<128xi32, #tpu.memory_space<vmem>>, vector<16xi32>,
    %get3A_157 = vector.shape_cast %get3A_156 : vector<16xi32> to vector<16xi32>
    %dma_start3A_158 = arith.constant 1 : i32
    %dma_start3A_159 = arith.constant 32 : i32
    %dma_start3A_160 = arith.constant 0 : i32
    %dma_start3A_161 = tpu.memref_slice %arg6[%dma_start3A_158, %dma_start3A_159, %dma_start3A_160] : memref<4x128x64xf32, #tpu.memory_space<vmem>> -> memref<1x16x64xf32, #tpu.memory_space<vmem>>
    %dma_start3A_162 = tpu.memref_squeeze %dma_start3A_161 : memref<1x16x64xf32, #tpu.memory_space<vmem>> -> memref<16x64xf32, #tpu.memory_space<vmem>>
    %dma_start3A_163 = arith.constant 0 : i32
    %dma_start3A_164 = arith.constant 0 : i32
    %dma_start3A_165 = tpu.memref_slice %arg3[%dma_start3A_163, %dma_start3A_164] : memref<1000000x64xf32, #tpu.memory_space<hbm>> -> memref<1000000x64xf32, #tpu.memory_space<hbm>>
    tpu.enqueue_indirect_dma source(%dma_start3A_165 : memref<1000000x64xf32, #tpu.memory_space<hbm>>) target(%dma_start3A_162 : memref<16x64xf32, #tpu.memory_space<vmem>>) offsets(%get3A_157 : vector<16xi32>) semaphore(%arg9 : memref<!tpu.dma_semaphore, #tpu.memory_space<semaphore_mem>>)
    %get3A_166 = arith.constant 1 : i32
    %get3A_167 = arith.constant 0 : i32
    %get3A_168 = tpu.memref_slice %arg5[%get3A_166, %get3A_167] : memref<200x128xi32, #tpu.memory_space<vmem>> -> memref<1x128xi32, #tpu.memory_space<vmem>>
    %get3A_169 = tpu.memref_squeeze %get3A_168 : memref<1x128xi32, #tpu.memory_space<vmem>> -> memref<128xi32, #tpu.memory_space<vmem>>
    %get3A_170 = arith.constant 48 : index
    %get3A_171 = tpu.vector_load %get3A_169[%get3A_170] {strides = array<i32>} : memref<128xi32, #tpu.memory_space<vmem>>, vector<16xi32>,
    %get3A_172 = vector.shape_cast %get3A_171 : vector<16xi32> to vector<16xi32>
    %dma_start3A_173 = arith.constant 1 : i32
    %dma_start3A_174 = arith.constant 48 : i32
    %dma_start3A_175 = arith.constant 0 : i32
    %dma_start3A_176 = tpu.memref_slice %arg6[%dma_start3A_173, %dma_start3A_174, %dma_start3A_175] : memref<4x128x64xf32, #tpu.memory_space<vmem>> -> memref<1x16x64xf32, #tpu.memory_space<vmem>>
    %dma_start3A_177 = tpu.memref_squeeze %dma_start3A_176 : memref<1x16x64xf32, #tpu.memory_space<vmem>> -> memref<16x64xf32, #tpu.memory_space<vmem>>
    %dma_start3A_178 = arith.constant 0 : i32
    %dma_start3A_179 = arith.constant 0 : i32
    %dma_start3A_180 = tpu.memref_slice %arg3[%dma_start3A_178, %dma_start3A_179] : memref<1000000x64xf32, #tpu.memory_space<hbm>> -> memref<1000000x64xf32, #tpu.memory_space<hbm>>
    tpu.enqueue_indirect_dma source(%dma_start3A_180 : memref<1000000x64xf32, #tpu.memory_space<hbm>>) target(%dma_start3A_177 : memref<16x64xf32, #tpu.memory_space<vmem>>) offsets(%get3A_172 : vector<16xi32>) semaphore(%arg9 : memref<!tpu.dma_semaphore, #tpu.memory_space<semaphore_mem>>)
    %get3A_181 = arith.constant 1 : i32
    %get3A_182 = arith.constant 0 : i32
    %get3A_183 = tpu.memref_slice %arg5[%get3A_181, %get3A_182] : memref<200x128xi32, #tpu.memory_space<vmem>> -> memref<1x128xi32, #tpu.memory_space<vmem>>
    %get3A_184 = tpu.memref_squeeze %get3A_183 : memref<1x128xi32, #tpu.memory_space<vmem>> -> memref<128xi32, #tpu.memory_space<vmem>>
    %get3A_185 = arith.constant 64 : index
    %get3A_186 = tpu.vector_load %get3A_184[%get3A_185] {strides = array<i32>} : memref<128xi32, #tpu.memory_space<vmem>>, vector<16xi32>,
    %get3A_187 = vector.shape_cast %get3A_186 : vector<16xi32> to vector<16xi32>
    %dma_start3A_188 = arith.constant 1 : i32
    %dma_start3A_189 = arith.constant 64 : i32
    %dma_start3A_190 = arith.constant 0 : i32
    %dma_start3A_191 = tpu.memref_slice %arg6[%dma_start3A_188, %dma_start3A_189, %dma_start3A_190] : memref<4x128x64xf32, #tpu.memory_space<vmem>> -> memref<1x16x64xf32, #tpu.memory_space<vmem>>
    %dma_start3A_192 = tpu.memref_squeeze %dma_start3A_191 : memref<1x16x64xf32, #tpu.memory_space<vmem>> -> memref<16x64xf32, #tpu.memory_space<vmem>>
    %dma_start3A_193 = arith.constant 0 : i32
    %dma_start3A_194 = arith.constant 0 : i32
    %dma_start3A_195 = tpu.memref_slice %arg3[%dma_start3A_193, %dma_start3A_194] : memref<1000000x64xf32, #tpu.memory_space<hbm>> -> memref<1000000x64xf32, #tpu.memory_space<hbm>>
    tpu.enqueue_indirect_dma source(%dma_start3A_195 : memref<1000000x64xf32, #tpu.memory_space<hbm>>) target(%dma_start3A_192 : memref<16x64xf32, #tpu.memory_space<vmem>>) offsets(%get3A_187 : vector<16xi32>) semaphore(%arg9 : memref<!tpu.dma_semaphore, #tpu.memory_space<semaphore_mem>>)
    %get3A_196 = arith.constant 1 : i32
    %get3A_197 = arith.constant 0 : i32
    %get3A_198 = tpu.memref_slice %arg5[%get3A_196, %get3A_197] : memref<200x128xi32, #tpu.memory_space<vmem>> -> memref<1x128xi32, #tpu.memory_space<vmem>>
    %get3A_199 = tpu.memref_squeeze %get3A_198 : memref<1x128xi32, #tpu.memory_space<vmem>> -> memref<128xi32, #tpu.memory_space<vmem>>
    %get3A_200 = arith.constant 80 : index
    %get3A_201 = tpu.vector_load %get3A_199[%get3A_200] {strides = array<i32>} : memref<128xi32, #tpu.memory_space<vmem>>, vector<16xi32>,
    %get3A_202 = vector.shape_cast %get3A_201 : vector<16xi32> to vector<16xi32>
    %dma_start3A_203 = arith.constant 1 : i32
    %dma_start3A_204 = arith.constant 80 : i32
    %dma_start3A_205 = arith.constant 0 : i32
    %dma_start3A_206 = tpu.memref_slice %arg6[%dma_start3A_203, %dma_start3A_204, %dma_start3A_205] : memref<4x128x64xf32, #tpu.memory_space<vmem>> -> memref<1x16x64xf32, #tpu.memory_space<vmem>>
    %dma_start3A_207 = tpu.memref_squeeze %dma_start3A_206 : memref<1x16x64xf32, #tpu.memory_space<vmem>> -> memref<16x64xf32, #tpu.memory_space<vmem>>
    %dma_start3A_208 = arith.constant 0 : i32
    %dma_start3A_209 = arith.constant 0 : i32
    %dma_start3A_210 = tpu.memref_slice %arg3[%dma_start3A_208, %dma_start3A_209] : memref<1000000x64xf32, #tpu.memory_space<hbm>> -> memref<1000000x64xf32, #tpu.memory_space<hbm>>
    tpu.enqueue_indirect_dma source(%dma_start3A_210 : memref<1000000x64xf32, #tpu.memory_space<hbm>>) target(%dma_start3A_207 : memref<16x64xf32, #tpu.memory_space<vmem>>) offsets(%get3A_202 : vector<16xi32>) semaphore(%arg9 : memref<!tpu.dma_semaphore, #tpu.memory_space<semaphore_mem>>)
    %get3A_211 = arith.constant 1 : i32
    %get3A_212 = arith.constant 0 : i32
    %get3A_213 = tpu.memref_slice %arg5[%get3A_211, %get3A_212] : memref<200x128xi32, #tpu.memory_space<vmem>> -> memref<1x128xi32, #tpu.memory_space<vmem>>
    %get3A_214 = tpu.memref_squeeze %get3A_213 : memref<1x128xi32, #tpu.memory_space<vmem>> -> memref<128xi32, #tpu.memory_space<vmem>>
    %get3A_215 = arith.constant 96 : index
    %get3A_216 = tpu.vector_load %get3A_214[%get3A_215] {strides = array<i32>} : memref<128xi32, #tpu.memory_space<vmem>>, vector<16xi32>,
    %get3A_217 = vector.shape_cast %get3A_216 : vector<16xi32> to vector<16xi32>
    %dma_start3A_218 = arith.constant 1 : i32
    %dma_start3A_219 = arith.constant 96 : i32
    %dma_start3A_220 = arith.constant 0 : i32
    %dma_start3A_221 = tpu.memref_slice %arg6[%dma_start3A_218, %dma_start3A_219, %dma_start3A_220] : memref<4x128x64xf32, #tpu.memory_space<vmem>> -> memref<1x16x64xf32, #tpu.memory_space<vmem>>
    %dma_start3A_222 = tpu.memref_squeeze %dma_start3A_221 : memref<1x16x64xf32, #tpu.memory_space<vmem>> -> memref<16x64xf32, #tpu.memory_space<vmem>>
    %dma_start3A_223 = arith.constant 0 : i32
    %dma_start3A_224 = arith.constant 0 : i32
    %dma_start3A_225 = tpu.memref_slice %arg3[%dma_start3A_223, %dma_start3A_224] : memref<1000000x64xf32, #tpu.memory_space<hbm>> -> memref<1000000x64xf32, #tpu.memory_space<hbm>>
    tpu.enqueue_indirect_dma source(%dma_start3A_225 : memref<1000000x64xf32, #tpu.memory_space<hbm>>) target(%dma_start3A_222 : memref<16x64xf32, #tpu.memory_space<vmem>>) offsets(%get3A_217 : vector<16xi32>) semaphore(%arg9 : memref<!tpu.dma_semaphore, #tpu.memory_space<semaphore_mem>>)
    %get3A_226 = arith.constant 1 : i32
    %get3A_227 = arith.constant 0 : i32
    %get3A_228 = tpu.memref_slice %arg5[%get3A_226, %get3A_227] : memref<200x128xi32, #tpu.memory_space<vmem>> -> memref<1x128xi32, #tpu.memory_space<vmem>>
    %get3A_229 = tpu.memref_squeeze %get3A_228 : memref<1x128xi32, #tpu.memory_space<vmem>> -> memref<128xi32, #tpu.memory_space<vmem>>
    %get3A_230 = arith.constant 112 : index
    %get3A_231 = tpu.vector_load %get3A_229[%get3A_230] {strides = array<i32>} : memref<128xi32, #tpu.memory_space<vmem>>, vector<16xi32>,
    %get3A_232 = vector.shape_cast %get3A_231 : vector<16xi32> to vector<16xi32>
    %dma_start3A_233 = arith.constant 1 : i32
    %dma_start3A_234 = arith.constant 112 : i32
    %dma_start3A_235 = arith.constant 0 : i32
    %dma_start3A_236 = tpu.memref_slice %arg6[%dma_start3A_233, %dma_start3A_234, %dma_start3A_235] : memref<4x128x64xf32, #tpu.memory_space<vmem>> -> memref<1x16x64xf32, #tpu.memory_space<vmem>>
    %dma_start3A_237 = tpu.memref_squeeze %dma_start3A_236 : memref<1x16x64xf32, #tpu.memory_space<vmem>> -> memref<16x64xf32, #tpu.memory_space<vmem>>
    %dma_start3A_238 = arith.constant 0 : i32
    %dma_start3A_239 = arith.constant 0 : i32
    %dma_start3A_240 = tpu.memref_slice %arg3[%dma_start3A_238, %dma_start3A_239] : memref<1000000x64xf32, #tpu.memory_space<hbm>> -> memref<1000000x64xf32, #tpu.memory_space<hbm>>
    tpu.enqueue_indirect_dma source(%dma_start3A_240 : memref<1000000x64xf32, #tpu.memory_space<hbm>>) target(%dma_start3A_237 : memref<16x64xf32, #tpu.memory_space<vmem>>) offsets(%get3A_232 : vector<16xi32>) semaphore(%arg9 : memref<!tpu.dma_semaphore, #tpu.memory_space<semaphore_mem>>)
    %get3A_241 = arith.constant 2 : i32
    %get3A_242 = arith.constant 0 : i32
    %get3A_243 = tpu.memref_slice %arg5[%get3A_241, %get3A_242] : memref<200x128xi32, #tpu.memory_space<vmem>> -> memref<1x128xi32, #tpu.memory_space<vmem>>
    %get3A_244 = tpu.memref_squeeze %get3A_243 : memref<1x128xi32, #tpu.memory_space<vmem>> -> memref<128xi32, #tpu.memory_space<vmem>>
    %get3A_245 = arith.constant 0 : index
    %get3A_246 = tpu.vector_load %get3A_244[%get3A_245] {strides = array<i32>} : memref<128xi32, #tpu.memory_space<vmem>>, vector<16xi32>,
    %get3A_247 = vector.shape_cast %get3A_246 : vector<16xi32> to vector<16xi32>
    %dma_start3A_248 = arith.constant 2 : i32
    %dma_start3A_249 = arith.constant 0 : i32
    %dma_start3A_250 = arith.constant 0 : i32
    %dma_start3A_251 = tpu.memref_slice %arg6[%dma_start3A_248, %dma_start3A_249, %dma_start3A_250] : memref<4x128x64xf32, #tpu.memory_space<vmem>> -> memref<1x16x64xf32, #tpu.memory_space<vmem>>
    %dma_start3A_252 = tpu.memref_squeeze %dma_start3A_251 : memref<1x16x64xf32, #tpu.memory_space<vmem>> -> memref<16x64xf32, #tpu.memory_space<vmem>>
    %dma_start3A_253 = arith.constant 0 : i32
    %dma_start3A_254 = arith.constant 0 : i32
    %dma_start3A_255 = tpu.memref_slice %arg3[%dma_start3A_253, %dma_start3A_254] : memref<1000000x64xf32, #tpu.memory_space<hbm>> -> memref<1000000x64xf32, #tpu.memory_space<hbm>>
    tpu.enqueue_indirect_dma source(%dma_start3A_255 : memref<1000000x64xf32, #tpu.memory_space<hbm>>) target(%dma_start3A_252 : memref<16x64xf32, #tpu.memory_space<vmem>>) offsets(%get3A_247 : vector<16xi32>) semaphore(%arg10 : memref<!tpu.dma_semaphore, #tpu.memory_space<semaphore_mem>>)
    %get3A_256 = arith.constant 2 : i32
    %get3A_257 = arith.constant 0 : i32
    %get3A_258 = tpu.memref_slice %arg5[%get3A_256, %get3A_257] : memref<200x128xi32, #tpu.memory_space<vmem>> -> memref<1x128xi32, #tpu.memory_space<vmem>>
    %get3A_259 = tpu.memref_squeeze %get3A_258 : memref<1x128xi32, #tpu.memory_space<vmem>> -> memref<128xi32, #tpu.memory_space<vmem>>
    %get3A_260 = arith.constant 16 : index
    %get3A_261 = tpu.vector_load %get3A_259[%get3A_260] {strides = array<i32>} : memref<128xi32, #tpu.memory_space<vmem>>, vector<16xi32>,
    %get3A_262 = vector.shape_cast %get3A_261 : vector<16xi32> to vector<16xi32>
    %dma_start3A_263 = arith.constant 2 : i32
    %dma_start3A_264 = arith.constant 16 : i32
    %dma_start3A_265 = arith.constant 0 : i32
    %dma_start3A_266 = tpu.memref_slice %arg6[%dma_start3A_263, %dma_start3A_264, %dma_start3A_265] : memref<4x128x64xf32, #tpu.memory_space<vmem>> -> memref<1x16x64xf32, #tpu.memory_space<vmem>>
    %dma_start3A_267 = tpu.memref_squeeze %dma_start3A_266 : memref<1x16x64xf32, #tpu.memory_space<vmem>> -> memref<16x64xf32, #tpu.memory_space<vmem>>
    %dma_start3A_268 = arith.constant 0 : i32
    %dma_start3A_269 = arith.constant 0 : i32
    %dma_start3A_270 = tpu.memref_slice %arg3[%dma_start3A_268, %dma_start3A_269] : memref<1000000x64xf32, #tpu.memory_space<hbm>> -> memref<1000000x64xf32, #tpu.memory_space<hbm>>
    tpu.enqueue_indirect_dma source(%dma_start3A_270 : memref<1000000x64xf32, #tpu.memory_space<hbm>>) target(%dma_start3A_267 : memref<16x64xf32, #tpu.memory_space<vmem>>) offsets(%get3A_262 : vector<16xi32>) semaphore(%arg10 : memref<!tpu.dma_semaphore, #tpu.memory_space<semaphore_mem>>)
    %get3A_271 = arith.constant 2 : i32
    %get3A_272 = arith.constant 0 : i32
    %get3A_273 = tpu.memref_slice %arg5[%get3A_271, %get3A_272] : memref<200x128xi32, #tpu.memory_space<vmem>> -> memref<1x128xi32, #tpu.memory_space<vmem>>
    %get3A_274 = tpu.memref_squeeze %get3A_273 : memref<1x128xi32, #tpu.memory_space<vmem>> -> memref<128xi32, #tpu.memory_space<vmem>>
    %get3A_275 = arith.constant 32 : index
    %get3A_276 = tpu.vector_load %get3A_274[%get3A_275] {strides = array<i32>} : memref<128xi32, #tpu.memory_space<vmem>>, vector<16xi32>,
    %get3A_277 = vector.shape_cast %get3A_276 : vector<16xi32> to vector<16xi32>
    %dma_start3A_278 = arith.constant 2 : i32
    %dma_start3A_279 = arith.constant 32 : i32
    %dma_start3A_280 = arith.constant 0 : i32
    %dma_start3A_281 = tpu.memref_slice %arg6[%dma_start3A_278, %dma_start3A_279, %dma_start3A_280] : memref<4x128x64xf32, #tpu.memory_space<vmem>> -> memref<1x16x64xf32, #tpu.memory_space<vmem>>
    %dma_start3A_282 = tpu.memref_squeeze %dma_start3A_281 : memref<1x16x64xf32, #tpu.memory_space<vmem>> -> memref<16x64xf32, #tpu.memory_space<vmem>>
    %dma_start3A_283 = arith.constant 0 : i32
    %dma_start3A_284 = arith.constant 0 : i32
    %dma_start3A_285 = tpu.memref_slice %arg3[%dma_start3A_283, %dma_start3A_284] : memref<1000000x64xf32, #tpu.memory_space<hbm>> -> memref<1000000x64xf32, #tpu.memory_space<hbm>>
    tpu.enqueue_indirect_dma source(%dma_start3A_285 : memref<1000000x64xf32, #tpu.memory_space<hbm>>) target(%dma_start3A_282 : memref<16x64xf32, #tpu.memory_space<vmem>>) offsets(%get3A_277 : vector<16xi32>) semaphore(%arg10 : memref<!tpu.dma_semaphore, #tpu.memory_space<semaphore_mem>>)
    %get3A_286 = arith.constant 2 : i32
    %get3A_287 = arith.constant 0 : i32
    %get3A_288 = tpu.memref_slice %arg5[%get3A_286, %get3A_287] : memref<200x128xi32, #tpu.memory_space<vmem>> -> memref<1x128xi32, #tpu.memory_space<vmem>>
    %get3A_289 = tpu.memref_squeeze %get3A_288 : memref<1x128xi32, #tpu.memory_space<vmem>> -> memref<128xi32, #tpu.memory_space<vmem>>
    %get3A_290 = arith.constant 48 : index
    %get3A_291 = tpu.vector_load %get3A_289[%get3A_290] {strides = array<i32>} : memref<128xi32, #tpu.memory_space<vmem>>, vector<16xi32>,
    %get3A_292 = vector.shape_cast %get3A_291 : vector<16xi32> to vector<16xi32>
    %dma_start3A_293 = arith.constant 2 : i32
    %dma_start3A_294 = arith.constant 48 : i32
    %dma_start3A_295 = arith.constant 0 : i32
    %dma_start3A_296 = tpu.memref_slice %arg6[%dma_start3A_293, %dma_start3A_294, %dma_start3A_295] : memref<4x128x64xf32, #tpu.memory_space<vmem>> -> memref<1x16x64xf32, #tpu.memory_space<vmem>>
    %dma_start3A_297 = tpu.memref_squeeze %dma_start3A_296 : memref<1x16x64xf32, #tpu.memory_space<vmem>> -> memref<16x64xf32, #tpu.memory_space<vmem>>
    %dma_start3A_298 = arith.constant 0 : i32
    %dma_start3A_299 = arith.constant 0 : i32
    %dma_start3A_300 = tpu.memref_slice %arg3[%dma_start3A_298, %dma_start3A_299] : memref<1000000x64xf32, #tpu.memory_space<hbm>> -> memref<1000000x64xf32, #tpu.memory_space<hbm>>
    tpu.enqueue_indirect_dma source(%dma_start3A_300 : memref<1000000x64xf32, #tpu.memory_space<hbm>>) target(%dma_start3A_297 : memref<16x64xf32, #tpu.memory_space<vmem>>) offsets(%get3A_292 : vector<16xi32>) semaphore(%arg10 : memref<!tpu.dma_semaphore, #tpu.memory_space<semaphore_mem>>)
    %get3A_301 = arith.constant 2 : i32
    %get3A_302 = arith.constant 0 : i32
    %get3A_303 = tpu.memref_slice %arg5[%get3A_301, %get3A_302] : memref<200x128xi32, #tpu.memory_space<vmem>> -> memref<1x128xi32, #tpu.memory_space<vmem>>
    %get3A_304 = tpu.memref_squeeze %get3A_303 : memref<1x128xi32, #tpu.memory_space<vmem>> -> memref<128xi32, #tpu.memory_space<vmem>>
    %get3A_305 = arith.constant 64 : index
    %get3A_306 = tpu.vector_load %get3A_304[%get3A_305] {strides = array<i32>} : memref<128xi32, #tpu.memory_space<vmem>>, vector<16xi32>,
    %get3A_307 = vector.shape_cast %get3A_306 : vector<16xi32> to vector<16xi32>
    %dma_start3A_308 = arith.constant 2 : i32
    %dma_start3A_309 = arith.constant 64 : i32
    %dma_start3A_310 = arith.constant 0 : i32
    %dma_start3A_311 = tpu.memref_slice %arg6[%dma_start3A_308, %dma_start3A_309, %dma_start3A_310] : memref<4x128x64xf32, #tpu.memory_space<vmem>> -> memref<1x16x64xf32, #tpu.memory_space<vmem>>
    %dma_start3A_312 = tpu.memref_squeeze %dma_start3A_311 : memref<1x16x64xf32, #tpu.memory_space<vmem>> -> memref<16x64xf32, #tpu.memory_space<vmem>>
    %dma_start3A_313 = arith.constant 0 : i32
    %dma_start3A_314 = arith.constant 0 : i32
    %dma_start3A_315 = tpu.memref_slice %arg3[%dma_start3A_313, %dma_start3A_314] : memref<1000000x64xf32, #tpu.memory_space<hbm>> -> memref<1000000x64xf32, #tpu.memory_space<hbm>>
    tpu.enqueue_indirect_dma source(%dma_start3A_315 : memref<1000000x64xf32, #tpu.memory_space<hbm>>) target(%dma_start3A_312 : memref<16x64xf32, #tpu.memory_space<vmem>>) offsets(%get3A_307 : vector<16xi32>) semaphore(%arg10 : memref<!tpu.dma_semaphore, #tpu.memory_space<semaphore_mem>>)
    %get3A_316 = arith.constant 2 : i32
    %get3A_317 = arith.constant 0 : i32
    %get3A_318 = tpu.memref_slice %arg5[%get3A_316, %get3A_317] : memref<200x128xi32, #tpu.memory_space<vmem>> -> memref<1x128xi32, #tpu.memory_space<vmem>>
    %get3A_319 = tpu.memref_squeeze %get3A_318 : memref<1x128xi32, #tpu.memory_space<vmem>> -> memref<128xi32, #tpu.memory_space<vmem>>
    %get3A_320 = arith.constant 80 : index
    %get3A_321 = tpu.vector_load %get3A_319[%get3A_320] {strides = array<i32>} : memref<128xi32, #tpu.memory_space<vmem>>, vector<16xi32>,
    %get3A_322 = vector.shape_cast %get3A_321 : vector<16xi32> to vector<16xi32>
    %dma_start3A_323 = arith.constant 2 : i32
    %dma_start3A_324 = arith.constant 80 : i32
    %dma_start3A_325 = arith.constant 0 : i32
    %dma_start3A_326 = tpu.memref_slice %arg6[%dma_start3A_323, %dma_start3A_324, %dma_start3A_325] : memref<4x128x64xf32, #tpu.memory_space<vmem>> -> memref<1x16x64xf32, #tpu.memory_space<vmem>>
    %dma_start3A_327 = tpu.memref_squeeze %dma_start3A_326 : memref<1x16x64xf32, #tpu.memory_space<vmem>> -> memref<16x64xf32, #tpu.memory_space<vmem>>
    %dma_start3A_328 = arith.constant 0 : i32
    %dma_start3A_329 = arith.constant 0 : i32
    %dma_start3A_330 = tpu.memref_slice %arg3[%dma_start3A_328, %dma_start3A_329] : memref<1000000x64xf32, #tpu.memory_space<hbm>> -> memref<1000000x64xf32, #tpu.memory_space<hbm>>
    tpu.enqueue_indirect_dma source(%dma_start3A_330 : memref<1000000x64xf32, #tpu.memory_space<hbm>>) target(%dma_start3A_327 : memref<16x64xf32, #tpu.memory_space<vmem>>) offsets(%get3A_322 : vector<16xi32>) semaphore(%arg10 : memref<!tpu.dma_semaphore, #tpu.memory_space<semaphore_mem>>)
    %get3A_331 = arith.constant 2 : i32
    %get3A_332 = arith.constant 0 : i32
    %get3A_333 = tpu.memref_slice %arg5[%get3A_331, %get3A_332] : memref<200x128xi32, #tpu.memory_space<vmem>> -> memref<1x128xi32, #tpu.memory_space<vmem>>
    %get3A_334 = tpu.memref_squeeze %get3A_333 : memref<1x128xi32, #tpu.memory_space<vmem>> -> memref<128xi32, #tpu.memory_space<vmem>>
    %get3A_335 = arith.constant 96 : index
    %get3A_336 = tpu.vector_load %get3A_334[%get3A_335] {strides = array<i32>} : memref<128xi32, #tpu.memory_space<vmem>>, vector<16xi32>,
    %get3A_337 = vector.shape_cast %get3A_336 : vector<16xi32> to vector<16xi32>
    %dma_start3A_338 = arith.constant 2 : i32
    %dma_start3A_339 = arith.constant 96 : i32
    %dma_start3A_340 = arith.constant 0 : i32
    %dma_start3A_341 = tpu.memref_slice %arg6[%dma_start3A_338, %dma_start3A_339, %dma_start3A_340] : memref<4x128x64xf32, #tpu.memory_space<vmem>> -> memref<1x16x64xf32, #tpu.memory_space<vmem>>
    %dma_start3A_342 = tpu.memref_squeeze %dma_start3A_341 : memref<1x16x64xf32, #tpu.memory_space<vmem>> -> memref<16x64xf32, #tpu.memory_space<vmem>>
    %dma_start3A_343 = arith.constant 0 : i32
    %dma_start3A_344 = arith.constant 0 : i32
    %dma_start3A_345 = tpu.memref_slice %arg3[%dma_start3A_343, %dma_start3A_344] : memref<1000000x64xf32, #tpu.memory_space<hbm>> -> memref<1000000x64xf32, #tpu.memory_space<hbm>>
    tpu.enqueue_indirect_dma source(%dma_start3A_345 : memref<1000000x64xf32, #tpu.memory_space<hbm>>) target(%dma_start3A_342 : memref<16x64xf32, #tpu.memory_space<vmem>>) offsets(%get3A_337 : vector<16xi32>) semaphore(%arg10 : memref<!tpu.dma_semaphore, #tpu.memory_space<semaphore_mem>>)
    %get3A_346 = arith.constant 2 : i32
    %get3A_347 = arith.constant 0 : i32
    %get3A_348 = tpu.memref_slice %arg5[%get3A_346, %get3A_347] : memref<200x128xi32, #tpu.memory_space<vmem>> -> memref<1x128xi32, #tpu.memory_space<vmem>>
    %get3A_349 = tpu.memref_squeeze %get3A_348 : memref<1x128xi32, #tpu.memory_space<vmem>> -> memref<128xi32, #tpu.memory_space<vmem>>
    %get3A_350 = arith.constant 112 : index
    %get3A_351 = tpu.vector_load %get3A_349[%get3A_350] {strides = array<i32>} : memref<128xi32, #tpu.memory_space<vmem>>, vector<16xi32>,
    %get3A_352 = vector.shape_cast %get3A_351 : vector<16xi32> to vector<16xi32>
    %dma_start3A_353 = arith.constant 2 : i32
    %dma_start3A_354 = arith.constant 112 : i32
    %dma_start3A_355 = arith.constant 0 : i32
    %dma_start3A_356 = tpu.memref_slice %arg6[%dma_start3A_353, %dma_start3A_354, %dma_start3A_355] : memref<4x128x64xf32, #tpu.memory_space<vmem>> -> memref<1x16x64xf32, #tpu.memory_space<vmem>>
    %dma_start3A_357 = tpu.memref_squeeze %dma_start3A_356 : memref<1x16x64xf32, #tpu.memory_space<vmem>> -> memref<16x64xf32, #tpu.memory_space<vmem>>
    %dma_start3A_358 = arith.constant 0 : i32
    %dma_start3A_359 = arith.constant 0 : i32
    %dma_start3A_360 = tpu.memref_slice %arg3[%dma_start3A_358, %dma_start3A_359] : memref<1000000x64xf32, #tpu.memory_space<hbm>> -> memref<1000000x64xf32, #tpu.memory_space<hbm>>
    tpu.enqueue_indirect_dma source(%dma_start3A_360 : memref<1000000x64xf32, #tpu.memory_space<hbm>>) target(%dma_start3A_357 : memref<16x64xf32, #tpu.memory_space<vmem>>) offsets(%get3A_352 : vector<16xi32>) semaphore(%arg10 : memref<!tpu.dma_semaphore, #tpu.memory_space<semaphore_mem>>)
    %get3A_361 = arith.constant 3 : i32
    %get3A_362 = arith.constant 0 : i32
    %get3A_363 = tpu.memref_slice %arg5[%get3A_361, %get3A_362] : memref<200x128xi32, #tpu.memory_space<vmem>> -> memref<1x128xi32, #tpu.memory_space<vmem>>
    %get3A_364 = tpu.memref_squeeze %get3A_363 : memref<1x128xi32, #tpu.memory_space<vmem>> -> memref<128xi32, #tpu.memory_space<vmem>>
    %get3A_365 = arith.constant 0 : index
    %get3A_366 = tpu.vector_load %get3A_364[%get3A_365] {strides = array<i32>} : memref<128xi32, #tpu.memory_space<vmem>>, vector<16xi32>,
    %get3A_367 = vector.shape_cast %get3A_366 : vector<16xi32> to vector<16xi32>
    %dma_start3A_368 = arith.constant 3 : i32
    %dma_start3A_369 = arith.constant 0 : i32
    %dma_start3A_370 = arith.constant 0 : i32
    %dma_start3A_371 = tpu.memref_slice %arg6[%dma_start3A_368, %dma_start3A_369, %dma_start3A_370] : memref<4x128x64xf32, #tpu.memory_space<vmem>> -> memref<1x16x64xf32, #tpu.memory_space<vmem>>
    %dma_start3A_372 = tpu.memref_squeeze %dma_start3A_371 : memref<1x16x64xf32, #tpu.memory_space<vmem>> -> memref<16x64xf32, #tpu.memory_space<vmem>>
    %dma_start3A_373 = arith.constant 0 : i32
    %dma_start3A_374 = arith.constant 0 : i32
    %dma_start3A_375 = tpu.memref_slice %arg3[%dma_start3A_373, %dma_start3A_374] : memref<1000000x64xf32, #tpu.memory_space<hbm>> -> memref<1000000x64xf32, #tpu.memory_space<hbm>>
    tpu.enqueue_indirect_dma source(%dma_start3A_375 : memref<1000000x64xf32, #tpu.memory_space<hbm>>) target(%dma_start3A_372 : memref<16x64xf32, #tpu.memory_space<vmem>>) offsets(%get3A_367 : vector<16xi32>) semaphore(%arg11 : memref<!tpu.dma_semaphore, #tpu.memory_space<semaphore_mem>>)
    %get3A_376 = arith.constant 3 : i32
    %get3A_377 = arith.constant 0 : i32
    %get3A_378 = tpu.memref_slice %arg5[%get3A_376, %get3A_377] : memref<200x128xi32, #tpu.memory_space<vmem>> -> memref<1x128xi32, #tpu.memory_space<vmem>>
    %get3A_379 = tpu.memref_squeeze %get3A_378 : memref<1x128xi32, #tpu.memory_space<vmem>> -> memref<128xi32, #tpu.memory_space<vmem>>
    %get3A_380 = arith.constant 16 : index
    %get3A_381 = tpu.vector_load %get3A_379[%get3A_380] {strides = array<i32>} : memref<128xi32, #tpu.memory_space<vmem>>, vector<16xi32>,
    %get3A_382 = vector.shape_cast %get3A_381 : vector<16xi32> to vector<16xi32>
    %dma_start3A_383 = arith.constant 3 : i32
    %dma_start3A_384 = arith.constant 16 : i32
    %dma_start3A_385 = arith.constant 0 : i32
    %dma_start3A_386 = tpu.memref_slice %arg6[%dma_start3A_383, %dma_start3A_384, %dma_start3A_385] : memref<4x128x64xf32, #tpu.memory_space<vmem>> -> memref<1x16x64xf32, #tpu.memory_space<vmem>>
    %dma_start3A_387 = tpu.memref_squeeze %dma_start3A_386 : memref<1x16x64xf32, #tpu.memory_space<vmem>> -> memref<16x64xf32, #tpu.memory_space<vmem>>
    %dma_start3A_388 = arith.constant 0 : i32
    %dma_start3A_389 = arith.constant 0 : i32
    %dma_start3A_390 = tpu.memref_slice %arg3[%dma_start3A_388, %dma_start3A_389] : memref<1000000x64xf32, #tpu.memory_space<hbm>> -> memref<1000000x64xf32, #tpu.memory_space<hbm>>
    tpu.enqueue_indirect_dma source(%dma_start3A_390 : memref<1000000x64xf32, #tpu.memory_space<hbm>>) target(%dma_start3A_387 : memref<16x64xf32, #tpu.memory_space<vmem>>) offsets(%get3A_382 : vector<16xi32>) semaphore(%arg11 : memref<!tpu.dma_semaphore, #tpu.memory_space<semaphore_mem>>)
    %get3A_391 = arith.constant 3 : i32
    %get3A_392 = arith.constant 0 : i32
    %get3A_393 = tpu.memref_slice %arg5[%get3A_391, %get3A_392] : memref<200x128xi32, #tpu.memory_space<vmem>> -> memref<1x128xi32, #tpu.memory_space<vmem>>
    %get3A_394 = tpu.memref_squeeze %get3A_393 : memref<1x128xi32, #tpu.memory_space<vmem>> -> memref<128xi32, #tpu.memory_space<vmem>>
    %get3A_395 = arith.constant 32 : index
    %get3A_396 = tpu.vector_load %get3A_394[%get3A_395] {strides = array<i32>} : memref<128xi32, #tpu.memory_space<vmem>>, vector<16xi32>,
    %get3A_397 = vector.shape_cast %get3A_396 : vector<16xi32> to vector<16xi32>
    %dma_start3A_398 = arith.constant 3 : i32
    %dma_start3A_399 = arith.constant 32 : i32
    %dma_start3A_400 = arith.constant 0 : i32
    %dma_start3A_401 = tpu.memref_slice %arg6[%dma_start3A_398, %dma_start3A_399, %dma_start3A_400] : memref<4x128x64xf32, #tpu.memory_space<vmem>> -> memref<1x16x64xf32, #tpu.memory_space<vmem>>
    %dma_start3A_402 = tpu.memref_squeeze %dma_start3A_401 : memref<1x16x64xf32, #tpu.memory_space<vmem>> -> memref<16x64xf32, #tpu.memory_space<vmem>>
    %dma_start3A_403 = arith.constant 0 : i32
    %dma_start3A_404 = arith.constant 0 : i32
    %dma_start3A_405 = tpu.memref_slice %arg3[%dma_start3A_403, %dma_start3A_404] : memref<1000000x64xf32, #tpu.memory_space<hbm>> -> memref<1000000x64xf32, #tpu.memory_space<hbm>>
    tpu.enqueue_indirect_dma source(%dma_start3A_405 : memref<1000000x64xf32, #tpu.memory_space<hbm>>) target(%dma_start3A_402 : memref<16x64xf32, #tpu.memory_space<vmem>>) offsets(%get3A_397 : vector<16xi32>) semaphore(%arg11 : memref<!tpu.dma_semaphore, #tpu.memory_space<semaphore_mem>>)
    %get3A_406 = arith.constant 3 : i32
    %get3A_407 = arith.constant 0 : i32
    %get3A_408 = tpu.memref_slice %arg5[%get3A_406, %get3A_407] : memref<200x128xi32, #tpu.memory_space<vmem>> -> memref<1x128xi32, #tpu.memory_space<vmem>>
    %get3A_409 = tpu.memref_squeeze %get3A_408 : memref<1x128xi32, #tpu.memory_space<vmem>> -> memref<128xi32, #tpu.memory_space<vmem>>
    %get3A_410 = arith.constant 48 : index
    %get3A_411 = tpu.vector_load %get3A_409[%get3A_410] {strides = array<i32>} : memref<128xi32, #tpu.memory_space<vmem>>, vector<16xi32>,
    %get3A_412 = vector.shape_cast %get3A_411 : vector<16xi32> to vector<16xi32>
    %dma_start3A_413 = arith.constant 3 : i32
    %dma_start3A_414 = arith.constant 48 : i32
    %dma_start3A_415 = arith.constant 0 : i32
    %dma_start3A_416 = tpu.memref_slice %arg6[%dma_start3A_413, %dma_start3A_414, %dma_start3A_415] : memref<4x128x64xf32, #tpu.memory_space<vmem>> -> memref<1x16x64xf32, #tpu.memory_space<vmem>>
    %dma_start3A_417 = tpu.memref_squeeze %dma_start3A_416 : memref<1x16x64xf32, #tpu.memory_space<vmem>> -> memref<16x64xf32, #tpu.memory_space<vmem>>
    %dma_start3A_418 = arith.constant 0 : i32
    %dma_start3A_419 = arith.constant 0 : i32
    %dma_start3A_420 = tpu.memref_slice %arg3[%dma_start3A_418, %dma_start3A_419] : memref<1000000x64xf32, #tpu.memory_space<hbm>> -> memref<1000000x64xf32, #tpu.memory_space<hbm>>
    tpu.enqueue_indirect_dma source(%dma_start3A_420 : memref<1000000x64xf32, #tpu.memory_space<hbm>>) target(%dma_start3A_417 : memref<16x64xf32, #tpu.memory_space<vmem>>) offsets(%get3A_412 : vector<16xi32>) semaphore(%arg11 : memref<!tpu.dma_semaphore, #tpu.memory_space<semaphore_mem>>)
    %get3A_421 = arith.constant 3 : i32
    %get3A_422 = arith.constant 0 : i32
    %get3A_423 = tpu.memref_slice %arg5[%get3A_421, %get3A_422] : memref<200x128xi32, #tpu.memory_space<vmem>> -> memref<1x128xi32, #tpu.memory_space<vmem>>
    %get3A_424 = tpu.memref_squeeze %get3A_423 : memref<1x128xi32, #tpu.memory_space<vmem>> -> memref<128xi32, #tpu.memory_space<vmem>>
    %get3A_425 = arith.constant 64 : index
    %get3A_426 = tpu.vector_load %get3A_424[%get3A_425] {strides = array<i32>} : memref<128xi32, #tpu.memory_space<vmem>>, vector<16xi32>,
    %get3A_427 = vector.shape_cast %get3A_426 : vector<16xi32> to vector<16xi32>
    %dma_start3A_428 = arith.constant 3 : i32
    %dma_start3A_429 = arith.constant 64 : i32
    %dma_start3A_430 = arith.constant 0 : i32
    %dma_start3A_431 = tpu.memref_slice %arg6[%dma_start3A_428, %dma_start3A_429, %dma_start3A_430] : memref<4x128x64xf32, #tpu.memory_space<vmem>> -> memref<1x16x64xf32, #tpu.memory_space<vmem>>
    %dma_start3A_432 = tpu.memref_squeeze %dma_start3A_431 : memref<1x16x64xf32, #tpu.memory_space<vmem>> -> memref<16x64xf32, #tpu.memory_space<vmem>>
    %dma_start3A_433 = arith.constant 0 : i32
    %dma_start3A_434 = arith.constant 0 : i32
    %dma_start3A_435 = tpu.memref_slice %arg3[%dma_start3A_433, %dma_start3A_434] : memref<1000000x64xf32, #tpu.memory_space<hbm>> -> memref<1000000x64xf32, #tpu.memory_space<hbm>>
    tpu.enqueue_indirect_dma source(%dma_start3A_435 : memref<1000000x64xf32, #tpu.memory_space<hbm>>) target(%dma_start3A_432 : memref<16x64xf32, #tpu.memory_space<vmem>>) offsets(%get3A_427 : vector<16xi32>) semaphore(%arg11 : memref<!tpu.dma_semaphore, #tpu.memory_space<semaphore_mem>>)
    %get3A_436 = arith.constant 3 : i32
    %get3A_437 = arith.constant 0 : i32
    %get3A_438 = tpu.memref_slice %arg5[%get3A_436, %get3A_437] : memref<200x128xi32, #tpu.memory_space<vmem>> -> memref<1x128xi32, #tpu.memory_space<vmem>>
    %get3A_439 = tpu.memref_squeeze %get3A_438 : memref<1x128xi32, #tpu.memory_space<vmem>> -> memref<128xi32, #tpu.memory_space<vmem>>
    %get3A_440 = arith.constant 80 : index
    %get3A_441 = tpu.vector_load %get3A_439[%get3A_440] {strides = array<i32>} : memref<128xi32, #tpu.memory_space<vmem>>, vector<16xi32>,
    %get3A_442 = vector.shape_cast %get3A_441 : vector<16xi32> to vector<16xi32>
    %dma_start3A_443 = arith.constant 3 : i32
    %dma_start3A_444 = arith.constant 80 : i32
    %dma_start3A_445 = arith.constant 0 : i32
    %dma_start3A_446 = tpu.memref_slice %arg6[%dma_start3A_443, %dma_start3A_444, %dma_start3A_445] : memref<4x128x64xf32, #tpu.memory_space<vmem>> -> memref<1x16x64xf32, #tpu.memory_space<vmem>>
    %dma_start3A_447 = tpu.memref_squeeze %dma_start3A_446 : memref<1x16x64xf32, #tpu.memory_space<vmem>> -> memref<16x64xf32, #tpu.memory_space<vmem>>
    %dma_start3A_448 = arith.constant 0 : i32
    %dma_start3A_449 = arith.constant 0 : i32
    %dma_start3A_450 = tpu.memref_slice %arg3[%dma_start3A_448, %dma_start3A_449] : memref<1000000x64xf32, #tpu.memory_space<hbm>> -> memref<1000000x64xf32, #tpu.memory_space<hbm>>
    tpu.enqueue_indirect_dma source(%dma_start3A_450 : memref<1000000x64xf32, #tpu.memory_space<hbm>>) target(%dma_start3A_447 : memref<16x64xf32, #tpu.memory_space<vmem>>) offsets(%get3A_442 : vector<16xi32>) semaphore(%arg11 : memref<!tpu.dma_semaphore, #tpu.memory_space<semaphore_mem>>)
    %get3A_451 = arith.constant 3 : i32
    %get3A_452 = arith.constant 0 : i32
    %get3A_453 = tpu.memref_slice %arg5[%get3A_451, %get3A_452] : memref<200x128xi32, #tpu.memory_space<vmem>> -> memref<1x128xi32, #tpu.memory_space<vmem>>
    %get3A_454 = tpu.memref_squeeze %get3A_453 : memref<1x128xi32, #tpu.memory_space<vmem>> -> memref<128xi32, #tpu.memory_space<vmem>>
    %get3A_455 = arith.constant 96 : index
    %get3A_456 = tpu.vector_load %get3A_454[%get3A_455] {strides = array<i32>} : memref<128xi32, #tpu.memory_space<vmem>>, vector<16xi32>,
    %get3A_457 = vector.shape_cast %get3A_456 : vector<16xi32> to vector<16xi32>
    %dma_start3A_458 = arith.constant 3 : i32
    %dma_start3A_459 = arith.constant 96 : i32
    %dma_start3A_460 = arith.constant 0 : i32
    %dma_start3A_461 = tpu.memref_slice %arg6[%dma_start3A_458, %dma_start3A_459, %dma_start3A_460] : memref<4x128x64xf32, #tpu.memory_space<vmem>> -> memref<1x16x64xf32, #tpu.memory_space<vmem>>
    %dma_start3A_462 = tpu.memref_squeeze %dma_start3A_461 : memref<1x16x64xf32, #tpu.memory_space<vmem>> -> memref<16x64xf32, #tpu.memory_space<vmem>>
    %dma_start3A_463 = arith.constant 0 : i32
    %dma_start3A_464 = arith.constant 0 : i32
    %dma_start3A_465 = tpu.memref_slice %arg3[%dma_start3A_463, %dma_start3A_464] : memref<1000000x64xf32, #tpu.memory_space<hbm>> -> memref<1000000x64xf32, #tpu.memory_space<hbm>>
    tpu.enqueue_indirect_dma source(%dma_start3A_465 : memref<1000000x64xf32, #tpu.memory_space<hbm>>) target(%dma_start3A_462 : memref<16x64xf32, #tpu.memory_space<vmem>>) offsets(%get3A_457 : vector<16xi32>) semaphore(%arg11 : memref<!tpu.dma_semaphore, #tpu.memory_space<semaphore_mem>>)
    %get3A_466 = arith.constant 3 : i32
    %get3A_467 = arith.constant 0 : i32
    %get3A_468 = tpu.memref_slice %arg5[%get3A_466, %get3A_467] : memref<200x128xi32, #tpu.memory_space<vmem>> -> memref<1x128xi32, #tpu.memory_space<vmem>>
    %get3A_469 = tpu.memref_squeeze %get3A_468 : memref<1x128xi32, #tpu.memory_space<vmem>> -> memref<128xi32, #tpu.memory_space<vmem>>
    %get3A_470 = arith.constant 112 : index
    %get3A_471 = tpu.vector_load %get3A_469[%get3A_470] {strides = array<i32>} : memref<128xi32, #tpu.memory_space<vmem>>, vector<16xi32>,
    %get3A_472 = vector.shape_cast %get3A_471 : vector<16xi32> to vector<16xi32>
    %dma_start3A_473 = arith.constant 3 : i32
    %dma_start3A_474 = arith.constant 112 : i32
    %dma_start3A_475 = arith.constant 0 : i32
    %dma_start3A_476 = tpu.memref_slice %arg6[%dma_start3A_473, %dma_start3A_474, %dma_start3A_475] : memref<4x128x64xf32, #tpu.memory_space<vmem>> -> memref<1x16x64xf32, #tpu.memory_space<vmem>>
    %dma_start3A_477 = tpu.memref_squeeze %dma_start3A_476 : memref<1x16x64xf32, #tpu.memory_space<vmem>> -> memref<16x64xf32, #tpu.memory_space<vmem>>
    %dma_start3A_478 = arith.constant 0 : i32
    %dma_start3A_479 = arith.constant 0 : i32
    %dma_start3A_480 = tpu.memref_slice %arg3[%dma_start3A_478, %dma_start3A_479] : memref<1000000x64xf32, #tpu.memory_space<hbm>> -> memref<1000000x64xf32, #tpu.memory_space<hbm>>
    tpu.enqueue_indirect_dma source(%dma_start3A_480 : memref<1000000x64xf32, #tpu.memory_space<hbm>>) target(%dma_start3A_477 : memref<16x64xf32, #tpu.memory_space<vmem>>) offsets(%get3A_472 : vector<16xi32>) semaphore(%arg11 : memref<!tpu.dma_semaphore, #tpu.memory_space<semaphore_mem>>)
    %scan3A = arith.constant 0 : i32
    %scan3A_481 = arith.constant 50 : i32
    %scan3A_482 = arith.addi %scan3A, %scan3A_481 : i32
    %scan3A_483 = arith.constant 1 : i32
    scf.for %scan3A_544 = %scan3A to %scan3A_482 step %scan3A_483  : i32 {
      %mul3A_545 = arith.constant 4 : i32
      %mul3A_546 = arith.muli %scan3A_544, %mul3A_545 : i32
      %add3A_547 = arith.constant 0 : i32
      %add3A_548 = arith.addi %add3A_547, %mul3A_546 : i32
      %add3A_549 = arith.constant 0 : i32
      %add3A_550 = arith.addi %add3A_548, %add3A_549 : i32
      %get3A_551 = arith.constant 0 : i32
      %get3A_552 = tpu.memref_slice %arg5[%add3A_550, %get3A_551] : memref<200x128xi32, #tpu.memory_space<vmem>> -> memref<1x128xi32, #tpu.memory_space<vmem>>
      %get3A_553 = tpu.memref_squeeze %get3A_552 : memref<1x128xi32, #tpu.memory_space<vmem>> -> memref<128xi32, #tpu.memory_space<vmem>>
      %get3A_554 = arith.constant 0 : index
      %get3A_555 = tpu.vector_load %get3A_553[%get3A_554] {strides = array<i32>} : memref<128xi32, #tpu.memory_space<vmem>>, vector<16xi32>,
      %get3A_556 = vector.shape_cast %get3A_555 : vector<16xi32> to vector<16xi32>
      %dma_wait3A_557 = arith.constant 0 : i32
      %dma_wait3A_558 = arith.constant 0 : i32
      %dma_wait3A_559 = arith.constant 0 : i32
      %dma_wait3A_560 = tpu.memref_slice %arg6[%dma_wait3A_557, %dma_wait3A_558, %dma_wait3A_559] : memref<4x128x64xf32, #tpu.memory_space<vmem>> -> memref<1x16x64xf32, #tpu.memory_space<vmem>>
      %dma_wait3A_561 = tpu.memref_squeeze %dma_wait3A_560 : memref<1x16x64xf32, #tpu.memory_space<vmem>> -> memref<16x64xf32, #tpu.memory_space<vmem>>
      %dma_wait3A_562 = arith.constant 0 : i32
      %dma_wait3A_563 = arith.constant 0 : i32
      %dma_wait3A_564 = tpu.memref_slice %arg3[%dma_wait3A_562, %dma_wait3A_563] : memref<1000000x64xf32, #tpu.memory_space<hbm>> -> memref<1000000x64xf32, #tpu.memory_space<hbm>>
      tpu.wait_indirect_dma semaphore(%arg8 : memref<!tpu.dma_semaphore, #tpu.memory_space<semaphore_mem>>) src(%dma_wait3A_564 : memref<1000000x64xf32, #tpu.memory_space<hbm>>) dst(%dma_wait3A_561 : memref<16x64xf32, #tpu.memory_space<vmem>>)
      %get3A_565 = arith.constant 0 : i32
      %get3A_566 = tpu.memref_slice %arg5[%add3A_550, %get3A_565] : memref<200x128xi32, #tpu.memory_space<vmem>> -> memref<1x128xi32, #tpu.memory_space<vmem>>
      %get3A_567 = tpu.memref_squeeze %get3A_566 : memref<1x128xi32, #tpu.memory_space<vmem>> -> memref<128xi32, #tpu.memory_space<vmem>>
      %get3A_568 = arith.constant 16 : index
      %get3A_569 = tpu.vector_load %get3A_567[%get3A_568] {strides = array<i32>} : memref<128xi32, #tpu.memory_space<vmem>>, vector<16xi32>,
      %get3A_570 = vector.shape_cast %get3A_569 : vector<16xi32> to vector<16xi32>
      %dma_wait3A_571 = arith.constant 0 : i32
      %dma_wait3A_572 = arith.constant 16 : i32
      %dma_wait3A_573 = arith.constant 0 : i32
      %dma_wait3A_574 = tpu.memref_slice %arg6[%dma_wait3A_571, %dma_wait3A_572, %dma_wait3A_573] : memref<4x128x64xf32, #tpu.memory_space<vmem>> -> memref<1x16x64xf32, #tpu.memory_space<vmem>>
      %dma_wait3A_575 = tpu.memref_squeeze %dma_wait3A_574 : memref<1x16x64xf32, #tpu.memory_space<vmem>> -> memref<16x64xf32, #tpu.memory_space<vmem>>
      %dma_wait3A_576 = arith.constant 0 : i32
      %dma_wait3A_577 = arith.constant 0 : i32
      %dma_wait3A_578 = tpu.memref_slice %arg3[%dma_wait3A_576, %dma_wait3A_577] : memref<1000000x64xf32, #tpu.memory_space<hbm>> -> memref<1000000x64xf32, #tpu.memory_space<hbm>>
      tpu.wait_indirect_dma semaphore(%arg8 : memref<!tpu.dma_semaphore, #tpu.memory_space<semaphore_mem>>) src(%dma_wait3A_578 : memref<1000000x64xf32, #tpu.memory_space<hbm>>) dst(%dma_wait3A_575 : memref<16x64xf32, #tpu.memory_space<vmem>>)
      %get3A_579 = arith.constant 0 : i32
      %get3A_580 = tpu.memref_slice %arg5[%add3A_550, %get3A_579] : memref<200x128xi32, #tpu.memory_space<vmem>> -> memref<1x128xi32, #tpu.memory_space<vmem>>
      %get3A_581 = tpu.memref_squeeze %get3A_580 : memref<1x128xi32, #tpu.memory_space<vmem>> -> memref<128xi32, #tpu.memory_space<vmem>>
      %get3A_582 = arith.constant 32 : index
      %get3A_583 = tpu.vector_load %get3A_581[%get3A_582] {strides = array<i32>} : memref<128xi32, #tpu.memory_space<vmem>>, vector<16xi32>,
      %get3A_584 = vector.shape_cast %get3A_583 : vector<16xi32> to vector<16xi32>
      %dma_wait3A_585 = arith.constant 0 : i32
      %dma_wait3A_586 = arith.constant 32 : i32
      %dma_wait3A_587 = arith.constant 0 : i32
      %dma_wait3A_588 = tpu.memref_slice %arg6[%dma_wait3A_585, %dma_wait3A_586, %dma_wait3A_587] : memref<4x128x64xf32, #tpu.memory_space<vmem>> -> memref<1x16x64xf32, #tpu.memory_space<vmem>>
      %dma_wait3A_589 = tpu.memref_squeeze %dma_wait3A_588 : memref<1x16x64xf32, #tpu.memory_space<vmem>> -> memref<16x64xf32, #tpu.memory_space<vmem>>
      %dma_wait3A_590 = arith.constant 0 : i32
      %dma_wait3A_591 = arith.constant 0 : i32
      %dma_wait3A_592 = tpu.memref_slice %arg3[%dma_wait3A_590, %dma_wait3A_591] : memref<1000000x64xf32, #tpu.memory_space<hbm>> -> memref<1000000x64xf32, #tpu.memory_space<hbm>>
      tpu.wait_indirect_dma semaphore(%arg8 : memref<!tpu.dma_semaphore, #tpu.memory_space<semaphore_mem>>) src(%dma_wait3A_592 : memref<1000000x64xf32, #tpu.memory_space<hbm>>) dst(%dma_wait3A_589 : memref<16x64xf32, #tpu.memory_space<vmem>>)
      %get3A_593 = arith.constant 0 : i32
      %get3A_594 = tpu.memref_slice %arg5[%add3A_550, %get3A_593] : memref<200x128xi32, #tpu.memory_space<vmem>> -> memref<1x128xi32, #tpu.memory_space<vmem>>
      %get3A_595 = tpu.memref_squeeze %get3A_594 : memref<1x128xi32, #tpu.memory_space<vmem>> -> memref<128xi32, #tpu.memory_space<vmem>>
      %get3A_596 = arith.constant 48 : index
      %get3A_597 = tpu.vector_load %get3A_595[%get3A_596] {strides = array<i32>} : memref<128xi32, #tpu.memory_space<vmem>>, vector<16xi32>,
      %get3A_598 = vector.shape_cast %get3A_597 : vector<16xi32> to vector<16xi32>
      %dma_wait3A_599 = arith.constant 0 : i32
      %dma_wait3A_600 = arith.constant 48 : i32
      %dma_wait3A_601 = arith.constant 0 : i32
      %dma_wait3A_602 = tpu.memref_slice %arg6[%dma_wait3A_599, %dma_wait3A_600, %dma_wait3A_601] : memref<4x128x64xf32, #tpu.memory_space<vmem>> -> memref<1x16x64xf32, #tpu.memory_space<vmem>>
      %dma_wait3A_603 = tpu.memref_squeeze %dma_wait3A_602 : memref<1x16x64xf32, #tpu.memory_space<vmem>> -> memref<16x64xf32, #tpu.memory_space<vmem>>
      %dma_wait3A_604 = arith.constant 0 : i32
      %dma_wait3A_605 = arith.constant 0 : i32
      %dma_wait3A_606 = tpu.memref_slice %arg3[%dma_wait3A_604, %dma_wait3A_605] : memref<1000000x64xf32, #tpu.memory_space<hbm>> -> memref<1000000x64xf32, #tpu.memory_space<hbm>>
      tpu.wait_indirect_dma semaphore(%arg8 : memref<!tpu.dma_semaphore, #tpu.memory_space<semaphore_mem>>) src(%dma_wait3A_606 : memref<1000000x64xf32, #tpu.memory_space<hbm>>) dst(%dma_wait3A_603 : memref<16x64xf32, #tpu.memory_space<vmem>>)
      %get3A_607 = arith.constant 0 : i32
      %get3A_608 = tpu.memref_slice %arg5[%add3A_550, %get3A_607] : memref<200x128xi32, #tpu.memory_space<vmem>> -> memref<1x128xi32, #tpu.memory_space<vmem>>
      %get3A_609 = tpu.memref_squeeze %get3A_608 : memref<1x128xi32, #tpu.memory_space<vmem>> -> memref<128xi32, #tpu.memory_space<vmem>>
      %get3A_610 = arith.constant 64 : index
      %get3A_611 = tpu.vector_load %get3A_609[%get3A_610] {strides = array<i32>} : memref<128xi32, #tpu.memory_space<vmem>>, vector<16xi32>,
      %get3A_612 = vector.shape_cast %get3A_611 : vector<16xi32> to vector<16xi32>
      %dma_wait3A_613 = arith.constant 0 : i32
      %dma_wait3A_614 = arith.constant 64 : i32
      %dma_wait3A_615 = arith.constant 0 : i32
      %dma_wait3A_616 = tpu.memref_slice %arg6[%dma_wait3A_613, %dma_wait3A_614, %dma_wait3A_615] : memref<4x128x64xf32, #tpu.memory_space<vmem>> -> memref<1x16x64xf32, #tpu.memory_space<vmem>>
      %dma_wait3A_617 = tpu.memref_squeeze %dma_wait3A_616 : memref<1x16x64xf32, #tpu.memory_space<vmem>> -> memref<16x64xf32, #tpu.memory_space<vmem>>
      %dma_wait3A_618 = arith.constant 0 : i32
      %dma_wait3A_619 = arith.constant 0 : i32
      %dma_wait3A_620 = tpu.memref_slice %arg3[%dma_wait3A_618, %dma_wait3A_619] : memref<1000000x64xf32, #tpu.memory_space<hbm>> -> memref<1000000x64xf32, #tpu.memory_space<hbm>>
      tpu.wait_indirect_dma semaphore(%arg8 : memref<!tpu.dma_semaphore, #tpu.memory_space<semaphore_mem>>) src(%dma_wait3A_620 : memref<1000000x64xf32, #tpu.memory_space<hbm>>) dst(%dma_wait3A_617 : memref<16x64xf32, #tpu.memory_space<vmem>>)
      %get3A_621 = arith.constant 0 : i32
      %get3A_622 = tpu.memref_slice %arg5[%add3A_550, %get3A_621] : memref<200x128xi32, #tpu.memory_space<vmem>> -> memref<1x128xi32, #tpu.memory_space<vmem>>
      %get3A_623 = tpu.memref_squeeze %get3A_622 : memref<1x128xi32, #tpu.memory_space<vmem>> -> memref<128xi32, #tpu.memory_space<vmem>>
      %get3A_624 = arith.constant 80 : index
      %get3A_625 = tpu.vector_load %get3A_623[%get3A_624] {strides = array<i32>} : memref<128xi32, #tpu.memory_space<vmem>>, vector<16xi32>,
      %get3A_626 = vector.shape_cast %get3A_625 : vector<16xi32> to vector<16xi32>
      %dma_wait3A_627 = arith.constant 0 : i32
      %dma_wait3A_628 = arith.constant 80 : i32
      %dma_wait3A_629 = arith.constant 0 : i32
      %dma_wait3A_630 = tpu.memref_slice %arg6[%dma_wait3A_627, %dma_wait3A_628, %dma_wait3A_629] : memref<4x128x64xf32, #tpu.memory_space<vmem>> -> memref<1x16x64xf32, #tpu.memory_space<vmem>>
      %dma_wait3A_631 = tpu.memref_squeeze %dma_wait3A_630 : memref<1x16x64xf32, #tpu.memory_space<vmem>> -> memref<16x64xf32, #tpu.memory_space<vmem>>
      %dma_wait3A_632 = arith.constant 0 : i32
      %dma_wait3A_633 = arith.constant 0 : i32
      %dma_wait3A_634 = tpu.memref_slice %arg3[%dma_wait3A_632, %dma_wait3A_633] : memref<1000000x64xf32, #tpu.memory_space<hbm>> -> memref<1000000x64xf32, #tpu.memory_space<hbm>>
      tpu.wait_indirect_dma semaphore(%arg8 : memref<!tpu.dma_semaphore, #tpu.memory_space<semaphore_mem>>) src(%dma_wait3A_634 : memref<1000000x64xf32, #tpu.memory_space<hbm>>) dst(%dma_wait3A_631 : memref<16x64xf32, #tpu.memory_space<vmem>>)
      %get3A_635 = arith.constant 0 : i32
      %get3A_636 = tpu.memref_slice %arg5[%add3A_550, %get3A_635] : memref<200x128xi32, #tpu.memory_space<vmem>> -> memref<1x128xi32, #tpu.memory_space<vmem>>
      %get3A_637 = tpu.memref_squeeze %get3A_636 : memref<1x128xi32, #tpu.memory_space<vmem>> -> memref<128xi32, #tpu.memory_space<vmem>>
      %get3A_638 = arith.constant 96 : index
      %get3A_639 = tpu.vector_load %get3A_637[%get3A_638] {strides = array<i32>} : memref<128xi32, #tpu.memory_space<vmem>>, vector<16xi32>,
      %get3A_640 = vector.shape_cast %get3A_639 : vector<16xi32> to vector<16xi32>
      %dma_wait3A_641 = arith.constant 0 : i32
      %dma_wait3A_642 = arith.constant 96 : i32
      %dma_wait3A_643 = arith.constant 0 : i32
      %dma_wait3A_644 = tpu.memref_slice %arg6[%dma_wait3A_641, %dma_wait3A_642, %dma_wait3A_643] : memref<4x128x64xf32, #tpu.memory_space<vmem>> -> memref<1x16x64xf32, #tpu.memory_space<vmem>>
      %dma_wait3A_645 = tpu.memref_squeeze %dma_wait3A_644 : memref<1x16x64xf32, #tpu.memory_space<vmem>> -> memref<16x64xf32, #tpu.memory_space<vmem>>
      %dma_wait3A_646 = arith.constant 0 : i32
      %dma_wait3A_647 = arith.constant 0 : i32
      %dma_wait3A_648 = tpu.memref_slice %arg3[%dma_wait3A_646, %dma_wait3A_647] : memref<1000000x64xf32, #tpu.memory_space<hbm>> -> memref<1000000x64xf32, #tpu.memory_space<hbm>>
      tpu.wait_indirect_dma semaphore(%arg8 : memref<!tpu.dma_semaphore, #tpu.memory_space<semaphore_mem>>) src(%dma_wait3A_648 : memref<1000000x64xf32, #tpu.memory_space<hbm>>) dst(%dma_wait3A_645 : memref<16x64xf32, #tpu.memory_space<vmem>>)
      %get3A_649 = arith.constant 0 : i32
      %get3A_650 = tpu.memref_slice %arg5[%add3A_550, %get3A_649] : memref<200x128xi32, #tpu.memory_space<vmem>> -> memref<1x128xi32, #tpu.memory_space<vmem>>
      %get3A_651 = tpu.memref_squeeze %get3A_650 : memref<1x128xi32, #tpu.memory_space<vmem>> -> memref<128xi32, #tpu.memory_space<vmem>>
      %get3A_652 = arith.constant 112 : index
      %get3A_653 = tpu.vector_load %get3A_651[%get3A_652] {strides = array<i32>} : memref<128xi32, #tpu.memory_space<vmem>>, vector<16xi32>,
      %get3A_654 = vector.shape_cast %get3A_653 : vector<16xi32> to vector<16xi32>
      %dma_wait3A_655 = arith.constant 0 : i32
      %dma_wait3A_656 = arith.constant 112 : i32
      %dma_wait3A_657 = arith.constant 0 : i32
      %dma_wait3A_658 = tpu.memref_slice %arg6[%dma_wait3A_655, %dma_wait3A_656, %dma_wait3A_657] : memref<4x128x64xf32, #tpu.memory_space<vmem>> -> memref<1x16x64xf32, #tpu.memory_space<vmem>>
      %dma_wait3A_659 = tpu.memref_squeeze %dma_wait3A_658 : memref<1x16x64xf32, #tpu.memory_space<vmem>> -> memref<16x64xf32, #tpu.memory_space<vmem>>
      %dma_wait3A_660 = arith.constant 0 : i32
      %dma_wait3A_661 = arith.constant 0 : i32
      %dma_wait3A_662 = tpu.memref_slice %arg3[%dma_wait3A_660, %dma_wait3A_661] : memref<1000000x64xf32, #tpu.memory_space<hbm>> -> memref<1000000x64xf32, #tpu.memory_space<hbm>>
      tpu.wait_indirect_dma semaphore(%arg8 : memref<!tpu.dma_semaphore, #tpu.memory_space<semaphore_mem>>) src(%dma_wait3A_662 : memref<1000000x64xf32, #tpu.memory_space<hbm>>) dst(%dma_wait3A_659 : memref<16x64xf32, #tpu.memory_space<vmem>>)
      %add3A_663 = arith.constant 0 : i32
      %add3A_664 = arith.addi %add3A_548, %add3A_663 : i32
      %mul3A_665 = arith.constant 128 : i32
      %mul3A_666 = arith.muli %add3A_664, %mul3A_665 : i32
      %add3A_667 = arith.addi %mul3A_2, %mul3A_666 : i32
      %dma_start3A_668 = arith.constant 0 : i32
      %dma_start3A_669 = arith.constant 0 : i32
      %dma_start3A_670 = arith.constant 0 : i32
      %dma_start3A_671 = tpu.memref_slice %arg6[%dma_start3A_668, %dma_start3A_669, %dma_start3A_670] : memref<4x128x64xf32, #tpu.memory_space<vmem>> -> memref<1x128x64xf32, #tpu.memory_space<vmem>>
      %dma_start3A_672 = tpu.memref_squeeze %dma_start3A_671 : memref<1x128x64xf32, #tpu.memory_space<vmem>> -> memref<128x64xf32, #tpu.memory_space<vmem>>
      %dma_start3A_673 = arith.constant 0 : i32
      %dma_start3A_674 = tpu.memref_slice %arg4[%add3A_667, %dma_start3A_673] : memref<819200x128xf32, #tpu.memory_space<hbm>> -> memref<128x64xf32, #tpu.memory_space<hbm>>
      %dma_start3A_675 = arith.constant 0 : i32
      %dma_start3A_676 = tpu.memref_slice %arg4[%add3A_667, %dma_start3A_675] : memref<819200x128xf32, #tpu.memory_space<hbm>> -> memref<128x64xf32, #tpu.memory_space<hbm>>
      %dma_start3A_677 = arith.constant 0 : i32
      %dma_start3A_678 = arith.constant 0 : i32
      %dma_start3A_679 = tpu.memref_slice %arg6[%dma_start3A_668, %dma_start3A_677, %dma_start3A_678] : memref<4x128x64xf32, #tpu.memory_space<vmem>> -> memref<1x128x64xf32, #tpu.memory_space<vmem>>
      %dma_start3A_680 = tpu.memref_squeeze %dma_start3A_679 : memref<1x128x64xf32, #tpu.memory_space<vmem>> -> memref<128x64xf32, #tpu.memory_space<vmem>>
      tpu.enqueue_dma source(%dma_start3A_680 : memref<128x64xf32, #tpu.memory_space<vmem>>) target(%dma_start3A_676 : memref<128x64xf32, #tpu.memory_space<hbm>>) target_semaphore(%arg12 : memref<!tpu.dma_semaphore, #tpu.memory_space<semaphore_mem>>)
      %add3A_681 = arith.constant 1 : i32
      %add3A_682 = arith.addi %add3A_548, %add3A_681 : i32
      %get3A_683 = arith.constant 0 : i32
      %get3A_684 = tpu.memref_slice %arg5[%add3A_682, %get3A_683] : memref<200x128xi32, #tpu.memory_space<vmem>> -> memref<1x128xi32, #tpu.memory_space<vmem>>
      %get3A_685 = tpu.memref_squeeze %get3A_684 : memref<1x128xi32, #tpu.memory_space<vmem>> -> memref<128xi32, #tpu.memory_space<vmem>>
      %get3A_686 = arith.constant 0 : index
      %get3A_687 = tpu.vector_load %get3A_685[%get3A_686] {strides = array<i32>} : memref<128xi32, #tpu.memory_space<vmem>>, vector<16xi32>,
      %get3A_688 = vector.shape_cast %get3A_687 : vector<16xi32> to vector<16xi32>
      %dma_wait3A_689 = arith.constant 1 : i32
      %dma_wait3A_690 = arith.constant 0 : i32
      %dma_wait3A_691 = arith.constant 0 : i32
      %dma_wait3A_692 = tpu.memref_slice %arg6[%dma_wait3A_689, %dma_wait3A_690, %dma_wait3A_691] : memref<4x128x64xf32, #tpu.memory_space<vmem>> -> memref<1x16x64xf32, #tpu.memory_space<vmem>>
      %dma_wait3A_693 = tpu.memref_squeeze %dma_wait3A_692 : memref<1x16x64xf32, #tpu.memory_space<vmem>> -> memref<16x64xf32, #tpu.memory_space<vmem>>
      %dma_wait3A_694 = arith.constant 0 : i32
      %dma_wait3A_695 = arith.constant 0 : i32
      %dma_wait3A_696 = tpu.memref_slice %arg3[%dma_wait3A_694, %dma_wait3A_695] : memref<1000000x64xf32, #tpu.memory_space<hbm>> -> memref<1000000x64xf32, #tpu.memory_space<hbm>>
      tpu.wait_indirect_dma semaphore(%arg9 : memref<!tpu.dma_semaphore, #tpu.memory_space<semaphore_mem>>) src(%dma_wait3A_696 : memref<1000000x64xf32, #tpu.memory_space<hbm>>) dst(%dma_wait3A_693 : memref<16x64xf32, #tpu.memory_space<vmem>>)
      %get3A_697 = arith.constant 0 : i32
      %get3A_698 = tpu.memref_slice %arg5[%add3A_682, %get3A_697] : memref<200x128xi32, #tpu.memory_space<vmem>> -> memref<1x128xi32, #tpu.memory_space<vmem>>
      %get3A_699 = tpu.memref_squeeze %get3A_698 : memref<1x128xi32, #tpu.memory_space<vmem>> -> memref<128xi32, #tpu.memory_space<vmem>>
      %get3A_700 = arith.constant 16 : index
      %get3A_701 = tpu.vector_load %get3A_699[%get3A_700] {strides = array<i32>} : memref<128xi32, #tpu.memory_space<vmem>>, vector<16xi32>,
      %get3A_702 = vector.shape_cast %get3A_701 : vector<16xi32> to vector<16xi32>
      %dma_wait3A_703 = arith.constant 1 : i32
      %dma_wait3A_704 = arith.constant 16 : i32
      %dma_wait3A_705 = arith.constant 0 : i32
      %dma_wait3A_706 = tpu.memref_slice %arg6[%dma_wait3A_703, %dma_wait3A_704, %dma_wait3A_705] : memref<4x128x64xf32, #tpu.memory_space<vmem>> -> memref<1x16x64xf32, #tpu.memory_space<vmem>>
      %dma_wait3A_707 = tpu.memref_squeeze %dma_wait3A_706 : memref<1x16x64xf32, #tpu.memory_space<vmem>> -> memref<16x64xf32, #tpu.memory_space<vmem>>
      %dma_wait3A_708 = arith.constant 0 : i32
      %dma_wait3A_709 = arith.constant 0 : i32
      %dma_wait3A_710 = tpu.memref_slice %arg3[%dma_wait3A_708, %dma_wait3A_709] : memref<1000000x64xf32, #tpu.memory_space<hbm>> -> memref<1000000x64xf32, #tpu.memory_space<hbm>>
      tpu.wait_indirect_dma semaphore(%arg9 : memref<!tpu.dma_semaphore, #tpu.memory_space<semaphore_mem>>) src(%dma_wait3A_710 : memref<1000000x64xf32, #tpu.memory_space<hbm>>) dst(%dma_wait3A_707 : memref<16x64xf32, #tpu.memory_space<vmem>>)
      %get3A_711 = arith.constant 0 : i32
      %get3A_712 = tpu.memref_slice %arg5[%add3A_682, %get3A_711] : memref<200x128xi32, #tpu.memory_space<vmem>> -> memref<1x128xi32, #tpu.memory_space<vmem>>
      %get3A_713 = tpu.memref_squeeze %get3A_712 : memref<1x128xi32, #tpu.memory_space<vmem>> -> memref<128xi32, #tpu.memory_space<vmem>>
      %get3A_714 = arith.constant 32 : index
      %get3A_715 = tpu.vector_load %get3A_713[%get3A_714] {strides = array<i32>} : memref<128xi32, #tpu.memory_space<vmem>>, vector<16xi32>,
      %get3A_716 = vector.shape_cast %get3A_715 : vector<16xi32> to vector<16xi32>
      %dma_wait3A_717 = arith.constant 1 : i32
      %dma_wait3A_718 = arith.constant 32 : i32
      %dma_wait3A_719 = arith.constant 0 : i32
      %dma_wait3A_720 = tpu.memref_slice %arg6[%dma_wait3A_717, %dma_wait3A_718, %dma_wait3A_719] : memref<4x128x64xf32, #tpu.memory_space<vmem>> -> memref<1x16x64xf32, #tpu.memory_space<vmem>>
      %dma_wait3A_721 = tpu.memref_squeeze %dma_wait3A_720 : memref<1x16x64xf32, #tpu.memory_space<vmem>> -> memref<16x64xf32, #tpu.memory_space<vmem>>
      %dma_wait3A_722 = arith.constant 0 : i32
      %dma_wait3A_723 = arith.constant 0 : i32
      %dma_wait3A_724 = tpu.memref_slice %arg3[%dma_wait3A_722, %dma_wait3A_723] : memref<1000000x64xf32, #tpu.memory_space<hbm>> -> memref<1000000x64xf32, #tpu.memory_space<hbm>>
      tpu.wait_indirect_dma semaphore(%arg9 : memref<!tpu.dma_semaphore, #tpu.memory_space<semaphore_mem>>) src(%dma_wait3A_724 : memref<1000000x64xf32, #tpu.memory_space<hbm>>) dst(%dma_wait3A_721 : memref<16x64xf32, #tpu.memory_space<vmem>>)
      %get3A_725 = arith.constant 0 : i32
      %get3A_726 = tpu.memref_slice %arg5[%add3A_682, %get3A_725] : memref<200x128xi32, #tpu.memory_space<vmem>> -> memref<1x128xi32, #tpu.memory_space<vmem>>
      %get3A_727 = tpu.memref_squeeze %get3A_726 : memref<1x128xi32, #tpu.memory_space<vmem>> -> memref<128xi32, #tpu.memory_space<vmem>>
      %get3A_728 = arith.constant 48 : index
      %get3A_729 = tpu.vector_load %get3A_727[%get3A_728] {strides = array<i32>} : memref<128xi32, #tpu.memory_space<vmem>>, vector<16xi32>,
      %get3A_730 = vector.shape_cast %get3A_729 : vector<16xi32> to vector<16xi32>
      %dma_wait3A_731 = arith.constant 1 : i32
      %dma_wait3A_732 = arith.constant 48 : i32
      %dma_wait3A_733 = arith.constant 0 : i32
      %dma_wait3A_734 = tpu.memref_slice %arg6[%dma_wait3A_731, %dma_wait3A_732, %dma_wait3A_733] : memref<4x128x64xf32, #tpu.memory_space<vmem>> -> memref<1x16x64xf32, #tpu.memory_space<vmem>>
      %dma_wait3A_735 = tpu.memref_squeeze %dma_wait3A_734 : memref<1x16x64xf32, #tpu.memory_space<vmem>> -> memref<16x64xf32, #tpu.memory_space<vmem>>
      %dma_wait3A_736 = arith.constant 0 : i32
      %dma_wait3A_737 = arith.constant 0 : i32
      %dma_wait3A_738 = tpu.memref_slice %arg3[%dma_wait3A_736, %dma_wait3A_737] : memref<1000000x64xf32, #tpu.memory_space<hbm>> -> memref<1000000x64xf32, #tpu.memory_space<hbm>>
      tpu.wait_indirect_dma semaphore(%arg9 : memref<!tpu.dma_semaphore, #tpu.memory_space<semaphore_mem>>) src(%dma_wait3A_738 : memref<1000000x64xf32, #tpu.memory_space<hbm>>) dst(%dma_wait3A_735 : memref<16x64xf32, #tpu.memory_space<vmem>>)
      %get3A_739 = arith.constant 0 : i32
      %get3A_740 = tpu.memref_slice %arg5[%add3A_682, %get3A_739] : memref<200x128xi32, #tpu.memory_space<vmem>> -> memref<1x128xi32, #tpu.memory_space<vmem>>
      %get3A_741 = tpu.memref_squeeze %get3A_740 : memref<1x128xi32, #tpu.memory_space<vmem>> -> memref<128xi32, #tpu.memory_space<vmem>>
      %get3A_742 = arith.constant 64 : index
      %get3A_743 = tpu.vector_load %get3A_741[%get3A_742] {strides = array<i32>} : memref<128xi32, #tpu.memory_space<vmem>>, vector<16xi32>,
      %get3A_744 = vector.shape_cast %get3A_743 : vector<16xi32> to vector<16xi32>
      %dma_wait3A_745 = arith.constant 1 : i32
      %dma_wait3A_746 = arith.constant 64 : i32
      %dma_wait3A_747 = arith.constant 0 : i32
      %dma_wait3A_748 = tpu.memref_slice %arg6[%dma_wait3A_745, %dma_wait3A_746, %dma_wait3A_747] : memref<4x128x64xf32, #tpu.memory_space<vmem>> -> memref<1x16x64xf32, #tpu.memory_space<vmem>>
      %dma_wait3A_749 = tpu.memref_squeeze %dma_wait3A_748 : memref<1x16x64xf32, #tpu.memory_space<vmem>> -> memref<16x64xf32, #tpu.memory_space<vmem>>
      %dma_wait3A_750 = arith.constant 0 : i32
      %dma_wait3A_751 = arith.constant 0 : i32
      %dma_wait3A_752 = tpu.memref_slice %arg3[%dma_wait3A_750, %dma_wait3A_751] : memref<1000000x64xf32, #tpu.memory_space<hbm>> -> memref<1000000x64xf32, #tpu.memory_space<hbm>>
      tpu.wait_indirect_dma semaphore(%arg9 : memref<!tpu.dma_semaphore, #tpu.memory_space<semaphore_mem>>) src(%dma_wait3A_752 : memref<1000000x64xf32, #tpu.memory_space<hbm>>) dst(%dma_wait3A_749 : memref<16x64xf32, #tpu.memory_space<vmem>>)
      %get3A_753 = arith.constant 0 : i32
      %get3A_754 = tpu.memref_slice %arg5[%add3A_682, %get3A_753] : memref<200x128xi32, #tpu.memory_space<vmem>> -> memref<1x128xi32, #tpu.memory_space<vmem>>
      %get3A_755 = tpu.memref_squeeze %get3A_754 : memref<1x128xi32, #tpu.memory_space<vmem>> -> memref<128xi32, #tpu.memory_space<vmem>>
      %get3A_756 = arith.constant 80 : index
      %get3A_757 = tpu.vector_load %get3A_755[%get3A_756] {strides = array<i32>} : memref<128xi32, #tpu.memory_space<vmem>>, vector<16xi32>,
      %get3A_758 = vector.shape_cast %get3A_757 : vector<16xi32> to vector<16xi32>
      %dma_wait3A_759 = arith.constant 1 : i32
      %dma_wait3A_760 = arith.constant 80 : i32
      %dma_wait3A_761 = arith.constant 0 : i32
      %dma_wait3A_762 = tpu.memref_slice %arg6[%dma_wait3A_759, %dma_wait3A_760, %dma_wait3A_761] : memref<4x128x64xf32, #tpu.memory_space<vmem>> -> memref<1x16x64xf32, #tpu.memory_space<vmem>>
      %dma_wait3A_763 = tpu.memref_squeeze %dma_wait3A_762 : memref<1x16x64xf32, #tpu.memory_space<vmem>> -> memref<16x64xf32, #tpu.memory_space<vmem>>
      %dma_wait3A_764 = arith.constant 0 : i32
      %dma_wait3A_765 = arith.constant 0 : i32
      %dma_wait3A_766 = tpu.memref_slice %arg3[%dma_wait3A_764, %dma_wait3A_765] : memref<1000000x64xf32, #tpu.memory_space<hbm>> -> memref<1000000x64xf32, #tpu.memory_space<hbm>>
      tpu.wait_indirect_dma semaphore(%arg9 : memref<!tpu.dma_semaphore, #tpu.memory_space<semaphore_mem>>) src(%dma_wait3A_766 : memref<1000000x64xf32, #tpu.memory_space<hbm>>) dst(%dma_wait3A_763 : memref<16x64xf32, #tpu.memory_space<vmem>>)
      %get3A_767 = arith.constant 0 : i32
      %get3A_768 = tpu.memref_slice %arg5[%add3A_682, %get3A_767] : memref<200x128xi32, #tpu.memory_space<vmem>> -> memref<1x128xi32, #tpu.memory_space<vmem>>
      %get3A_769 = tpu.memref_squeeze %get3A_768 : memref<1x128xi32, #tpu.memory_space<vmem>> -> memref<128xi32, #tpu.memory_space<vmem>>
      %get3A_770 = arith.constant 96 : index
      %get3A_771 = tpu.vector_load %get3A_769[%get3A_770] {strides = array<i32>} : memref<128xi32, #tpu.memory_space<vmem>>, vector<16xi32>,
      %get3A_772 = vector.shape_cast %get3A_771 : vector<16xi32> to vector<16xi32>
      %dma_wait3A_773 = arith.constant 1 : i32
      %dma_wait3A_774 = arith.constant 96 : i32
      %dma_wait3A_775 = arith.constant 0 : i32
      %dma_wait3A_776 = tpu.memref_slice %arg6[%dma_wait3A_773, %dma_wait3A_774, %dma_wait3A_775] : memref<4x128x64xf32, #tpu.memory_space<vmem>> -> memref<1x16x64xf32, #tpu.memory_space<vmem>>
      %dma_wait3A_777 = tpu.memref_squeeze %dma_wait3A_776 : memref<1x16x64xf32, #tpu.memory_space<vmem>> -> memref<16x64xf32, #tpu.memory_space<vmem>>
      %dma_wait3A_778 = arith.constant 0 : i32
      %dma_wait3A_779 = arith.constant 0 : i32
      %dma_wait3A_780 = tpu.memref_slice %arg3[%dma_wait3A_778, %dma_wait3A_779] : memref<1000000x64xf32, #tpu.memory_space<hbm>> -> memref<1000000x64xf32, #tpu.memory_space<hbm>>
      tpu.wait_indirect_dma semaphore(%arg9 : memref<!tpu.dma_semaphore, #tpu.memory_space<semaphore_mem>>) src(%dma_wait3A_780 : memref<1000000x64xf32, #tpu.memory_space<hbm>>) dst(%dma_wait3A_777 : memref<16x64xf32, #tpu.memory_space<vmem>>)
      %get3A_781 = arith.constant 0 : i32
      %get3A_782 = tpu.memref_slice %arg5[%add3A_682, %get3A_781] : memref<200x128xi32, #tpu.memory_space<vmem>> -> memref<1x128xi32, #tpu.memory_space<vmem>>
      %get3A_783 = tpu.memref_squeeze %get3A_782 : memref<1x128xi32, #tpu.memory_space<vmem>> -> memref<128xi32, #tpu.memory_space<vmem>>
      %get3A_784 = arith.constant 112 : index
      %get3A_785 = tpu.vector_load %get3A_783[%get3A_784] {strides = array<i32>} : memref<128xi32, #tpu.memory_space<vmem>>, vector<16xi32>,
      %get3A_786 = vector.shape_cast %get3A_785 : vector<16xi32> to vector<16xi32>
      %dma_wait3A_787 = arith.constant 1 : i32
      %dma_wait3A_788 = arith.constant 112 : i32
      %dma_wait3A_789 = arith.constant 0 : i32
      %dma_wait3A_790 = tpu.memref_slice %arg6[%dma_wait3A_787, %dma_wait3A_788, %dma_wait3A_789] : memref<4x128x64xf32, #tpu.memory_space<vmem>> -> memref<1x16x64xf32, #tpu.memory_space<vmem>>
      %dma_wait3A_791 = tpu.memref_squeeze %dma_wait3A_790 : memref<1x16x64xf32, #tpu.memory_space<vmem>> -> memref<16x64xf32, #tpu.memory_space<vmem>>
      %dma_wait3A_792 = arith.constant 0 : i32
      %dma_wait3A_793 = arith.constant 0 : i32
      %dma_wait3A_794 = tpu.memref_slice %arg3[%dma_wait3A_792, %dma_wait3A_793] : memref<1000000x64xf32, #tpu.memory_space<hbm>> -> memref<1000000x64xf32, #tpu.memory_space<hbm>>
      tpu.wait_indirect_dma semaphore(%arg9 : memref<!tpu.dma_semaphore, #tpu.memory_space<semaphore_mem>>) src(%dma_wait3A_794 : memref<1000000x64xf32, #tpu.memory_space<hbm>>) dst(%dma_wait3A_791 : memref<16x64xf32, #tpu.memory_space<vmem>>)
      %add3A_795 = arith.constant 1 : i32
      %add3A_796 = arith.addi %add3A_548, %add3A_795 : i32
      %mul3A_797 = arith.constant 128 : i32
      %mul3A_798 = arith.muli %add3A_796, %mul3A_797 : i32
      %add3A_799 = arith.addi %mul3A_2, %mul3A_798 : i32
      %dma_start3A_800 = arith.constant 1 : i32
      %dma_start3A_801 = arith.constant 0 : i32
      %dma_start3A_802 = arith.constant 0 : i32
      %dma_start3A_803 = tpu.memref_slice %arg6[%dma_start3A_800, %dma_start3A_801, %dma_start3A_802] : memref<4x128x64xf32, #tpu.memory_space<vmem>> -> memref<1x128x64xf32, #tpu.memory_space<vmem>>
      %dma_start3A_804 = tpu.memref_squeeze %dma_start3A_803 : memref<1x128x64xf32, #tpu.memory_space<vmem>> -> memref<128x64xf32, #tpu.memory_space<vmem>>
      %dma_start3A_805 = arith.constant 0 : i32
      %dma_start3A_806 = tpu.memref_slice %arg4[%add3A_799, %dma_start3A_805] : memref<819200x128xf32, #tpu.memory_space<hbm>> -> memref<128x64xf32, #tpu.memory_space<hbm>>
      %dma_start3A_807 = arith.constant 0 : i32
      %dma_start3A_808 = tpu.memref_slice %arg4[%add3A_799, %dma_start3A_807] : memref<819200x128xf32, #tpu.memory_space<hbm>> -> memref<128x64xf32, #tpu.memory_space<hbm>>
      %dma_start3A_809 = arith.constant 0 : i32
      %dma_start3A_810 = arith.constant 0 : i32
      %dma_start3A_811 = tpu.memref_slice %arg6[%dma_start3A_800, %dma_start3A_809, %dma_start3A_810] : memref<4x128x64xf32, #tpu.memory_space<vmem>> -> memref<1x128x64xf32, #tpu.memory_space<vmem>>
      %dma_start3A_812 = tpu.memref_squeeze %dma_start3A_811 : memref<1x128x64xf32, #tpu.memory_space<vmem>> -> memref<128x64xf32, #tpu.memory_space<vmem>>
      tpu.enqueue_dma source(%dma_start3A_812 : memref<128x64xf32, #tpu.memory_space<vmem>>) target(%dma_start3A_808 : memref<128x64xf32, #tpu.memory_space<hbm>>) target_semaphore(%arg13 : memref<!tpu.dma_semaphore, #tpu.memory_space<semaphore_mem>>)
      %add3A_813 = arith.constant 2 : i32
      %add3A_814 = arith.addi %add3A_548, %add3A_813 : i32
      %get3A_815 = arith.constant 0 : i32
      %get3A_816 = tpu.memref_slice %arg5[%add3A_814, %get3A_815] : memref<200x128xi32, #tpu.memory_space<vmem>> -> memref<1x128xi32, #tpu.memory_space<vmem>>
      %get3A_817 = tpu.memref_squeeze %get3A_816 : memref<1x128xi32, #tpu.memory_space<vmem>> -> memref<128xi32, #tpu.memory_space<vmem>>
      %get3A_818 = arith.constant 0 : index
      %get3A_819 = tpu.vector_load %get3A_817[%get3A_818] {strides = array<i32>} : memref<128xi32, #tpu.memory_space<vmem>>, vector<16xi32>,
      %get3A_820 = vector.shape_cast %get3A_819 : vector<16xi32> to vector<16xi32>
      %dma_wait3A_821 = arith.constant 2 : i32
      %dma_wait3A_822 = arith.constant 0 : i32
      %dma_wait3A_823 = arith.constant 0 : i32
      %dma_wait3A_824 = tpu.memref_slice %arg6[%dma_wait3A_821, %dma_wait3A_822, %dma_wait3A_823] : memref<4x128x64xf32, #tpu.memory_space<vmem>> -> memref<1x16x64xf32, #tpu.memory_space<vmem>>
      %dma_wait3A_825 = tpu.memref_squeeze %dma_wait3A_824 : memref<1x16x64xf32, #tpu.memory_space<vmem>> -> memref<16x64xf32, #tpu.memory_space<vmem>>
      %dma_wait3A_826 = arith.constant 0 : i32
      %dma_wait3A_827 = arith.constant 0 : i32
      %dma_wait3A_828 = tpu.memref_slice %arg3[%dma_wait3A_826, %dma_wait3A_827] : memref<1000000x64xf32, #tpu.memory_space<hbm>> -> memref<1000000x64xf32, #tpu.memory_space<hbm>>
      tpu.wait_indirect_dma semaphore(%arg10 : memref<!tpu.dma_semaphore, #tpu.memory_space<semaphore_mem>>) src(%dma_wait3A_828 : memref<1000000x64xf32, #tpu.memory_space<hbm>>) dst(%dma_wait3A_825 : memref<16x64xf32, #tpu.memory_space<vmem>>)
      %get3A_829 = arith.constant 0 : i32
      %get3A_830 = tpu.memref_slice %arg5[%add3A_814, %get3A_829] : memref<200x128xi32, #tpu.memory_space<vmem>> -> memref<1x128xi32, #tpu.memory_space<vmem>>
      %get3A_831 = tpu.memref_squeeze %get3A_830 : memref<1x128xi32, #tpu.memory_space<vmem>> -> memref<128xi32, #tpu.memory_space<vmem>>
      %get3A_832 = arith.constant 16 : index
      %get3A_833 = tpu.vector_load %get3A_831[%get3A_832] {strides = array<i32>} : memref<128xi32, #tpu.memory_space<vmem>>, vector<16xi32>,
      %get3A_834 = vector.shape_cast %get3A_833 : vector<16xi32> to vector<16xi32>
      %dma_wait3A_835 = arith.constant 2 : i32
      %dma_wait3A_836 = arith.constant 16 : i32
      %dma_wait3A_837 = arith.constant 0 : i32
      %dma_wait3A_838 = tpu.memref_slice %arg6[%dma_wait3A_835, %dma_wait3A_836, %dma_wait3A_837] : memref<4x128x64xf32, #tpu.memory_space<vmem>> -> memref<1x16x64xf32, #tpu.memory_space<vmem>>
      %dma_wait3A_839 = tpu.memref_squeeze %dma_wait3A_838 : memref<1x16x64xf32, #tpu.memory_space<vmem>> -> memref<16x64xf32, #tpu.memory_space<vmem>>
      %dma_wait3A_840 = arith.constant 0 : i32
      %dma_wait3A_841 = arith.constant 0 : i32
      %dma_wait3A_842 = tpu.memref_slice %arg3[%dma_wait3A_840, %dma_wait3A_841] : memref<1000000x64xf32, #tpu.memory_space<hbm>> -> memref<1000000x64xf32, #tpu.memory_space<hbm>>
      tpu.wait_indirect_dma semaphore(%arg10 : memref<!tpu.dma_semaphore, #tpu.memory_space<semaphore_mem>>) src(%dma_wait3A_842 : memref<1000000x64xf32, #tpu.memory_space<hbm>>) dst(%dma_wait3A_839 : memref<16x64xf32, #tpu.memory_space<vmem>>)
      %get3A_843 = arith.constant 0 : i32
      %get3A_844 = tpu.memref_slice %arg5[%add3A_814, %get3A_843] : memref<200x128xi32, #tpu.memory_space<vmem>> -> memref<1x128xi32, #tpu.memory_space<vmem>>
      %get3A_845 = tpu.memref_squeeze %get3A_844 : memref<1x128xi32, #tpu.memory_space<vmem>> -> memref<128xi32, #tpu.memory_space<vmem>>
      %get3A_846 = arith.constant 32 : index
      %get3A_847 = tpu.vector_load %get3A_845[%get3A_846] {strides = array<i32>} : memref<128xi32, #tpu.memory_space<vmem>>, vector<16xi32>,
      %get3A_848 = vector.shape_cast %get3A_847 : vector<16xi32> to vector<16xi32>
      %dma_wait3A_849 = arith.constant 2 : i32
      %dma_wait3A_850 = arith.constant 32 : i32
      %dma_wait3A_851 = arith.constant 0 : i32
      %dma_wait3A_852 = tpu.memref_slice %arg6[%dma_wait3A_849, %dma_wait3A_850, %dma_wait3A_851] : memref<4x128x64xf32, #tpu.memory_space<vmem>> -> memref<1x16x64xf32, #tpu.memory_space<vmem>>
      %dma_wait3A_853 = tpu.memref_squeeze %dma_wait3A_852 : memref<1x16x64xf32, #tpu.memory_space<vmem>> -> memref<16x64xf32, #tpu.memory_space<vmem>>
      %dma_wait3A_854 = arith.constant 0 : i32
      %dma_wait3A_855 = arith.constant 0 : i32
      %dma_wait3A_856 = tpu.memref_slice %arg3[%dma_wait3A_854, %dma_wait3A_855] : memref<1000000x64xf32, #tpu.memory_space<hbm>> -> memref<1000000x64xf32, #tpu.memory_space<hbm>>
      tpu.wait_indirect_dma semaphore(%arg10 : memref<!tpu.dma_semaphore, #tpu.memory_space<semaphore_mem>>) src(%dma_wait3A_856 : memref<1000000x64xf32, #tpu.memory_space<hbm>>) dst(%dma_wait3A_853 : memref<16x64xf32, #tpu.memory_space<vmem>>)
      %get3A_857 = arith.constant 0 : i32
      %get3A_858 = tpu.memref_slice %arg5[%add3A_814, %get3A_857] : memref<200x128xi32, #tpu.memory_space<vmem>> -> memref<1x128xi32, #tpu.memory_space<vmem>>
      %get3A_859 = tpu.memref_squeeze %get3A_858 : memref<1x128xi32, #tpu.memory_space<vmem>> -> memref<128xi32, #tpu.memory_space<vmem>>
      %get3A_860 = arith.constant 48 : index
      %get3A_861 = tpu.vector_load %get3A_859[%get3A_860] {strides = array<i32>} : memref<128xi32, #tpu.memory_space<vmem>>, vector<16xi32>,
      %get3A_862 = vector.shape_cast %get3A_861 : vector<16xi32> to vector<16xi32>
      %dma_wait3A_863 = arith.constant 2 : i32
      %dma_wait3A_864 = arith.constant 48 : i32
      %dma_wait3A_865 = arith.constant 0 : i32
      %dma_wait3A_866 = tpu.memref_slice %arg6[%dma_wait3A_863, %dma_wait3A_864, %dma_wait3A_865] : memref<4x128x64xf32, #tpu.memory_space<vmem>> -> memref<1x16x64xf32, #tpu.memory_space<vmem>>
      %dma_wait3A_867 = tpu.memref_squeeze %dma_wait3A_866 : memref<1x16x64xf32, #tpu.memory_space<vmem>> -> memref<16x64xf32, #tpu.memory_space<vmem>>
      %dma_wait3A_868 = arith.constant 0 : i32
      %dma_wait3A_869 = arith.constant 0 : i32
      %dma_wait3A_870 = tpu.memref_slice %arg3[%dma_wait3A_868, %dma_wait3A_869] : memref<1000000x64xf32, #tpu.memory_space<hbm>> -> memref<1000000x64xf32, #tpu.memory_space<hbm>>
      tpu.wait_indirect_dma semaphore(%arg10 : memref<!tpu.dma_semaphore, #tpu.memory_space<semaphore_mem>>) src(%dma_wait3A_870 : memref<1000000x64xf32, #tpu.memory_space<hbm>>) dst(%dma_wait3A_867 : memref<16x64xf32, #tpu.memory_space<vmem>>)
      %get3A_871 = arith.constant 0 : i32
      %get3A_872 = tpu.memref_slice %arg5[%add3A_814, %get3A_871] : memref<200x128xi32, #tpu.memory_space<vmem>> -> memref<1x128xi32, #tpu.memory_space<vmem>>
      %get3A_873 = tpu.memref_squeeze %get3A_872 : memref<1x128xi32, #tpu.memory_space<vmem>> -> memref<128xi32, #tpu.memory_space<vmem>>
      %get3A_874 = arith.constant 64 : index
      %get3A_875 = tpu.vector_load %get3A_873[%get3A_874] {strides = array<i32>} : memref<128xi32, #tpu.memory_space<vmem>>, vector<16xi32>,
      %get3A_876 = vector.shape_cast %get3A_875 : vector<16xi32> to vector<16xi32>
      %dma_wait3A_877 = arith.constant 2 : i32
      %dma_wait3A_878 = arith.constant 64 : i32
      %dma_wait3A_879 = arith.constant 0 : i32
      %dma_wait3A_880 = tpu.memref_slice %arg6[%dma_wait3A_877, %dma_wait3A_878, %dma_wait3A_879] : memref<4x128x64xf32, #tpu.memory_space<vmem>> -> memref<1x16x64xf32, #tpu.memory_space<vmem>>
      %dma_wait3A_881 = tpu.memref_squeeze %dma_wait3A_880 : memref<1x16x64xf32, #tpu.memory_space<vmem>> -> memref<16x64xf32, #tpu.memory_space<vmem>>
      %dma_wait3A_882 = arith.constant 0 : i32
      %dma_wait3A_883 = arith.constant 0 : i32
      %dma_wait3A_884 = tpu.memref_slice %arg3[%dma_wait3A_882, %dma_wait3A_883] : memref<1000000x64xf32, #tpu.memory_space<hbm>> -> memref<1000000x64xf32, #tpu.memory_space<hbm>>
      tpu.wait_indirect_dma semaphore(%arg10 : memref<!tpu.dma_semaphore, #tpu.memory_space<semaphore_mem>>) src(%dma_wait3A_884 : memref<1000000x64xf32, #tpu.memory_space<hbm>>) dst(%dma_wait3A_881 : memref<16x64xf32, #tpu.memory_space<vmem>>)
      %get3A_885 = arith.constant 0 : i32
      %get3A_886 = tpu.memref_slice %arg5[%add3A_814, %get3A_885] : memref<200x128xi32, #tpu.memory_space<vmem>> -> memref<1x128xi32, #tpu.memory_space<vmem>>
      %get3A_887 = tpu.memref_squeeze %get3A_886 : memref<1x128xi32, #tpu.memory_space<vmem>> -> memref<128xi32, #tpu.memory_space<vmem>>
      %get3A_888 = arith.constant 80 : index
      %get3A_889 = tpu.vector_load %get3A_887[%get3A_888] {strides = array<i32>} : memref<128xi32, #tpu.memory_space<vmem>>, vector<16xi32>,
      %get3A_890 = vector.shape_cast %get3A_889 : vector<16xi32> to vector<16xi32>
      %dma_wait3A_891 = arith.constant 2 : i32
      %dma_wait3A_892 = arith.constant 80 : i32
      %dma_wait3A_893 = arith.constant 0 : i32
      %dma_wait3A_894 = tpu.memref_slice %arg6[%dma_wait3A_891, %dma_wait3A_892, %dma_wait3A_893] : memref<4x128x64xf32, #tpu.memory_space<vmem>> -> memref<1x16x64xf32, #tpu.memory_space<vmem>>
      %dma_wait3A_895 = tpu.memref_squeeze %dma_wait3A_894 : memref<1x16x64xf32, #tpu.memory_space<vmem>> -> memref<16x64xf32, #tpu.memory_space<vmem>>
      %dma_wait3A_896 = arith.constant 0 : i32
      %dma_wait3A_897 = arith.constant 0 : i32
      %dma_wait3A_898 = tpu.memref_slice %arg3[%dma_wait3A_896, %dma_wait3A_897] : memref<1000000x64xf32, #tpu.memory_space<hbm>> -> memref<1000000x64xf32, #tpu.memory_space<hbm>>
      tpu.wait_indirect_dma semaphore(%arg10 : memref<!tpu.dma_semaphore, #tpu.memory_space<semaphore_mem>>) src(%dma_wait3A_898 : memref<1000000x64xf32, #tpu.memory_space<hbm>>) dst(%dma_wait3A_895 : memref<16x64xf32, #tpu.memory_space<vmem>>)
      %get3A_899 = arith.constant 0 : i32
      %get3A_900 = tpu.memref_slice %arg5[%add3A_814, %get3A_899] : memref<200x128xi32, #tpu.memory_space<vmem>> -> memref<1x128xi32, #tpu.memory_space<vmem>>
      %get3A_901 = tpu.memref_squeeze %get3A_900 : memref<1x128xi32, #tpu.memory_space<vmem>> -> memref<128xi32, #tpu.memory_space<vmem>>
      %get3A_902 = arith.constant 96 : index
      %get3A_903 = tpu.vector_load %get3A_901[%get3A_902] {strides = array<i32>} : memref<128xi32, #tpu.memory_space<vmem>>, vector<16xi32>,
      %get3A_904 = vector.shape_cast %get3A_903 : vector<16xi32> to vector<16xi32>
      %dma_wait3A_905 = arith.constant 2 : i32
      %dma_wait3A_906 = arith.constant 96 : i32
      %dma_wait3A_907 = arith.constant 0 : i32
      %dma_wait3A_908 = tpu.memref_slice %arg6[%dma_wait3A_905, %dma_wait3A_906, %dma_wait3A_907] : memref<4x128x64xf32, #tpu.memory_space<vmem>> -> memref<1x16x64xf32, #tpu.memory_space<vmem>>
      %dma_wait3A_909 = tpu.memref_squeeze %dma_wait3A_908 : memref<1x16x64xf32, #tpu.memory_space<vmem>> -> memref<16x64xf32, #tpu.memory_space<vmem>>
      %dma_wait3A_910 = arith.constant 0 : i32
      %dma_wait3A_911 = arith.constant 0 : i32
      %dma_wait3A_912 = tpu.memref_slice %arg3[%dma_wait3A_910, %dma_wait3A_911] : memref<1000000x64xf32, #tpu.memory_space<hbm>> -> memref<1000000x64xf32, #tpu.memory_space<hbm>>
      tpu.wait_indirect_dma semaphore(%arg10 : memref<!tpu.dma_semaphore, #tpu.memory_space<semaphore_mem>>) src(%dma_wait3A_912 : memref<1000000x64xf32, #tpu.memory_space<hbm>>) dst(%dma_wait3A_909 : memref<16x64xf32, #tpu.memory_space<vmem>>)
      %get3A_913 = arith.constant 0 : i32
      %get3A_914 = tpu.memref_slice %arg5[%add3A_814, %get3A_913] : memref<200x128xi32, #tpu.memory_space<vmem>> -> memref<1x128xi32, #tpu.memory_space<vmem>>
      %get3A_915 = tpu.memref_squeeze %get3A_914 : memref<1x128xi32, #tpu.memory_space<vmem>> -> memref<128xi32, #tpu.memory_space<vmem>>
      %get3A_916 = arith.constant 112 : index
      %get3A_917 = tpu.vector_load %get3A_915[%get3A_916] {strides = array<i32>} : memref<128xi32, #tpu.memory_space<vmem>>, vector<16xi32>,
      %get3A_918 = vector.shape_cast %get3A_917 : vector<16xi32> to vector<16xi32>
      %dma_wait3A_919 = arith.constant 2 : i32
      %dma_wait3A_920 = arith.constant 112 : i32
      %dma_wait3A_921 = arith.constant 0 : i32
      %dma_wait3A_922 = tpu.memref_slice %arg6[%dma_wait3A_919, %dma_wait3A_920, %dma_wait3A_921] : memref<4x128x64xf32, #tpu.memory_space<vmem>> -> memref<1x16x64xf32, #tpu.memory_space<vmem>>
      %dma_wait3A_923 = tpu.memref_squeeze %dma_wait3A_922 : memref<1x16x64xf32, #tpu.memory_space<vmem>> -> memref<16x64xf32, #tpu.memory_space<vmem>>
      %dma_wait3A_924 = arith.constant 0 : i32
      %dma_wait3A_925 = arith.constant 0 : i32
      %dma_wait3A_926 = tpu.memref_slice %arg3[%dma_wait3A_924, %dma_wait3A_925] : memref<1000000x64xf32, #tpu.memory_space<hbm>> -> memref<1000000x64xf32, #tpu.memory_space<hbm>>
      tpu.wait_indirect_dma semaphore(%arg10 : memref<!tpu.dma_semaphore, #tpu.memory_space<semaphore_mem>>) src(%dma_wait3A_926 : memref<1000000x64xf32, #tpu.memory_space<hbm>>) dst(%dma_wait3A_923 : memref<16x64xf32, #tpu.memory_space<vmem>>)
      %add3A_927 = arith.constant 2 : i32
      %add3A_928 = arith.addi %add3A_548, %add3A_927 : i32
      %mul3A_929 = arith.constant 128 : i32
      %mul3A_930 = arith.muli %add3A_928, %mul3A_929 : i32
      %add3A_931 = arith.addi %mul3A_2, %mul3A_930 : i32
      %dma_start3A_932 = arith.constant 2 : i32
      %dma_start3A_933 = arith.constant 0 : i32
      %dma_start3A_934 = arith.constant 0 : i32
      %dma_start3A_935 = tpu.memref_slice %arg6[%dma_start3A_932, %dma_start3A_933, %dma_start3A_934] : memref<4x128x64xf32, #tpu.memory_space<vmem>> -> memref<1x128x64xf32, #tpu.memory_space<vmem>>
      %dma_start3A_936 = tpu.memref_squeeze %dma_start3A_935 : memref<1x128x64xf32, #tpu.memory_space<vmem>> -> memref<128x64xf32, #tpu.memory_space<vmem>>
      %dma_start3A_937 = arith.constant 0 : i32
      %dma_start3A_938 = tpu.memref_slice %arg4[%add3A_931, %dma_start3A_937] : memref<819200x128xf32, #tpu.memory_space<hbm>> -> memref<128x64xf32, #tpu.memory_space<hbm>>
      %dma_start3A_939 = arith.constant 0 : i32
      %dma_start3A_940 = tpu.memref_slice %arg4[%add3A_931, %dma_start3A_939] : memref<819200x128xf32, #tpu.memory_space<hbm>> -> memref<128x64xf32, #tpu.memory_space<hbm>>
      %dma_start3A_941 = arith.constant 0 : i32
      %dma_start3A_942 = arith.constant 0 : i32
      %dma_start3A_943 = tpu.memref_slice %arg6[%dma_start3A_932, %dma_start3A_941, %dma_start3A_942] : memref<4x128x64xf32, #tpu.memory_space<vmem>> -> memref<1x128x64xf32, #tpu.memory_space<vmem>>
      %dma_start3A_944 = tpu.memref_squeeze %dma_start3A_943 : memref<1x128x64xf32, #tpu.memory_space<vmem>> -> memref<128x64xf32, #tpu.memory_space<vmem>>
      tpu.enqueue_dma source(%dma_start3A_944 : memref<128x64xf32, #tpu.memory_space<vmem>>) target(%dma_start3A_940 : memref<128x64xf32, #tpu.memory_space<hbm>>) target_semaphore(%arg14 : memref<!tpu.dma_semaphore, #tpu.memory_space<semaphore_mem>>)
      %add3A_945 = arith.constant 3 : i32
      %add3A_946 = arith.addi %add3A_548, %add3A_945 : i32
      %get3A_947 = arith.constant 0 : i32
      %get3A_948 = tpu.memref_slice %arg5[%add3A_946, %get3A_947] : memref<200x128xi32, #tpu.memory_space<vmem>> -> memref<1x128xi32, #tpu.memory_space<vmem>>
      %get3A_949 = tpu.memref_squeeze %get3A_948 : memref<1x128xi32, #tpu.memory_space<vmem>> -> memref<128xi32, #tpu.memory_space<vmem>>
      %get3A_950 = arith.constant 0 : index
      %get3A_951 = tpu.vector_load %get3A_949[%get3A_950] {strides = array<i32>} : memref<128xi32, #tpu.memory_space<vmem>>, vector<16xi32>,
      %get3A_952 = vector.shape_cast %get3A_951 : vector<16xi32> to vector<16xi32>
      %dma_wait3A_953 = arith.constant 3 : i32
      %dma_wait3A_954 = arith.constant 0 : i32
      %dma_wait3A_955 = arith.constant 0 : i32
      %dma_wait3A_956 = tpu.memref_slice %arg6[%dma_wait3A_953, %dma_wait3A_954, %dma_wait3A_955] : memref<4x128x64xf32, #tpu.memory_space<vmem>> -> memref<1x16x64xf32, #tpu.memory_space<vmem>>
      %dma_wait3A_957 = tpu.memref_squeeze %dma_wait3A_956 : memref<1x16x64xf32, #tpu.memory_space<vmem>> -> memref<16x64xf32, #tpu.memory_space<vmem>>
      %dma_wait3A_958 = arith.constant 0 : i32
      %dma_wait3A_959 = arith.constant 0 : i32
      %dma_wait3A_960 = tpu.memref_slice %arg3[%dma_wait3A_958, %dma_wait3A_959] : memref<1000000x64xf32, #tpu.memory_space<hbm>> -> memref<1000000x64xf32, #tpu.memory_space<hbm>>
      tpu.wait_indirect_dma semaphore(%arg11 : memref<!tpu.dma_semaphore, #tpu.memory_space<semaphore_mem>>) src(%dma_wait3A_960 : memref<1000000x64xf32, #tpu.memory_space<hbm>>) dst(%dma_wait3A_957 : memref<16x64xf32, #tpu.memory_space<vmem>>)
      %get3A_961 = arith.constant 0 : i32
      %get3A_962 = tpu.memref_slice %arg5[%add3A_946, %get3A_961] : memref<200x128xi32, #tpu.memory_space<vmem>> -> memref<1x128xi32, #tpu.memory_space<vmem>>
      %get3A_963 = tpu.memref_squeeze %get3A_962 : memref<1x128xi32, #tpu.memory_space<vmem>> -> memref<128xi32, #tpu.memory_space<vmem>>
      %get3A_964 = arith.constant 16 : index
      %get3A_965 = tpu.vector_load %get3A_963[%get3A_964] {strides = array<i32>} : memref<128xi32, #tpu.memory_space<vmem>>, vector<16xi32>,
      %get3A_966 = vector.shape_cast %get3A_965 : vector<16xi32> to vector<16xi32>
      %dma_wait3A_967 = arith.constant 3 : i32
      %dma_wait3A_968 = arith.constant 16 : i32
      %dma_wait3A_969 = arith.constant 0 : i32
      %dma_wait3A_970 = tpu.memref_slice %arg6[%dma_wait3A_967, %dma_wait3A_968, %dma_wait3A_969] : memref<4x128x64xf32, #tpu.memory_space<vmem>> -> memref<1x16x64xf32, #tpu.memory_space<vmem>>
      %dma_wait3A_971 = tpu.memref_squeeze %dma_wait3A_970 : memref<1x16x64xf32, #tpu.memory_space<vmem>> -> memref<16x64xf32, #tpu.memory_space<vmem>>
      %dma_wait3A_972 = arith.constant 0 : i32
      %dma_wait3A_973 = arith.constant 0 : i32
      %dma_wait3A_974 = tpu.memref_slice %arg3[%dma_wait3A_972, %dma_wait3A_973] : memref<1000000x64xf32, #tpu.memory_space<hbm>> -> memref<1000000x64xf32, #tpu.memory_space<hbm>>
      tpu.wait_indirect_dma semaphore(%arg11 : memref<!tpu.dma_semaphore, #tpu.memory_space<semaphore_mem>>) src(%dma_wait3A_974 : memref<1000000x64xf32, #tpu.memory_space<hbm>>) dst(%dma_wait3A_971 : memref<16x64xf32, #tpu.memory_space<vmem>>)
      %get3A_975 = arith.constant 0 : i32
      %get3A_976 = tpu.memref_slice %arg5[%add3A_946, %get3A_975] : memref<200x128xi32, #tpu.memory_space<vmem>> -> memref<1x128xi32, #tpu.memory_space<vmem>>
      %get3A_977 = tpu.memref_squeeze %get3A_976 : memref<1x128xi32, #tpu.memory_space<vmem>> -> memref<128xi32, #tpu.memory_space<vmem>>
      %get3A_978 = arith.constant 32 : index
      %get3A_979 = tpu.vector_load %get3A_977[%get3A_978] {strides = array<i32>} : memref<128xi32, #tpu.memory_space<vmem>>, vector<16xi32>,
      %get3A_980 = vector.shape_cast %get3A_979 : vector<16xi32> to vector<16xi32>
      %dma_wait3A_981 = arith.constant 3 : i32
      %dma_wait3A_982 = arith.constant 32 : i32
      %dma_wait3A_983 = arith.constant 0 : i32
      %dma_wait3A_984 = tpu.memref_slice %arg6[%dma_wait3A_981, %dma_wait3A_982, %dma_wait3A_983] : memref<4x128x64xf32, #tpu.memory_space<vmem>> -> memref<1x16x64xf32, #tpu.memory_space<vmem>>
      %dma_wait3A_985 = tpu.memref_squeeze %dma_wait3A_984 : memref<1x16x64xf32, #tpu.memory_space<vmem>> -> memref<16x64xf32, #tpu.memory_space<vmem>>
      %dma_wait3A_986 = arith.constant 0 : i32
      %dma_wait3A_987 = arith.constant 0 : i32
      %dma_wait3A_988 = tpu.memref_slice %arg3[%dma_wait3A_986, %dma_wait3A_987] : memref<1000000x64xf32, #tpu.memory_space<hbm>> -> memref<1000000x64xf32, #tpu.memory_space<hbm>>
      tpu.wait_indirect_dma semaphore(%arg11 : memref<!tpu.dma_semaphore, #tpu.memory_space<semaphore_mem>>) src(%dma_wait3A_988 : memref<1000000x64xf32, #tpu.memory_space<hbm>>) dst(%dma_wait3A_985 : memref<16x64xf32, #tpu.memory_space<vmem>>)
      %get3A_989 = arith.constant 0 : i32
      %get3A_990 = tpu.memref_slice %arg5[%add3A_946, %get3A_989] : memref<200x128xi32, #tpu.memory_space<vmem>> -> memref<1x128xi32, #tpu.memory_space<vmem>>
      %get3A_991 = tpu.memref_squeeze %get3A_990 : memref<1x128xi32, #tpu.memory_space<vmem>> -> memref<128xi32, #tpu.memory_space<vmem>>
      %get3A_992 = arith.constant 48 : index
      %get3A_993 = tpu.vector_load %get3A_991[%get3A_992] {strides = array<i32>} : memref<128xi32, #tpu.memory_space<vmem>>, vector<16xi32>,
      %get3A_994 = vector.shape_cast %get3A_993 : vector<16xi32> to vector<16xi32>
      %dma_wait3A_995 = arith.constant 3 : i32
      %dma_wait3A_996 = arith.constant 48 : i32
      %dma_wait3A_997 = arith.constant 0 : i32
      %dma_wait3A_998 = tpu.memref_slice %arg6[%dma_wait3A_995, %dma_wait3A_996, %dma_wait3A_997] : memref<4x128x64xf32, #tpu.memory_space<vmem>> -> memref<1x16x64xf32, #tpu.memory_space<vmem>>
      %dma_wait3A_999 = tpu.memref_squeeze %dma_wait3A_998 : memref<1x16x64xf32, #tpu.memory_space<vmem>> -> memref<16x64xf32, #tpu.memory_space<vmem>>
      %dma_wait3A_1000 = arith.constant 0 : i32
      %dma_wait3A_1001 = arith.constant 0 : i32
      %dma_wait3A_1002 = tpu.memref_slice %arg3[%dma_wait3A_1000, %dma_wait3A_1001] : memref<1000000x64xf32, #tpu.memory_space<hbm>> -> memref<1000000x64xf32, #tpu.memory_space<hbm>>
      tpu.wait_indirect_dma semaphore(%arg11 : memref<!tpu.dma_semaphore, #tpu.memory_space<semaphore_mem>>) src(%dma_wait3A_1002 : memref<1000000x64xf32, #tpu.memory_space<hbm>>) dst(%dma_wait3A_999 : memref<16x64xf32, #tpu.memory_space<vmem>>)
      %get3A_1003 = arith.constant 0 : i32
      %get3A_1004 = tpu.memref_slice %arg5[%add3A_946, %get3A_1003] : memref<200x128xi32, #tpu.memory_space<vmem>> -> memref<1x128xi32, #tpu.memory_space<vmem>>
      %get3A_1005 = tpu.memref_squeeze %get3A_1004 : memref<1x128xi32, #tpu.memory_space<vmem>> -> memref<128xi32, #tpu.memory_space<vmem>>
      %get3A_1006 = arith.constant 64 : index
      %get3A_1007 = tpu.vector_load %get3A_1005[%get3A_1006] {strides = array<i32>} : memref<128xi32, #tpu.memory_space<vmem>>, vector<16xi32>,
      %get3A_1008 = vector.shape_cast %get3A_1007 : vector<16xi32> to vector<16xi32>
      %dma_wait3A_1009 = arith.constant 3 : i32
      %dma_wait3A_1010 = arith.constant 64 : i32
      %dma_wait3A_1011 = arith.constant 0 : i32
      %dma_wait3A_1012 = tpu.memref_slice %arg6[%dma_wait3A_1009, %dma_wait3A_1010, %dma_wait3A_1011] : memref<4x128x64xf32, #tpu.memory_space<vmem>> -> memref<1x16x64xf32, #tpu.memory_space<vmem>>
      %dma_wait3A_1013 = tpu.memref_squeeze %dma_wait3A_1012 : memref<1x16x64xf32, #tpu.memory_space<vmem>> -> memref<16x64xf32, #tpu.memory_space<vmem>>
      %dma_wait3A_1014 = arith.constant 0 : i32
      %dma_wait3A_1015 = arith.constant 0 : i32
      %dma_wait3A_1016 = tpu.memref_slice %arg3[%dma_wait3A_1014, %dma_wait3A_1015] : memref<1000000x64xf32, #tpu.memory_space<hbm>> -> memref<1000000x64xf32, #tpu.memory_space<hbm>>
      tpu.wait_indirect_dma semaphore(%arg11 : memref<!tpu.dma_semaphore, #tpu.memory_space<semaphore_mem>>) src(%dma_wait3A_1016 : memref<1000000x64xf32, #tpu.memory_space<hbm>>) dst(%dma_wait3A_1013 : memref<16x64xf32, #tpu.memory_space<vmem>>)
      %get3A_1017 = arith.constant 0 : i32
      %get3A_1018 = tpu.memref_slice %arg5[%add3A_946, %get3A_1017] : memref<200x128xi32, #tpu.memory_space<vmem>> -> memref<1x128xi32, #tpu.memory_space<vmem>>
      %get3A_1019 = tpu.memref_squeeze %get3A_1018 : memref<1x128xi32, #tpu.memory_space<vmem>> -> memref<128xi32, #tpu.memory_space<vmem>>
      %get3A_1020 = arith.constant 80 : index
      %get3A_1021 = tpu.vector_load %get3A_1019[%get3A_1020] {strides = array<i32>} : memref<128xi32, #tpu.memory_space<vmem>>, vector<16xi32>,
      %get3A_1022 = vector.shape_cast %get3A_1021 : vector<16xi32> to vector<16xi32>
      %dma_wait3A_1023 = arith.constant 3 : i32
      %dma_wait3A_1024 = arith.constant 80 : i32
      %dma_wait3A_1025 = arith.constant 0 : i32
      %dma_wait3A_1026 = tpu.memref_slice %arg6[%dma_wait3A_1023, %dma_wait3A_1024, %dma_wait3A_1025] : memref<4x128x64xf32, #tpu.memory_space<vmem>> -> memref<1x16x64xf32, #tpu.memory_space<vmem>>
      %dma_wait3A_1027 = tpu.memref_squeeze %dma_wait3A_1026 : memref<1x16x64xf32, #tpu.memory_space<vmem>> -> memref<16x64xf32, #tpu.memory_space<vmem>>
      %dma_wait3A_1028 = arith.constant 0 : i32
      %dma_wait3A_1029 = arith.constant 0 : i32
      %dma_wait3A_1030 = tpu.memref_slice %arg3[%dma_wait3A_1028, %dma_wait3A_1029] : memref<1000000x64xf32, #tpu.memory_space<hbm>> -> memref<1000000x64xf32, #tpu.memory_space<hbm>>
      tpu.wait_indirect_dma semaphore(%arg11 : memref<!tpu.dma_semaphore, #tpu.memory_space<semaphore_mem>>) src(%dma_wait3A_1030 : memref<1000000x64xf32, #tpu.memory_space<hbm>>) dst(%dma_wait3A_1027 : memref<16x64xf32, #tpu.memory_space<vmem>>)
      %get3A_1031 = arith.constant 0 : i32
      %get3A_1032 = tpu.memref_slice %arg5[%add3A_946, %get3A_1031] : memref<200x128xi32, #tpu.memory_space<vmem>> -> memref<1x128xi32, #tpu.memory_space<vmem>>
      %get3A_1033 = tpu.memref_squeeze %get3A_1032 : memref<1x128xi32, #tpu.memory_space<vmem>> -> memref<128xi32, #tpu.memory_space<vmem>>
      %get3A_1034 = arith.constant 96 : index
      %get3A_1035 = tpu.vector_load %get3A_1033[%get3A_1034] {strides = array<i32>} : memref<128xi32, #tpu.memory_space<vmem>>, vector<16xi32>,
      %get3A_1036 = vector.shape_cast %get3A_1035 : vector<16xi32> to vector<16xi32>
      %dma_wait3A_1037 = arith.constant 3 : i32
      %dma_wait3A_1038 = arith.constant 96 : i32
      %dma_wait3A_1039 = arith.constant 0 : i32
      %dma_wait3A_1040 = tpu.memref_slice %arg6[%dma_wait3A_1037, %dma_wait3A_1038, %dma_wait3A_1039] : memref<4x128x64xf32, #tpu.memory_space<vmem>> -> memref<1x16x64xf32, #tpu.memory_space<vmem>>
      %dma_wait3A_1041 = tpu.memref_squeeze %dma_wait3A_1040 : memref<1x16x64xf32, #tpu.memory_space<vmem>> -> memref<16x64xf32, #tpu.memory_space<vmem>>
      %dma_wait3A_1042 = arith.constant 0 : i32
      %dma_wait3A_1043 = arith.constant 0 : i32
      %dma_wait3A_1044 = tpu.memref_slice %arg3[%dma_wait3A_1042, %dma_wait3A_1043] : memref<1000000x64xf32, #tpu.memory_space<hbm>> -> memref<1000000x64xf32, #tpu.memory_space<hbm>>
      tpu.wait_indirect_dma semaphore(%arg11 : memref<!tpu.dma_semaphore, #tpu.memory_space<semaphore_mem>>) src(%dma_wait3A_1044 : memref<1000000x64xf32, #tpu.memory_space<hbm>>) dst(%dma_wait3A_1041 : memref<16x64xf32, #tpu.memory_space<vmem>>)
      %get3A_1045 = arith.constant 0 : i32
      %get3A_1046 = tpu.memref_slice %arg5[%add3A_946, %get3A_1045] : memref<200x128xi32, #tpu.memory_space<vmem>> -> memref<1x128xi32, #tpu.memory_space<vmem>>
      %get3A_1047 = tpu.memref_squeeze %get3A_1046 : memref<1x128xi32, #tpu.memory_space<vmem>> -> memref<128xi32, #tpu.memory_space<vmem>>
      %get3A_1048 = arith.constant 112 : index
      %get3A_1049 = tpu.vector_load %get3A_1047[%get3A_1048] {strides = array<i32>} : memref<128xi32, #tpu.memory_space<vmem>>, vector<16xi32>,
      %get3A_1050 = vector.shape_cast %get3A_1049 : vector<16xi32> to vector<16xi32>
      %dma_wait3A_1051 = arith.constant 3 : i32
      %dma_wait3A_1052 = arith.constant 112 : i32
      %dma_wait3A_1053 = arith.constant 0 : i32
      %dma_wait3A_1054 = tpu.memref_slice %arg6[%dma_wait3A_1051, %dma_wait3A_1052, %dma_wait3A_1053] : memref<4x128x64xf32, #tpu.memory_space<vmem>> -> memref<1x16x64xf32, #tpu.memory_space<vmem>>
      %dma_wait3A_1055 = tpu.memref_squeeze %dma_wait3A_1054 : memref<1x16x64xf32, #tpu.memory_space<vmem>> -> memref<16x64xf32, #tpu.memory_space<vmem>>
      %dma_wait3A_1056 = arith.constant 0 : i32
      %dma_wait3A_1057 = arith.constant 0 : i32
      %dma_wait3A_1058 = tpu.memref_slice %arg3[%dma_wait3A_1056, %dma_wait3A_1057] : memref<1000000x64xf32, #tpu.memory_space<hbm>> -> memref<1000000x64xf32, #tpu.memory_space<hbm>>
      tpu.wait_indirect_dma semaphore(%arg11 : memref<!tpu.dma_semaphore, #tpu.memory_space<semaphore_mem>>) src(%dma_wait3A_1058 : memref<1000000x64xf32, #tpu.memory_space<hbm>>) dst(%dma_wait3A_1055 : memref<16x64xf32, #tpu.memory_space<vmem>>)
      %add3A_1059 = arith.constant 3 : i32
      %add3A_1060 = arith.addi %add3A_548, %add3A_1059 : i32
      %mul3A_1061 = arith.constant 128 : i32
      %mul3A_1062 = arith.muli %add3A_1060, %mul3A_1061 : i32
      %add3A_1063 = arith.addi %mul3A_2, %mul3A_1062 : i32
      %dma_start3A_1064 = arith.constant 3 : i32
      %dma_start3A_1065 = arith.constant 0 : i32
      %dma_start3A_1066 = arith.constant 0 : i32
      %dma_start3A_1067 = tpu.memref_slice %arg6[%dma_start3A_1064, %dma_start3A_1065, %dma_start3A_1066] : memref<4x128x64xf32, #tpu.memory_space<vmem>> -> memref<1x128x64xf32, #tpu.memory_space<vmem>>
      %dma_start3A_1068 = tpu.memref_squeeze %dma_start3A_1067 : memref<1x128x64xf32, #tpu.memory_space<vmem>> -> memref<128x64xf32, #tpu.memory_space<vmem>>
      %dma_start3A_1069 = arith.constant 0 : i32
      %dma_start3A_1070 = tpu.memref_slice %arg4[%add3A_1063, %dma_start3A_1069] : memref<819200x128xf32, #tpu.memory_space<hbm>> -> memref<128x64xf32, #tpu.memory_space<hbm>>
      %dma_start3A_1071 = arith.constant 0 : i32
      %dma_start3A_1072 = tpu.memref_slice %arg4[%add3A_1063, %dma_start3A_1071] : memref<819200x128xf32, #tpu.memory_space<hbm>> -> memref<128x64xf32, #tpu.memory_space<hbm>>
      %dma_start3A_1073 = arith.constant 0 : i32
      %dma_start3A_1074 = arith.constant 0 : i32
      %dma_start3A_1075 = tpu.memref_slice %arg6[%dma_start3A_1064, %dma_start3A_1073, %dma_start3A_1074] : memref<4x128x64xf32, #tpu.memory_space<vmem>> -> memref<1x128x64xf32, #tpu.memory_space<vmem>>
      %dma_start3A_1076 = tpu.memref_squeeze %dma_start3A_1075 : memref<1x128x64xf32, #tpu.memory_space<vmem>> -> memref<128x64xf32, #tpu.memory_space<vmem>>
      tpu.enqueue_dma source(%dma_start3A_1076 : memref<128x64xf32, #tpu.memory_space<vmem>>) target(%dma_start3A_1072 : memref<128x64xf32, #tpu.memory_space<hbm>>) target_semaphore(%arg15 : memref<!tpu.dma_semaphore, #tpu.memory_space<semaphore_mem>>)
      %add3A_1077 = arith.constant 4 : i32
      %add3A_1078 = arith.addi %add3A_548, %add3A_1077 : i32
      %add3A_1079 = arith.constant 0 : i32
      %add3A_1080 = arith.addi %add3A_1078, %add3A_1079 : i32
      %lt3A = arith.constant 200 : i32
      %lt3A_1081 = arith.cmpi slt, %add3A_1080, %lt3A : i32
      %convert_element_type3A = arith.extui %lt3A_1081 : i1 to i32
      %cond3A = arith.constant 0 : i32
      %cond3A_1082 = arith.cmpi ne, %convert_element_type3A, %cond3A : i32
      scf.if %cond3A_1082 {
        %add3A_1110 = arith.constant 0 : i32
        %add3A_1111 = arith.addi %add3A_548, %add3A_1110 : i32
        %mul3A_1112 = arith.constant 128 : i32
        %mul3A_1113 = arith.muli %add3A_1111, %mul3A_1112 : i32
        %add3A_1114 = arith.addi %mul3A_2, %mul3A_1113 : i32
        %dma_wait3A_1115 = arith.constant 0 : i32
        %dma_wait3A_1116 = arith.constant 0 : i32
        %dma_wait3A_1117 = arith.constant 0 : i32
        %dma_wait3A_1118 = tpu.memref_slice %arg6[%dma_wait3A_1115, %dma_wait3A_1116, %dma_wait3A_1117] : memref<4x128x64xf32, #tpu.memory_space<vmem>> -> memref<1x128x64xf32, #tpu.memory_space<vmem>>
        %dma_wait3A_1119 = tpu.memref_squeeze %dma_wait3A_1118 : memref<1x128x64xf32, #tpu.memory_space<vmem>> -> memref<128x64xf32, #tpu.memory_space<vmem>>
        %dma_wait3A_1120 = arith.constant 0 : i32
        %dma_wait3A_1121 = tpu.memref_slice %arg4[%add3A_1114, %dma_wait3A_1120] : memref<819200x128xf32, #tpu.memory_space<hbm>> -> memref<128x64xf32, #tpu.memory_space<hbm>>
        %dma_wait3A_1122 = arith.constant 0 : i32
        %dma_wait3A_1123 = tpu.memref_slice %arg4[%add3A_1114, %dma_wait3A_1122] : memref<819200x128xf32, #tpu.memory_space<hbm>> -> memref<128x64xf32, #tpu.memory_space<hbm>>
        %dma_wait3A_1124 = arith.constant 0 : i32
        %dma_wait3A_1125 = arith.constant 0 : i32
        %dma_wait3A_1126 = tpu.memref_slice %arg6[%dma_wait3A_1115, %dma_wait3A_1124, %dma_wait3A_1125] : memref<4x128x64xf32, #tpu.memory_space<vmem>> -> memref<1x128x64xf32, #tpu.memory_space<vmem>>
        %dma_wait3A_1127 = tpu.memref_squeeze %dma_wait3A_1126 : memref<1x128x64xf32, #tpu.memory_space<vmem>> -> memref<128x64xf32, #tpu.memory_space<vmem>>
        tpu.wait_dma2 semaphore(%arg12 : memref<!tpu.dma_semaphore, #tpu.memory_space<semaphore_mem>>) src(%dma_wait3A_1127 : memref<128x64xf32, #tpu.memory_space<vmem>>) dst(%dma_wait3A_1123 : memref<128x64xf32, #tpu.memory_space<hbm>>)
        %get3A_1128 = arith.constant 0 : i32
        %get3A_1129 = tpu.memref_slice %arg5[%add3A_1080, %get3A_1128] : memref<200x128xi32, #tpu.memory_space<vmem>> -> memref<1x128xi32, #tpu.memory_space<vmem>>
        %get3A_1130 = tpu.memref_squeeze %get3A_1129 : memref<1x128xi32, #tpu.memory_space<vmem>> -> memref<128xi32, #tpu.memory_space<vmem>>
        %get3A_1131 = arith.constant 0 : index
        %get3A_1132 = tpu.vector_load %get3A_1130[%get3A_1131] {strides = array<i32>} : memref<128xi32, #tpu.memory_space<vmem>>, vector<16xi32>,
        %get3A_1133 = vector.shape_cast %get3A_1132 : vector<16xi32> to vector<16xi32>
        %dma_start3A_1134 = arith.constant 0 : i32
        %dma_start3A_1135 = arith.constant 0 : i32
        %dma_start3A_1136 = arith.constant 0 : i32
        %dma_start3A_1137 = tpu.memref_slice %arg6[%dma_start3A_1134, %dma_start3A_1135, %dma_start3A_1136] : memref<4x128x64xf32, #tpu.memory_space<vmem>> -> memref<1x16x64xf32, #tpu.memory_space<vmem>>
        %dma_start3A_1138 = tpu.memref_squeeze %dma_start3A_1137 : memref<1x16x64xf32, #tpu.memory_space<vmem>> -> memref<16x64xf32, #tpu.memory_space<vmem>>
        %dma_start3A_1139 = arith.constant 0 : i32
        %dma_start3A_1140 = arith.constant 0 : i32
        %dma_start3A_1141 = tpu.memref_slice %arg3[%dma_start3A_1139, %dma_start3A_1140] : memref<1000000x64xf32, #tpu.memory_space<hbm>> -> memref<1000000x64xf32, #tpu.memory_space<hbm>>
        tpu.enqueue_indirect_dma source(%dma_start3A_1141 : memref<1000000x64xf32, #tpu.memory_space<hbm>>) target(%dma_start3A_1138 : memref<16x64xf32, #tpu.memory_space<vmem>>) offsets(%get3A_1133 : vector<16xi32>) semaphore(%arg8 : memref<!tpu.dma_semaphore, #tpu.memory_space<semaphore_mem>>)
        %get3A_1142 = arith.constant 0 : i32
        %get3A_1143 = tpu.memref_slice %arg5[%add3A_1080, %get3A_1142] : memref<200x128xi32, #tpu.memory_space<vmem>> -> memref<1x128xi32, #tpu.memory_space<vmem>>
        %get3A_1144 = tpu.memref_squeeze %get3A_1143 : memref<1x128xi32, #tpu.memory_space<vmem>> -> memref<128xi32, #tpu.memory_space<vmem>>
        %get3A_1145 = arith.constant 16 : index
        %get3A_1146 = tpu.vector_load %get3A_1144[%get3A_1145] {strides = array<i32>} : memref<128xi32, #tpu.memory_space<vmem>>, vector<16xi32>,
        %get3A_1147 = vector.shape_cast %get3A_1146 : vector<16xi32> to vector<16xi32>
        %dma_start3A_1148 = arith.constant 0 : i32
        %dma_start3A_1149 = arith.constant 16 : i32
        %dma_start3A_1150 = arith.constant 0 : i32
        %dma_start3A_1151 = tpu.memref_slice %arg6[%dma_start3A_1148, %dma_start3A_1149, %dma_start3A_1150] : memref<4x128x64xf32, #tpu.memory_space<vmem>> -> memref<1x16x64xf32, #tpu.memory_space<vmem>>
        %dma_start3A_1152 = tpu.memref_squeeze %dma_start3A_1151 : memref<1x16x64xf32, #tpu.memory_space<vmem>> -> memref<16x64xf32, #tpu.memory_space<vmem>>
        %dma_start3A_1153 = arith.constant 0 : i32
        %dma_start3A_1154 = arith.constant 0 : i32
        %dma_start3A_1155 = tpu.memref_slice %arg3[%dma_start3A_1153, %dma_start3A_1154] : memref<1000000x64xf32, #tpu.memory_space<hbm>> -> memref<1000000x64xf32, #tpu.memory_space<hbm>>
        tpu.enqueue_indirect_dma source(%dma_start3A_1155 : memref<1000000x64xf32, #tpu.memory_space<hbm>>) target(%dma_start3A_1152 : memref<16x64xf32, #tpu.memory_space<vmem>>) offsets(%get3A_1147 : vector<16xi32>) semaphore(%arg8 : memref<!tpu.dma_semaphore, #tpu.memory_space<semaphore_mem>>)
        %get3A_1156 = arith.constant 0 : i32
        %get3A_1157 = tpu.memref_slice %arg5[%add3A_1080, %get3A_1156] : memref<200x128xi32, #tpu.memory_space<vmem>> -> memref<1x128xi32, #tpu.memory_space<vmem>>
        %get3A_1158 = tpu.memref_squeeze %get3A_1157 : memref<1x128xi32, #tpu.memory_space<vmem>> -> memref<128xi32, #tpu.memory_space<vmem>>
        %get3A_1159 = arith.constant 32 : index
        %get3A_1160 = tpu.vector_load %get3A_1158[%get3A_1159] {strides = array<i32>} : memref<128xi32, #tpu.memory_space<vmem>>, vector<16xi32>,
        %get3A_1161 = vector.shape_cast %get3A_1160 : vector<16xi32> to vector<16xi32>
        %dma_start3A_1162 = arith.constant 0 : i32
        %dma_start3A_1163 = arith.constant 32 : i32
        %dma_start3A_1164 = arith.constant 0 : i32
        %dma_start3A_1165 = tpu.memref_slice %arg6[%dma_start3A_1162, %dma_start3A_1163, %dma_start3A_1164] : memref<4x128x64xf32, #tpu.memory_space<vmem>> -> memref<1x16x64xf32, #tpu.memory_space<vmem>>
        %dma_start3A_1166 = tpu.memref_squeeze %dma_start3A_1165 : memref<1x16x64xf32, #tpu.memory_space<vmem>> -> memref<16x64xf32, #tpu.memory_space<vmem>>
        %dma_start3A_1167 = arith.constant 0 : i32
        %dma_start3A_1168 = arith.constant 0 : i32
        %dma_start3A_1169 = tpu.memref_slice %arg3[%dma_start3A_1167, %dma_start3A_1168] : memref<1000000x64xf32, #tpu.memory_space<hbm>> -> memref<1000000x64xf32, #tpu.memory_space<hbm>>
        tpu.enqueue_indirect_dma source(%dma_start3A_1169 : memref<1000000x64xf32, #tpu.memory_space<hbm>>) target(%dma_start3A_1166 : memref<16x64xf32, #tpu.memory_space<vmem>>) offsets(%get3A_1161 : vector<16xi32>) semaphore(%arg8 : memref<!tpu.dma_semaphore, #tpu.memory_space<semaphore_mem>>)
        %get3A_1170 = arith.constant 0 : i32
        %get3A_1171 = tpu.memref_slice %arg5[%add3A_1080, %get3A_1170] : memref<200x128xi32, #tpu.memory_space<vmem>> -> memref<1x128xi32, #tpu.memory_space<vmem>>
        %get3A_1172 = tpu.memref_squeeze %get3A_1171 : memref<1x128xi32, #tpu.memory_space<vmem>> -> memref<128xi32, #tpu.memory_space<vmem>>
        %get3A_1173 = arith.constant 48 : index
        %get3A_1174 = tpu.vector_load %get3A_1172[%get3A_1173] {strides = array<i32>} : memref<128xi32, #tpu.memory_space<vmem>>, vector<16xi32>,
        %get3A_1175 = vector.shape_cast %get3A_1174 : vector<16xi32> to vector<16xi32>
        %dma_start3A_1176 = arith.constant 0 : i32
        %dma_start3A_1177 = arith.constant 48 : i32
        %dma_start3A_1178 = arith.constant 0 : i32
        %dma_start3A_1179 = tpu.memref_slice %arg6[%dma_start3A_1176, %dma_start3A_1177, %dma_start3A_1178] : memref<4x128x64xf32, #tpu.memory_space<vmem>> -> memref<1x16x64xf32, #tpu.memory_space<vmem>>
        %dma_start3A_1180 = tpu.memref_squeeze %dma_start3A_1179 : memref<1x16x64xf32, #tpu.memory_space<vmem>> -> memref<16x64xf32, #tpu.memory_space<vmem>>
        %dma_start3A_1181 = arith.constant 0 : i32
        %dma_start3A_1182 = arith.constant 0 : i32
        %dma_start3A_1183 = tpu.memref_slice %arg3[%dma_start3A_1181, %dma_start3A_1182] : memref<1000000x64xf32, #tpu.memory_space<hbm>> -> memref<1000000x64xf32, #tpu.memory_space<hbm>>
        tpu.enqueue_indirect_dma source(%dma_start3A_1183 : memref<1000000x64xf32, #tpu.memory_space<hbm>>) target(%dma_start3A_1180 : memref<16x64xf32, #tpu.memory_space<vmem>>) offsets(%get3A_1175 : vector<16xi32>) semaphore(%arg8 : memref<!tpu.dma_semaphore, #tpu.memory_space<semaphore_mem>>)
        %get3A_1184 = arith.constant 0 : i32
        %get3A_1185 = tpu.memref_slice %arg5[%add3A_1080, %get3A_1184] : memref<200x128xi32, #tpu.memory_space<vmem>> -> memref<1x128xi32, #tpu.memory_space<vmem>>
        %get3A_1186 = tpu.memref_squeeze %get3A_1185 : memref<1x128xi32, #tpu.memory_space<vmem>> -> memref<128xi32, #tpu.memory_space<vmem>>
        %get3A_1187 = arith.constant 64 : index
        %get3A_1188 = tpu.vector_load %get3A_1186[%get3A_1187] {strides = array<i32>} : memref<128xi32, #tpu.memory_space<vmem>>, vector<16xi32>,
        %get3A_1189 = vector.shape_cast %get3A_1188 : vector<16xi32> to vector<16xi32>
        %dma_start3A_1190 = arith.constant 0 : i32
        %dma_start3A_1191 = arith.constant 64 : i32
        %dma_start3A_1192 = arith.constant 0 : i32
        %dma_start3A_1193 = tpu.memref_slice %arg6[%dma_start3A_1190, %dma_start3A_1191, %dma_start3A_1192] : memref<4x128x64xf32, #tpu.memory_space<vmem>> -> memref<1x16x64xf32, #tpu.memory_space<vmem>>
        %dma_start3A_1194 = tpu.memref_squeeze %dma_start3A_1193 : memref<1x16x64xf32, #tpu.memory_space<vmem>> -> memref<16x64xf32, #tpu.memory_space<vmem>>
        %dma_start3A_1195 = arith.constant 0 : i32
        %dma_start3A_1196 = arith.constant 0 : i32
        %dma_start3A_1197 = tpu.memref_slice %arg3[%dma_start3A_1195, %dma_start3A_1196] : memref<1000000x64xf32, #tpu.memory_space<hbm>> -> memref<1000000x64xf32, #tpu.memory_space<hbm>>
        tpu.enqueue_indirect_dma source(%dma_start3A_1197 : memref<1000000x64xf32, #tpu.memory_space<hbm>>) target(%dma_start3A_1194 : memref<16x64xf32, #tpu.memory_space<vmem>>) offsets(%get3A_1189 : vector<16xi32>) semaphore(%arg8 : memref<!tpu.dma_semaphore, #tpu.memory_space<semaphore_mem>>)
        %get3A_1198 = arith.constant 0 : i32
        %get3A_1199 = tpu.memref_slice %arg5[%add3A_1080, %get3A_1198] : memref<200x128xi32, #tpu.memory_space<vmem>> -> memref<1x128xi32, #tpu.memory_space<vmem>>
        %get3A_1200 = tpu.memref_squeeze %get3A_1199 : memref<1x128xi32, #tpu.memory_space<vmem>> -> memref<128xi32, #tpu.memory_space<vmem>>
        %get3A_1201 = arith.constant 80 : index
        %get3A_1202 = tpu.vector_load %get3A_1200[%get3A_1201] {strides = array<i32>} : memref<128xi32, #tpu.memory_space<vmem>>, vector<16xi32>,
        %get3A_1203 = vector.shape_cast %get3A_1202 : vector<16xi32> to vector<16xi32>
        %dma_start3A_1204 = arith.constant 0 : i32
        %dma_start3A_1205 = arith.constant 80 : i32
        %dma_start3A_1206 = arith.constant 0 : i32
        %dma_start3A_1207 = tpu.memref_slice %arg6[%dma_start3A_1204, %dma_start3A_1205, %dma_start3A_1206] : memref<4x128x64xf32, #tpu.memory_space<vmem>> -> memref<1x16x64xf32, #tpu.memory_space<vmem>>
        %dma_start3A_1208 = tpu.memref_squeeze %dma_start3A_1207 : memref<1x16x64xf32, #tpu.memory_space<vmem>> -> memref<16x64xf32, #tpu.memory_space<vmem>>
        %dma_start3A_1209 = arith.constant 0 : i32
        %dma_start3A_1210 = arith.constant 0 : i32
        %dma_start3A_1211 = tpu.memref_slice %arg3[%dma_start3A_1209, %dma_start3A_1210] : memref<1000000x64xf32, #tpu.memory_space<hbm>> -> memref<1000000x64xf32, #tpu.memory_space<hbm>>
        tpu.enqueue_indirect_dma source(%dma_start3A_1211 : memref<1000000x64xf32, #tpu.memory_space<hbm>>) target(%dma_start3A_1208 : memref<16x64xf32, #tpu.memory_space<vmem>>) offsets(%get3A_1203 : vector<16xi32>) semaphore(%arg8 : memref<!tpu.dma_semaphore, #tpu.memory_space<semaphore_mem>>)
        %get3A_1212 = arith.constant 0 : i32
        %get3A_1213 = tpu.memref_slice %arg5[%add3A_1080, %get3A_1212] : memref<200x128xi32, #tpu.memory_space<vmem>> -> memref<1x128xi32, #tpu.memory_space<vmem>>
        %get3A_1214 = tpu.memref_squeeze %get3A_1213 : memref<1x128xi32, #tpu.memory_space<vmem>> -> memref<128xi32, #tpu.memory_space<vmem>>
        %get3A_1215 = arith.constant 96 : index
        %get3A_1216 = tpu.vector_load %get3A_1214[%get3A_1215] {strides = array<i32>} : memref<128xi32, #tpu.memory_space<vmem>>, vector<16xi32>,
        %get3A_1217 = vector.shape_cast %get3A_1216 : vector<16xi32> to vector<16xi32>
        %dma_start3A_1218 = arith.constant 0 : i32
        %dma_start3A_1219 = arith.constant 96 : i32
        %dma_start3A_1220 = arith.constant 0 : i32
        %dma_start3A_1221 = tpu.memref_slice %arg6[%dma_start3A_1218, %dma_start3A_1219, %dma_start3A_1220] : memref<4x128x64xf32, #tpu.memory_space<vmem>> -> memref<1x16x64xf32, #tpu.memory_space<vmem>>
        %dma_start3A_1222 = tpu.memref_squeeze %dma_start3A_1221 : memref<1x16x64xf32, #tpu.memory_space<vmem>> -> memref<16x64xf32, #tpu.memory_space<vmem>>
        %dma_start3A_1223 = arith.constant 0 : i32
        %dma_start3A_1224 = arith.constant 0 : i32
        %dma_start3A_1225 = tpu.memref_slice %arg3[%dma_start3A_1223, %dma_start3A_1224] : memref<1000000x64xf32, #tpu.memory_space<hbm>> -> memref<1000000x64xf32, #tpu.memory_space<hbm>>
        tpu.enqueue_indirect_dma source(%dma_start3A_1225 : memref<1000000x64xf32, #tpu.memory_space<hbm>>) target(%dma_start3A_1222 : memref<16x64xf32, #tpu.memory_space<vmem>>) offsets(%get3A_1217 : vector<16xi32>) semaphore(%arg8 : memref<!tpu.dma_semaphore, #tpu.memory_space<semaphore_mem>>)
        %get3A_1226 = arith.constant 0 : i32
        %get3A_1227 = tpu.memref_slice %arg5[%add3A_1080, %get3A_1226] : memref<200x128xi32, #tpu.memory_space<vmem>> -> memref<1x128xi32, #tpu.memory_space<vmem>>
        %get3A_1228 = tpu.memref_squeeze %get3A_1227 : memref<1x128xi32, #tpu.memory_space<vmem>> -> memref<128xi32, #tpu.memory_space<vmem>>
        %get3A_1229 = arith.constant 112 : index
        %get3A_1230 = tpu.vector_load %get3A_1228[%get3A_1229] {strides = array<i32>} : memref<128xi32, #tpu.memory_space<vmem>>, vector<16xi32>,
        %get3A_1231 = vector.shape_cast %get3A_1230 : vector<16xi32> to vector<16xi32>
        %dma_start3A_1232 = arith.constant 0 : i32
        %dma_start3A_1233 = arith.constant 112 : i32
        %dma_start3A_1234 = arith.constant 0 : i32
        %dma_start3A_1235 = tpu.memref_slice %arg6[%dma_start3A_1232, %dma_start3A_1233, %dma_start3A_1234] : memref<4x128x64xf32, #tpu.memory_space<vmem>> -> memref<1x16x64xf32, #tpu.memory_space<vmem>>
        %dma_start3A_1236 = tpu.memref_squeeze %dma_start3A_1235 : memref<1x16x64xf32, #tpu.memory_space<vmem>> -> memref<16x64xf32, #tpu.memory_space<vmem>>
        %dma_start3A_1237 = arith.constant 0 : i32
        %dma_start3A_1238 = arith.constant 0 : i32
        %dma_start3A_1239 = tpu.memref_slice %arg3[%dma_start3A_1237, %dma_start3A_1238] : memref<1000000x64xf32, #tpu.memory_space<hbm>> -> memref<1000000x64xf32, #tpu.memory_space<hbm>>
        tpu.enqueue_indirect_dma source(%dma_start3A_1239 : memref<1000000x64xf32, #tpu.memory_space<hbm>>) target(%dma_start3A_1236 : memref<16x64xf32, #tpu.memory_space<vmem>>) offsets(%get3A_1231 : vector<16xi32>) semaphore(%arg8 : memref<!tpu.dma_semaphore, #tpu.memory_space<semaphore_mem>>)
      } else {
      }
      %add3A_1083 = arith.constant 4 : i32
      %add3A_1084 = arith.addi %add3A_548, %add3A_1083 : i32
      %add3A_1085 = arith.constant 1 : i32
      %add3A_1086 = arith.addi %add3A_1084, %add3A_1085 : i32
      %lt3A_1087 = arith.constant 200 : i32
      %lt3A_1088 = arith.cmpi slt, %add3A_1086, %lt3A_1087 : i32
      %convert_element_type3A_1089 = arith.extui %lt3A_1088 : i1 to i32
      %cond3A_1090 = arith.constant 0 : i32
      %cond3A_1091 = arith.cmpi ne, %convert_element_type3A_1089, %cond3A_1090 : i32
      scf.if %cond3A_1091 {
        %add3A_1110 = arith.constant 1 : i32
        %add3A_1111 = arith.addi %add3A_548, %add3A_1110 : i32
        %mul3A_1112 = arith.constant 128 : i32
        %mul3A_1113 = arith.muli %add3A_1111, %mul3A_1112 : i32
        %add3A_1114 = arith.addi %mul3A_2, %mul3A_1113 : i32
        %dma_wait3A_1115 = arith.constant 1 : i32
        %dma_wait3A_1116 = arith.constant 0 : i32
        %dma_wait3A_1117 = arith.constant 0 : i32
        %dma_wait3A_1118 = tpu.memref_slice %arg6[%dma_wait3A_1115, %dma_wait3A_1116, %dma_wait3A_1117] : memref<4x128x64xf32, #tpu.memory_space<vmem>> -> memref<1x128x64xf32, #tpu.memory_space<vmem>>
        %dma_wait3A_1119 = tpu.memref_squeeze %dma_wait3A_1118 : memref<1x128x64xf32, #tpu.memory_space<vmem>> -> memref<128x64xf32, #tpu.memory_space<vmem>>
        %dma_wait3A_1120 = arith.constant 0 : i32
        %dma_wait3A_1121 = tpu.memref_slice %arg4[%add3A_1114, %dma_wait3A_1120] : memref<819200x128xf32, #tpu.memory_space<hbm>> -> memref<128x64xf32, #tpu.memory_space<hbm>>
        %dma_wait3A_1122 = arith.constant 0 : i32
        %dma_wait3A_1123 = tpu.memref_slice %arg4[%add3A_1114, %dma_wait3A_1122] : memref<819200x128xf32, #tpu.memory_space<hbm>> -> memref<128x64xf32, #tpu.memory_space<hbm>>
        %dma_wait3A_1124 = arith.constant 0 : i32
        %dma_wait3A_1125 = arith.constant 0 : i32
        %dma_wait3A_1126 = tpu.memref_slice %arg6[%dma_wait3A_1115, %dma_wait3A_1124, %dma_wait3A_1125] : memref<4x128x64xf32, #tpu.memory_space<vmem>> -> memref<1x128x64xf32, #tpu.memory_space<vmem>>
        %dma_wait3A_1127 = tpu.memref_squeeze %dma_wait3A_1126 : memref<1x128x64xf32, #tpu.memory_space<vmem>> -> memref<128x64xf32, #tpu.memory_space<vmem>>
        tpu.wait_dma2 semaphore(%arg13 : memref<!tpu.dma_semaphore, #tpu.memory_space<semaphore_mem>>) src(%dma_wait3A_1127 : memref<128x64xf32, #tpu.memory_space<vmem>>) dst(%dma_wait3A_1123 : memref<128x64xf32, #tpu.memory_space<hbm>>)
        %get3A_1128 = arith.constant 0 : i32
        %get3A_1129 = tpu.memref_slice %arg5[%add3A_1086, %get3A_1128] : memref<200x128xi32, #tpu.memory_space<vmem>> -> memref<1x128xi32, #tpu.memory_space<vmem>>
        %get3A_1130 = tpu.memref_squeeze %get3A_1129 : memref<1x128xi32, #tpu.memory_space<vmem>> -> memref<128xi32, #tpu.memory_space<vmem>>
        %get3A_1131 = arith.constant 0 : index
        %get3A_1132 = tpu.vector_load %get3A_1130[%get3A_1131] {strides = array<i32>} : memref<128xi32, #tpu.memory_space<vmem>>, vector<16xi32>,
        %get3A_1133 = vector.shape_cast %get3A_1132 : vector<16xi32> to vector<16xi32>
        %dma_start3A_1134 = arith.constant 1 : i32
        %dma_start3A_1135 = arith.constant 0 : i32
        %dma_start3A_1136 = arith.constant 0 : i32
        %dma_start3A_1137 = tpu.memref_slice %arg6[%dma_start3A_1134, %dma_start3A_1135, %dma_start3A_1136] : memref<4x128x64xf32, #tpu.memory_space<vmem>> -> memref<1x16x64xf32, #tpu.memory_space<vmem>>
        %dma_start3A_1138 = tpu.memref_squeeze %dma_start3A_1137 : memref<1x16x64xf32, #tpu.memory_space<vmem>> -> memref<16x64xf32, #tpu.memory_space<vmem>>
        %dma_start3A_1139 = arith.constant 0 : i32
        %dma_start3A_1140 = arith.constant 0 : i32
        %dma_start3A_1141 = tpu.memref_slice %arg3[%dma_start3A_1139, %dma_start3A_1140] : memref<1000000x64xf32, #tpu.memory_space<hbm>> -> memref<1000000x64xf32, #tpu.memory_space<hbm>>
        tpu.enqueue_indirect_dma source(%dma_start3A_1141 : memref<1000000x64xf32, #tpu.memory_space<hbm>>) target(%dma_start3A_1138 : memref<16x64xf32, #tpu.memory_space<vmem>>) offsets(%get3A_1133 : vector<16xi32>) semaphore(%arg9 : memref<!tpu.dma_semaphore, #tpu.memory_space<semaphore_mem>>)
        %get3A_1142 = arith.constant 0 : i32
        %get3A_1143 = tpu.memref_slice %arg5[%add3A_1086, %get3A_1142] : memref<200x128xi32, #tpu.memory_space<vmem>> -> memref<1x128xi32, #tpu.memory_space<vmem>>
        %get3A_1144 = tpu.memref_squeeze %get3A_1143 : memref<1x128xi32, #tpu.memory_space<vmem>> -> memref<128xi32, #tpu.memory_space<vmem>>
        %get3A_1145 = arith.constant 16 : index
        %get3A_1146 = tpu.vector_load %get3A_1144[%get3A_1145] {strides = array<i32>} : memref<128xi32, #tpu.memory_space<vmem>>, vector<16xi32>,
        %get3A_1147 = vector.shape_cast %get3A_1146 : vector<16xi32> to vector<16xi32>
        %dma_start3A_1148 = arith.constant 1 : i32
        %dma_start3A_1149 = arith.constant 16 : i32
        %dma_start3A_1150 = arith.constant 0 : i32
        %dma_start3A_1151 = tpu.memref_slice %arg6[%dma_start3A_1148, %dma_start3A_1149, %dma_start3A_1150] : memref<4x128x64xf32, #tpu.memory_space<vmem>> -> memref<1x16x64xf32, #tpu.memory_space<vmem>>
        %dma_start3A_1152 = tpu.memref_squeeze %dma_start3A_1151 : memref<1x16x64xf32, #tpu.memory_space<vmem>> -> memref<16x64xf32, #tpu.memory_space<vmem>>
        %dma_start3A_1153 = arith.constant 0 : i32
        %dma_start3A_1154 = arith.constant 0 : i32
        %dma_start3A_1155 = tpu.memref_slice %arg3[%dma_start3A_1153, %dma_start3A_1154] : memref<1000000x64xf32, #tpu.memory_space<hbm>> -> memref<1000000x64xf32, #tpu.memory_space<hbm>>
        tpu.enqueue_indirect_dma source(%dma_start3A_1155 : memref<1000000x64xf32, #tpu.memory_space<hbm>>) target(%dma_start3A_1152 : memref<16x64xf32, #tpu.memory_space<vmem>>) offsets(%get3A_1147 : vector<16xi32>) semaphore(%arg9 : memref<!tpu.dma_semaphore, #tpu.memory_space<semaphore_mem>>)
        %get3A_1156 = arith.constant 0 : i32
        %get3A_1157 = tpu.memref_slice %arg5[%add3A_1086, %get3A_1156] : memref<200x128xi32, #tpu.memory_space<vmem>> -> memref<1x128xi32, #tpu.memory_space<vmem>>
        %get3A_1158 = tpu.memref_squeeze %get3A_1157 : memref<1x128xi32, #tpu.memory_space<vmem>> -> memref<128xi32, #tpu.memory_space<vmem>>
        %get3A_1159 = arith.constant 32 : index
        %get3A_1160 = tpu.vector_load %get3A_1158[%get3A_1159] {strides = array<i32>} : memref<128xi32, #tpu.memory_space<vmem>>, vector<16xi32>,
        %get3A_1161 = vector.shape_cast %get3A_1160 : vector<16xi32> to vector<16xi32>
        %dma_start3A_1162 = arith.constant 1 : i32
        %dma_start3A_1163 = arith.constant 32 : i32
        %dma_start3A_1164 = arith.constant 0 : i32
        %dma_start3A_1165 = tpu.memref_slice %arg6[%dma_start3A_1162, %dma_start3A_1163, %dma_start3A_1164] : memref<4x128x64xf32, #tpu.memory_space<vmem>> -> memref<1x16x64xf32, #tpu.memory_space<vmem>>
        %dma_start3A_1166 = tpu.memref_squeeze %dma_start3A_1165 : memref<1x16x64xf32, #tpu.memory_space<vmem>> -> memref<16x64xf32, #tpu.memory_space<vmem>>
        %dma_start3A_1167 = arith.constant 0 : i32
        %dma_start3A_1168 = arith.constant 0 : i32
        %dma_start3A_1169 = tpu.memref_slice %arg3[%dma_start3A_1167, %dma_start3A_1168] : memref<1000000x64xf32, #tpu.memory_space<hbm>> -> memref<1000000x64xf32, #tpu.memory_space<hbm>>
        tpu.enqueue_indirect_dma source(%dma_start3A_1169 : memref<1000000x64xf32, #tpu.memory_space<hbm>>) target(%dma_start3A_1166 : memref<16x64xf32, #tpu.memory_space<vmem>>) offsets(%get3A_1161 : vector<16xi32>) semaphore(%arg9 : memref<!tpu.dma_semaphore, #tpu.memory_space<semaphore_mem>>)
        %get3A_1170 = arith.constant 0 : i32
        %get3A_1171 = tpu.memref_slice %arg5[%add3A_1086, %get3A_1170] : memref<200x128xi32, #tpu.memory_space<vmem>> -> memref<1x128xi32, #tpu.memory_space<vmem>>
        %get3A_1172 = tpu.memref_squeeze %get3A_1171 : memref<1x128xi32, #tpu.memory_space<vmem>> -> memref<128xi32, #tpu.memory_space<vmem>>
        %get3A_1173 = arith.constant 48 : index
        %get3A_1174 = tpu.vector_load %get3A_1172[%get3A_1173] {strides = array<i32>} : memref<128xi32, #tpu.memory_space<vmem>>, vector<16xi32>,
        %get3A_1175 = vector.shape_cast %get3A_1174 : vector<16xi32> to vector<16xi32>
        %dma_start3A_1176 = arith.constant 1 : i32
        %dma_start3A_1177 = arith.constant 48 : i32
        %dma_start3A_1178 = arith.constant 0 : i32
        %dma_start3A_1179 = tpu.memref_slice %arg6[%dma_start3A_1176, %dma_start3A_1177, %dma_start3A_1178] : memref<4x128x64xf32, #tpu.memory_space<vmem>> -> memref<1x16x64xf32, #tpu.memory_space<vmem>>
        %dma_start3A_1180 = tpu.memref_squeeze %dma_start3A_1179 : memref<1x16x64xf32, #tpu.memory_space<vmem>> -> memref<16x64xf32, #tpu.memory_space<vmem>>
        %dma_start3A_1181 = arith.constant 0 : i32
        %dma_start3A_1182 = arith.constant 0 : i32
        %dma_start3A_1183 = tpu.memref_slice %arg3[%dma_start3A_1181, %dma_start3A_1182] : memref<1000000x64xf32, #tpu.memory_space<hbm>> -> memref<1000000x64xf32, #tpu.memory_space<hbm>>
        tpu.enqueue_indirect_dma source(%dma_start3A_1183 : memref<1000000x64xf32, #tpu.memory_space<hbm>>) target(%dma_start3A_1180 : memref<16x64xf32, #tpu.memory_space<vmem>>) offsets(%get3A_1175 : vector<16xi32>) semaphore(%arg9 : memref<!tpu.dma_semaphore, #tpu.memory_space<semaphore_mem>>)
        %get3A_1184 = arith.constant 0 : i32
        %get3A_1185 = tpu.memref_slice %arg5[%add3A_1086, %get3A_1184] : memref<200x128xi32, #tpu.memory_space<vmem>> -> memref<1x128xi32, #tpu.memory_space<vmem>>
        %get3A_1186 = tpu.memref_squeeze %get3A_1185 : memref<1x128xi32, #tpu.memory_space<vmem>> -> memref<128xi32, #tpu.memory_space<vmem>>
        %get3A_1187 = arith.constant 64 : index
        %get3A_1188 = tpu.vector_load %get3A_1186[%get3A_1187] {strides = array<i32>} : memref<128xi32, #tpu.memory_space<vmem>>, vector<16xi32>,
        %get3A_1189 = vector.shape_cast %get3A_1188 : vector<16xi32> to vector<16xi32>
        %dma_start3A_1190 = arith.constant 1 : i32
        %dma_start3A_1191 = arith.constant 64 : i32
        %dma_start3A_1192 = arith.constant 0 : i32
        %dma_start3A_1193 = tpu.memref_slice %arg6[%dma_start3A_1190, %dma_start3A_1191, %dma_start3A_1192] : memref<4x128x64xf32, #tpu.memory_space<vmem>> -> memref<1x16x64xf32, #tpu.memory_space<vmem>>
        %dma_start3A_1194 = tpu.memref_squeeze %dma_start3A_1193 : memref<1x16x64xf32, #tpu.memory_space<vmem>> -> memref<16x64xf32, #tpu.memory_space<vmem>>
        %dma_start3A_1195 = arith.constant 0 : i32
        %dma_start3A_1196 = arith.constant 0 : i32
        %dma_start3A_1197 = tpu.memref_slice %arg3[%dma_start3A_1195, %dma_start3A_1196] : memref<1000000x64xf32, #tpu.memory_space<hbm>> -> memref<1000000x64xf32, #tpu.memory_space<hbm>>
        tpu.enqueue_indirect_dma source(%dma_start3A_1197 : memref<1000000x64xf32, #tpu.memory_space<hbm>>) target(%dma_start3A_1194 : memref<16x64xf32, #tpu.memory_space<vmem>>) offsets(%get3A_1189 : vector<16xi32>) semaphore(%arg9 : memref<!tpu.dma_semaphore, #tpu.memory_space<semaphore_mem>>)
        %get3A_1198 = arith.constant 0 : i32
        %get3A_1199 = tpu.memref_slice %arg5[%add3A_1086, %get3A_1198] : memref<200x128xi32, #tpu.memory_space<vmem>> -> memref<1x128xi32, #tpu.memory_space<vmem>>
        %get3A_1200 = tpu.memref_squeeze %get3A_1199 : memref<1x128xi32, #tpu.memory_space<vmem>> -> memref<128xi32, #tpu.memory_space<vmem>>
        %get3A_1201 = arith.constant 80 : index
        %get3A_1202 = tpu.vector_load %get3A_1200[%get3A_1201] {strides = array<i32>} : memref<128xi32, #tpu.memory_space<vmem>>, vector<16xi32>,
        %get3A_1203 = vector.shape_cast %get3A_1202 : vector<16xi32> to vector<16xi32>
        %dma_start3A_1204 = arith.constant 1 : i32
        %dma_start3A_1205 = arith.constant 80 : i32
        %dma_start3A_1206 = arith.constant 0 : i32
        %dma_start3A_1207 = tpu.memref_slice %arg6[%dma_start3A_1204, %dma_start3A_1205, %dma_start3A_1206] : memref<4x128x64xf32, #tpu.memory_space<vmem>> -> memref<1x16x64xf32, #tpu.memory_space<vmem>>
        %dma_start3A_1208 = tpu.memref_squeeze %dma_start3A_1207 : memref<1x16x64xf32, #tpu.memory_space<vmem>> -> memref<16x64xf32, #tpu.memory_space<vmem>>
        %dma_start3A_1209 = arith.constant 0 : i32
        %dma_start3A_1210 = arith.constant 0 : i32
        %dma_start3A_1211 = tpu.memref_slice %arg3[%dma_start3A_1209, %dma_start3A_1210] : memref<1000000x64xf32, #tpu.memory_space<hbm>> -> memref<1000000x64xf32, #tpu.memory_space<hbm>>
        tpu.enqueue_indirect_dma source(%dma_start3A_1211 : memref<1000000x64xf32, #tpu.memory_space<hbm>>) target(%dma_start3A_1208 : memref<16x64xf32, #tpu.memory_space<vmem>>) offsets(%get3A_1203 : vector<16xi32>) semaphore(%arg9 : memref<!tpu.dma_semaphore, #tpu.memory_space<semaphore_mem>>)
        %get3A_1212 = arith.constant 0 : i32
        %get3A_1213 = tpu.memref_slice %arg5[%add3A_1086, %get3A_1212] : memref<200x128xi32, #tpu.memory_space<vmem>> -> memref<1x128xi32, #tpu.memory_space<vmem>>
        %get3A_1214 = tpu.memref_squeeze %get3A_1213 : memref<1x128xi32, #tpu.memory_space<vmem>> -> memref<128xi32, #tpu.memory_space<vmem>>
        %get3A_1215 = arith.constant 96 : index
        %get3A_1216 = tpu.vector_load %get3A_1214[%get3A_1215] {strides = array<i32>} : memref<128xi32, #tpu.memory_space<vmem>>, vector<16xi32>,
        %get3A_1217 = vector.shape_cast %get3A_1216 : vector<16xi32> to vector<16xi32>
        %dma_start3A_1218 = arith.constant 1 : i32
        %dma_start3A_1219 = arith.constant 96 : i32
        %dma_start3A_1220 = arith.constant 0 : i32
        %dma_start3A_1221 = tpu.memref_slice %arg6[%dma_start3A_1218, %dma_start3A_1219, %dma_start3A_1220] : memref<4x128x64xf32, #tpu.memory_space<vmem>> -> memref<1x16x64xf32, #tpu.memory_space<vmem>>
        %dma_start3A_1222 = tpu.memref_squeeze %dma_start3A_1221 : memref<1x16x64xf32, #tpu.memory_space<vmem>> -> memref<16x64xf32, #tpu.memory_space<vmem>>
        %dma_start3A_1223 = arith.constant 0 : i32
        %dma_start3A_1224 = arith.constant 0 : i32
        %dma_start3A_1225 = tpu.memref_slice %arg3[%dma_start3A_1223, %dma_start3A_1224] : memref<1000000x64xf32, #tpu.memory_space<hbm>> -> memref<1000000x64xf32, #tpu.memory_space<hbm>>
        tpu.enqueue_indirect_dma source(%dma_start3A_1225 : memref<1000000x64xf32, #tpu.memory_space<hbm>>) target(%dma_start3A_1222 : memref<16x64xf32, #tpu.memory_space<vmem>>) offsets(%get3A_1217 : vector<16xi32>) semaphore(%arg9 : memref<!tpu.dma_semaphore, #tpu.memory_space<semaphore_mem>>)
        %get3A_1226 = arith.constant 0 : i32
        %get3A_1227 = tpu.memref_slice %arg5[%add3A_1086, %get3A_1226] : memref<200x128xi32, #tpu.memory_space<vmem>> -> memref<1x128xi32, #tpu.memory_space<vmem>>
        %get3A_1228 = tpu.memref_squeeze %get3A_1227 : memref<1x128xi32, #tpu.memory_space<vmem>> -> memref<128xi32, #tpu.memory_space<vmem>>
        %get3A_1229 = arith.constant 112 : index
        %get3A_1230 = tpu.vector_load %get3A_1228[%get3A_1229] {strides = array<i32>} : memref<128xi32, #tpu.memory_space<vmem>>, vector<16xi32>,
        %get3A_1231 = vector.shape_cast %get3A_1230 : vector<16xi32> to vector<16xi32>
        %dma_start3A_1232 = arith.constant 1 : i32
        %dma_start3A_1233 = arith.constant 112 : i32
        %dma_start3A_1234 = arith.constant 0 : i32
        %dma_start3A_1235 = tpu.memref_slice %arg6[%dma_start3A_1232, %dma_start3A_1233, %dma_start3A_1234] : memref<4x128x64xf32, #tpu.memory_space<vmem>> -> memref<1x16x64xf32, #tpu.memory_space<vmem>>
        %dma_start3A_1236 = tpu.memref_squeeze %dma_start3A_1235 : memref<1x16x64xf32, #tpu.memory_space<vmem>> -> memref<16x64xf32, #tpu.memory_space<vmem>>
        %dma_start3A_1237 = arith.constant 0 : i32
        %dma_start3A_1238 = arith.constant 0 : i32
        %dma_start3A_1239 = tpu.memref_slice %arg3[%dma_start3A_1237, %dma_start3A_1238] : memref<1000000x64xf32, #tpu.memory_space<hbm>> -> memref<1000000x64xf32, #tpu.memory_space<hbm>>
        tpu.enqueue_indirect_dma source(%dma_start3A_1239 : memref<1000000x64xf32, #tpu.memory_space<hbm>>) target(%dma_start3A_1236 : memref<16x64xf32, #tpu.memory_space<vmem>>) offsets(%get3A_1231 : vector<16xi32>) semaphore(%arg9 : memref<!tpu.dma_semaphore, #tpu.memory_space<semaphore_mem>>)
      } else {
      }
      %add3A_1092 = arith.constant 4 : i32
      %add3A_1093 = arith.addi %add3A_548, %add3A_1092 : i32
      %add3A_1094 = arith.constant 2 : i32
      %add3A_1095 = arith.addi %add3A_1093, %add3A_1094 : i32
      %lt3A_1096 = arith.constant 200 : i32
      %lt3A_1097 = arith.cmpi slt, %add3A_1095, %lt3A_1096 : i32
      %convert_element_type3A_1098 = arith.extui %lt3A_1097 : i1 to i32
      %cond3A_1099 = arith.constant 0 : i32
      %cond3A_1100 = arith.cmpi ne, %convert_element_type3A_1098, %cond3A_1099 : i32
      scf.if %cond3A_1100 {
        %add3A_1110 = arith.constant 2 : i32
        %add3A_1111 = arith.addi %add3A_548, %add3A_1110 : i32
        %mul3A_1112 = arith.constant 128 : i32
        %mul3A_1113 = arith.muli %add3A_1111, %mul3A_1112 : i32
        %add3A_1114 = arith.addi %mul3A_2, %mul3A_1113 : i32
        %dma_wait3A_1115 = arith.constant 2 : i32
        %dma_wait3A_1116 = arith.constant 0 : i32
        %dma_wait3A_1117 = arith.constant 0 : i32
        %dma_wait3A_1118 = tpu.memref_slice %arg6[%dma_wait3A_1115, %dma_wait3A_1116, %dma_wait3A_1117] : memref<4x128x64xf32, #tpu.memory_space<vmem>> -> memref<1x128x64xf32, #tpu.memory_space<vmem>>
        %dma_wait3A_1119 = tpu.memref_squeeze %dma_wait3A_1118 : memref<1x128x64xf32, #tpu.memory_space<vmem>> -> memref<128x64xf32, #tpu.memory_space<vmem>>
        %dma_wait3A_1120 = arith.constant 0 : i32
        %dma_wait3A_1121 = tpu.memref_slice %arg4[%add3A_1114, %dma_wait3A_1120] : memref<819200x128xf32, #tpu.memory_space<hbm>> -> memref<128x64xf32, #tpu.memory_space<hbm>>
        %dma_wait3A_1122 = arith.constant 0 : i32
        %dma_wait3A_1123 = tpu.memref_slice %arg4[%add3A_1114, %dma_wait3A_1122] : memref<819200x128xf32, #tpu.memory_space<hbm>> -> memref<128x64xf32, #tpu.memory_space<hbm>>
        %dma_wait3A_1124 = arith.constant 0 : i32
        %dma_wait3A_1125 = arith.constant 0 : i32
        %dma_wait3A_1126 = tpu.memref_slice %arg6[%dma_wait3A_1115, %dma_wait3A_1124, %dma_wait3A_1125] : memref<4x128x64xf32, #tpu.memory_space<vmem>> -> memref<1x128x64xf32, #tpu.memory_space<vmem>>
        %dma_wait3A_1127 = tpu.memref_squeeze %dma_wait3A_1126 : memref<1x128x64xf32, #tpu.memory_space<vmem>> -> memref<128x64xf32, #tpu.memory_space<vmem>>
        tpu.wait_dma2 semaphore(%arg14 : memref<!tpu.dma_semaphore, #tpu.memory_space<semaphore_mem>>) src(%dma_wait3A_1127 : memref<128x64xf32, #tpu.memory_space<vmem>>) dst(%dma_wait3A_1123 : memref<128x64xf32, #tpu.memory_space<hbm>>)
        %get3A_1128 = arith.constant 0 : i32
        %get3A_1129 = tpu.memref_slice %arg5[%add3A_1095, %get3A_1128] : memref<200x128xi32, #tpu.memory_space<vmem>> -> memref<1x128xi32, #tpu.memory_space<vmem>>
        %get3A_1130 = tpu.memref_squeeze %get3A_1129 : memref<1x128xi32, #tpu.memory_space<vmem>> -> memref<128xi32, #tpu.memory_space<vmem>>
        %get3A_1131 = arith.constant 0 : index
        %get3A_1132 = tpu.vector_load %get3A_1130[%get3A_1131] {strides = array<i32>} : memref<128xi32, #tpu.memory_space<vmem>>, vector<16xi32>,
        %get3A_1133 = vector.shape_cast %get3A_1132 : vector<16xi32> to vector<16xi32>
        %dma_start3A_1134 = arith.constant 2 : i32
        %dma_start3A_1135 = arith.constant 0 : i32
        %dma_start3A_1136 = arith.constant 0 : i32
        %dma_start3A_1137 = tpu.memref_slice %arg6[%dma_start3A_1134, %dma_start3A_1135, %dma_start3A_1136] : memref<4x128x64xf32, #tpu.memory_space<vmem>> -> memref<1x16x64xf32, #tpu.memory_space<vmem>>
        %dma_start3A_1138 = tpu.memref_squeeze %dma_start3A_1137 : memref<1x16x64xf32, #tpu.memory_space<vmem>> -> memref<16x64xf32, #tpu.memory_space<vmem>>
        %dma_start3A_1139 = arith.constant 0 : i32
        %dma_start3A_1140 = arith.constant 0 : i32
        %dma_start3A_1141 = tpu.memref_slice %arg3[%dma_start3A_1139, %dma_start3A_1140] : memref<1000000x64xf32, #tpu.memory_space<hbm>> -> memref<1000000x64xf32, #tpu.memory_space<hbm>>
        tpu.enqueue_indirect_dma source(%dma_start3A_1141 : memref<1000000x64xf32, #tpu.memory_space<hbm>>) target(%dma_start3A_1138 : memref<16x64xf32, #tpu.memory_space<vmem>>) offsets(%get3A_1133 : vector<16xi32>) semaphore(%arg10 : memref<!tpu.dma_semaphore, #tpu.memory_space<semaphore_mem>>)
        %get3A_1142 = arith.constant 0 : i32
        %get3A_1143 = tpu.memref_slice %arg5[%add3A_1095, %get3A_1142] : memref<200x128xi32, #tpu.memory_space<vmem>> -> memref<1x128xi32, #tpu.memory_space<vmem>>
        %get3A_1144 = tpu.memref_squeeze %get3A_1143 : memref<1x128xi32, #tpu.memory_space<vmem>> -> memref<128xi32, #tpu.memory_space<vmem>>
        %get3A_1145 = arith.constant 16 : index
        %get3A_1146 = tpu.vector_load %get3A_1144[%get3A_1145] {strides = array<i32>} : memref<128xi32, #tpu.memory_space<vmem>>, vector<16xi32>,
        %get3A_1147 = vector.shape_cast %get3A_1146 : vector<16xi32> to vector<16xi32>
        %dma_start3A_1148 = arith.constant 2 : i32
        %dma_start3A_1149 = arith.constant 16 : i32
        %dma_start3A_1150 = arith.constant 0 : i32
        %dma_start3A_1151 = tpu.memref_slice %arg6[%dma_start3A_1148, %dma_start3A_1149, %dma_start3A_1150] : memref<4x128x64xf32, #tpu.memory_space<vmem>> -> memref<1x16x64xf32, #tpu.memory_space<vmem>>
        %dma_start3A_1152 = tpu.memref_squeeze %dma_start3A_1151 : memref<1x16x64xf32, #tpu.memory_space<vmem>> -> memref<16x64xf32, #tpu.memory_space<vmem>>
        %dma_start3A_1153 = arith.constant 0 : i32
        %dma_start3A_1154 = arith.constant 0 : i32
        %dma_start3A_1155 = tpu.memref_slice %arg3[%dma_start3A_1153, %dma_start3A_1154] : memref<1000000x64xf32, #tpu.memory_space<hbm>> -> memref<1000000x64xf32, #tpu.memory_space<hbm>>
        tpu.enqueue_indirect_dma source(%dma_start3A_1155 : memref<1000000x64xf32, #tpu.memory_space<hbm>>) target(%dma_start3A_1152 : memref<16x64xf32, #tpu.memory_space<vmem>>) offsets(%get3A_1147 : vector<16xi32>) semaphore(%arg10 : memref<!tpu.dma_semaphore, #tpu.memory_space<semaphore_mem>>)
        %get3A_1156 = arith.constant 0 : i32
        %get3A_1157 = tpu.memref_slice %arg5[%add3A_1095, %get3A_1156] : memref<200x128xi32, #tpu.memory_space<vmem>> -> memref<1x128xi32, #tpu.memory_space<vmem>>
        %get3A_1158 = tpu.memref_squeeze %get3A_1157 : memref<1x128xi32, #tpu.memory_space<vmem>> -> memref<128xi32, #tpu.memory_space<vmem>>
        %get3A_1159 = arith.constant 32 : index
        %get3A_1160 = tpu.vector_load %get3A_1158[%get3A_1159] {strides = array<i32>} : memref<128xi32, #tpu.memory_space<vmem>>, vector<16xi32>,
        %get3A_1161 = vector.shape_cast %get3A_1160 : vector<16xi32> to vector<16xi32>
        %dma_start3A_1162 = arith.constant 2 : i32
        %dma_start3A_1163 = arith.constant 32 : i32
        %dma_start3A_1164 = arith.constant 0 : i32
        %dma_start3A_1165 = tpu.memref_slice %arg6[%dma_start3A_1162, %dma_start3A_1163, %dma_start3A_1164] : memref<4x128x64xf32, #tpu.memory_space<vmem>> -> memref<1x16x64xf32, #tpu.memory_space<vmem>>
        %dma_start3A_1166 = tpu.memref_squeeze %dma_start3A_1165 : memref<1x16x64xf32, #tpu.memory_space<vmem>> -> memref<16x64xf32, #tpu.memory_space<vmem>>
        %dma_start3A_1167 = arith.constant 0 : i32
        %dma_start3A_1168 = arith.constant 0 : i32
        %dma_start3A_1169 = tpu.memref_slice %arg3[%dma_start3A_1167, %dma_start3A_1168] : memref<1000000x64xf32, #tpu.memory_space<hbm>> -> memref<1000000x64xf32, #tpu.memory_space<hbm>>
        tpu.enqueue_indirect_dma source(%dma_start3A_1169 : memref<1000000x64xf32, #tpu.memory_space<hbm>>) target(%dma_start3A_1166 : memref<16x64xf32, #tpu.memory_space<vmem>>) offsets(%get3A_1161 : vector<16xi32>) semaphore(%arg10 : memref<!tpu.dma_semaphore, #tpu.memory_space<semaphore_mem>>)
        %get3A_1170 = arith.constant 0 : i32
        %get3A_1171 = tpu.memref_slice %arg5[%add3A_1095, %get3A_1170] : memref<200x128xi32, #tpu.memory_space<vmem>> -> memref<1x128xi32, #tpu.memory_space<vmem>>
        %get3A_1172 = tpu.memref_squeeze %get3A_1171 : memref<1x128xi32, #tpu.memory_space<vmem>> -> memref<128xi32, #tpu.memory_space<vmem>>
        %get3A_1173 = arith.constant 48 : index
        %get3A_1174 = tpu.vector_load %get3A_1172[%get3A_1173] {strides = array<i32>} : memref<128xi32, #tpu.memory_space<vmem>>, vector<16xi32>,
        %get3A_1175 = vector.shape_cast %get3A_1174 : vector<16xi32> to vector<16xi32>
        %dma_start3A_1176 = arith.constant 2 : i32
        %dma_start3A_1177 = arith.constant 48 : i32
        %dma_start3A_1178 = arith.constant 0 : i32
        %dma_start3A_1179 = tpu.memref_slice %arg6[%dma_start3A_1176, %dma_start3A_1177, %dma_start3A_1178] : memref<4x128x64xf32, #tpu.memory_space<vmem>> -> memref<1x16x64xf32, #tpu.memory_space<vmem>>
        %dma_start3A_1180 = tpu.memref_squeeze %dma_start3A_1179 : memref<1x16x64xf32, #tpu.memory_space<vmem>> -> memref<16x64xf32, #tpu.memory_space<vmem>>
        %dma_start3A_1181 = arith.constant 0 : i32
        %dma_start3A_1182 = arith.constant 0 : i32
        %dma_start3A_1183 = tpu.memref_slice %arg3[%dma_start3A_1181, %dma_start3A_1182] : memref<1000000x64xf32, #tpu.memory_space<hbm>> -> memref<1000000x64xf32, #tpu.memory_space<hbm>>
        tpu.enqueue_indirect_dma source(%dma_start3A_1183 : memref<1000000x64xf32, #tpu.memory_space<hbm>>) target(%dma_start3A_1180 : memref<16x64xf32, #tpu.memory_space<vmem>>) offsets(%get3A_1175 : vector<16xi32>) semaphore(%arg10 : memref<!tpu.dma_semaphore, #tpu.memory_space<semaphore_mem>>)
        %get3A_1184 = arith.constant 0 : i32
        %get3A_1185 = tpu.memref_slice %arg5[%add3A_1095, %get3A_1184] : memref<200x128xi32, #tpu.memory_space<vmem>> -> memref<1x128xi32, #tpu.memory_space<vmem>>
        %get3A_1186 = tpu.memref_squeeze %get3A_1185 : memref<1x128xi32, #tpu.memory_space<vmem>> -> memref<128xi32, #tpu.memory_space<vmem>>
        %get3A_1187 = arith.constant 64 : index
        %get3A_1188 = tpu.vector_load %get3A_1186[%get3A_1187] {strides = array<i32>} : memref<128xi32, #tpu.memory_space<vmem>>, vector<16xi32>,
        %get3A_1189 = vector.shape_cast %get3A_1188 : vector<16xi32> to vector<16xi32>
        %dma_start3A_1190 = arith.constant 2 : i32
        %dma_start3A_1191 = arith.constant 64 : i32
        %dma_start3A_1192 = arith.constant 0 : i32
        %dma_start3A_1193 = tpu.memref_slice %arg6[%dma_start3A_1190, %dma_start3A_1191, %dma_start3A_1192] : memref<4x128x64xf32, #tpu.memory_space<vmem>> -> memref<1x16x64xf32, #tpu.memory_space<vmem>>
        %dma_start3A_1194 = tpu.memref_squeeze %dma_start3A_1193 : memref<1x16x64xf32, #tpu.memory_space<vmem>> -> memref<16x64xf32, #tpu.memory_space<vmem>>
        %dma_start3A_1195 = arith.constant 0 : i32
        %dma_start3A_1196 = arith.constant 0 : i32
        %dma_start3A_1197 = tpu.memref_slice %arg3[%dma_start3A_1195, %dma_start3A_1196] : memref<1000000x64xf32, #tpu.memory_space<hbm>> -> memref<1000000x64xf32, #tpu.memory_space<hbm>>
        tpu.enqueue_indirect_dma source(%dma_start3A_1197 : memref<1000000x64xf32, #tpu.memory_space<hbm>>) target(%dma_start3A_1194 : memref<16x64xf32, #tpu.memory_space<vmem>>) offsets(%get3A_1189 : vector<16xi32>) semaphore(%arg10 : memref<!tpu.dma_semaphore, #tpu.memory_space<semaphore_mem>>)
        %get3A_1198 = arith.constant 0 : i32
        %get3A_1199 = tpu.memref_slice %arg5[%add3A_1095, %get3A_1198] : memref<200x128xi32, #tpu.memory_space<vmem>> -> memref<1x128xi32, #tpu.memory_space<vmem>>
        %get3A_1200 = tpu.memref_squeeze %get3A_1199 : memref<1x128xi32, #tpu.memory_space<vmem>> -> memref<128xi32, #tpu.memory_space<vmem>>
        %get3A_1201 = arith.constant 80 : index
        %get3A_1202 = tpu.vector_load %get3A_1200[%get3A_1201] {strides = array<i32>} : memref<128xi32, #tpu.memory_space<vmem>>, vector<16xi32>,
        %get3A_1203 = vector.shape_cast %get3A_1202 : vector<16xi32> to vector<16xi32>
        %dma_start3A_1204 = arith.constant 2 : i32
        %dma_start3A_1205 = arith.constant 80 : i32
        %dma_start3A_1206 = arith.constant 0 : i32
        %dma_start3A_1207 = tpu.memref_slice %arg6[%dma_start3A_1204, %dma_start3A_1205, %dma_start3A_1206] : memref<4x128x64xf32, #tpu.memory_space<vmem>> -> memref<1x16x64xf32, #tpu.memory_space<vmem>>
        %dma_start3A_1208 = tpu.memref_squeeze %dma_start3A_1207 : memref<1x16x64xf32, #tpu.memory_space<vmem>> -> memref<16x64xf32, #tpu.memory_space<vmem>>
        %dma_start3A_1209 = arith.constant 0 : i32
        %dma_start3A_1210 = arith.constant 0 : i32
        %dma_start3A_1211 = tpu.memref_slice %arg3[%dma_start3A_1209, %dma_start3A_1210] : memref<1000000x64xf32, #tpu.memory_space<hbm>> -> memref<1000000x64xf32, #tpu.memory_space<hbm>>
        tpu.enqueue_indirect_dma source(%dma_start3A_1211 : memref<1000000x64xf32, #tpu.memory_space<hbm>>) target(%dma_start3A_1208 : memref<16x64xf32, #tpu.memory_space<vmem>>) offsets(%get3A_1203 : vector<16xi32>) semaphore(%arg10 : memref<!tpu.dma_semaphore, #tpu.memory_space<semaphore_mem>>)
        %get3A_1212 = arith.constant 0 : i32
        %get3A_1213 = tpu.memref_slice %arg5[%add3A_1095, %get3A_1212] : memref<200x128xi32, #tpu.memory_space<vmem>> -> memref<1x128xi32, #tpu.memory_space<vmem>>
        %get3A_1214 = tpu.memref_squeeze %get3A_1213 : memref<1x128xi32, #tpu.memory_space<vmem>> -> memref<128xi32, #tpu.memory_space<vmem>>
        %get3A_1215 = arith.constant 96 : index
        %get3A_1216 = tpu.vector_load %get3A_1214[%get3A_1215] {strides = array<i32>} : memref<128xi32, #tpu.memory_space<vmem>>, vector<16xi32>,
        %get3A_1217 = vector.shape_cast %get3A_1216 : vector<16xi32> to vector<16xi32>
        %dma_start3A_1218 = arith.constant 2 : i32
        %dma_start3A_1219 = arith.constant 96 : i32
        %dma_start3A_1220 = arith.constant 0 : i32
        %dma_start3A_1221 = tpu.memref_slice %arg6[%dma_start3A_1218, %dma_start3A_1219, %dma_start3A_1220] : memref<4x128x64xf32, #tpu.memory_space<vmem>> -> memref<1x16x64xf32, #tpu.memory_space<vmem>>
        %dma_start3A_1222 = tpu.memref_squeeze %dma_start3A_1221 : memref<1x16x64xf32, #tpu.memory_space<vmem>> -> memref<16x64xf32, #tpu.memory_space<vmem>>
        %dma_start3A_1223 = arith.constant 0 : i32
        %dma_start3A_1224 = arith.constant 0 : i32
        %dma_start3A_1225 = tpu.memref_slice %arg3[%dma_start3A_1223, %dma_start3A_1224] : memref<1000000x64xf32, #tpu.memory_space<hbm>> -> memref<1000000x64xf32, #tpu.memory_space<hbm>>
        tpu.enqueue_indirect_dma source(%dma_start3A_1225 : memref<1000000x64xf32, #tpu.memory_space<hbm>>) target(%dma_start3A_1222 : memref<16x64xf32, #tpu.memory_space<vmem>>) offsets(%get3A_1217 : vector<16xi32>) semaphore(%arg10 : memref<!tpu.dma_semaphore, #tpu.memory_space<semaphore_mem>>)
        %get3A_1226 = arith.constant 0 : i32
        %get3A_1227 = tpu.memref_slice %arg5[%add3A_1095, %get3A_1226] : memref<200x128xi32, #tpu.memory_space<vmem>> -> memref<1x128xi32, #tpu.memory_space<vmem>>
        %get3A_1228 = tpu.memref_squeeze %get3A_1227 : memref<1x128xi32, #tpu.memory_space<vmem>> -> memref<128xi32, #tpu.memory_space<vmem>>
        %get3A_1229 = arith.constant 112 : index
        %get3A_1230 = tpu.vector_load %get3A_1228[%get3A_1229] {strides = array<i32>} : memref<128xi32, #tpu.memory_space<vmem>>, vector<16xi32>,
        %get3A_1231 = vector.shape_cast %get3A_1230 : vector<16xi32> to vector<16xi32>
        %dma_start3A_1232 = arith.constant 2 : i32
        %dma_start3A_1233 = arith.constant 112 : i32
        %dma_start3A_1234 = arith.constant 0 : i32
        %dma_start3A_1235 = tpu.memref_slice %arg6[%dma_start3A_1232, %dma_start3A_1233, %dma_start3A_1234] : memref<4x128x64xf32, #tpu.memory_space<vmem>> -> memref<1x16x64xf32, #tpu.memory_space<vmem>>
        %dma_start3A_1236 = tpu.memref_squeeze %dma_start3A_1235 : memref<1x16x64xf32, #tpu.memory_space<vmem>> -> memref<16x64xf32, #tpu.memory_space<vmem>>
        %dma_start3A_1237 = arith.constant 0 : i32
        %dma_start3A_1238 = arith.constant 0 : i32
        %dma_start3A_1239 = tpu.memref_slice %arg3[%dma_start3A_1237, %dma_start3A_1238] : memref<1000000x64xf32, #tpu.memory_space<hbm>> -> memref<1000000x64xf32, #tpu.memory_space<hbm>>
        tpu.enqueue_indirect_dma source(%dma_start3A_1239 : memref<1000000x64xf32, #tpu.memory_space<hbm>>) target(%dma_start3A_1236 : memref<16x64xf32, #tpu.memory_space<vmem>>) offsets(%get3A_1231 : vector<16xi32>) semaphore(%arg10 : memref<!tpu.dma_semaphore, #tpu.memory_space<semaphore_mem>>)
      } else {
      }
      %add3A_1101 = arith.constant 4 : i32
      %add3A_1102 = arith.addi %add3A_548, %add3A_1101 : i32
      %add3A_1103 = arith.constant 3 : i32
      %add3A_1104 = arith.addi %add3A_1102, %add3A_1103 : i32
      %lt3A_1105 = arith.constant 200 : i32
      %lt3A_1106 = arith.cmpi slt, %add3A_1104, %lt3A_1105 : i32
      %convert_element_type3A_1107 = arith.extui %lt3A_1106 : i1 to i32
      %cond3A_1108 = arith.constant 0 : i32
      %cond3A_1109 = arith.cmpi ne, %convert_element_type3A_1107, %cond3A_1108 : i32
      scf.if %cond3A_1109 {
        %add3A_1110 = arith.constant 3 : i32
        %add3A_1111 = arith.addi %add3A_548, %add3A_1110 : i32
        %mul3A_1112 = arith.constant 128 : i32
        %mul3A_1113 = arith.muli %add3A_1111, %mul3A_1112 : i32
        %add3A_1114 = arith.addi %mul3A_2, %mul3A_1113 : i32
        %dma_wait3A_1115 = arith.constant 3 : i32
        %dma_wait3A_1116 = arith.constant 0 : i32
        %dma_wait3A_1117 = arith.constant 0 : i32
        %dma_wait3A_1118 = tpu.memref_slice %arg6[%dma_wait3A_1115, %dma_wait3A_1116, %dma_wait3A_1117] : memref<4x128x64xf32, #tpu.memory_space<vmem>> -> memref<1x128x64xf32, #tpu.memory_space<vmem>>
        %dma_wait3A_1119 = tpu.memref_squeeze %dma_wait3A_1118 : memref<1x128x64xf32, #tpu.memory_space<vmem>> -> memref<128x64xf32, #tpu.memory_space<vmem>>
        %dma_wait3A_1120 = arith.constant 0 : i32
        %dma_wait3A_1121 = tpu.memref_slice %arg4[%add3A_1114, %dma_wait3A_1120] : memref<819200x128xf32, #tpu.memory_space<hbm>> -> memref<128x64xf32, #tpu.memory_space<hbm>>
        %dma_wait3A_1122 = arith.constant 0 : i32
        %dma_wait3A_1123 = tpu.memref_slice %arg4[%add3A_1114, %dma_wait3A_1122] : memref<819200x128xf32, #tpu.memory_space<hbm>> -> memref<128x64xf32, #tpu.memory_space<hbm>>
        %dma_wait3A_1124 = arith.constant 0 : i32
        %dma_wait3A_1125 = arith.constant 0 : i32
        %dma_wait3A_1126 = tpu.memref_slice %arg6[%dma_wait3A_1115, %dma_wait3A_1124, %dma_wait3A_1125] : memref<4x128x64xf32, #tpu.memory_space<vmem>> -> memref<1x128x64xf32, #tpu.memory_space<vmem>>
        %dma_wait3A_1127 = tpu.memref_squeeze %dma_wait3A_1126 : memref<1x128x64xf32, #tpu.memory_space<vmem>> -> memref<128x64xf32, #tpu.memory_space<vmem>>
        tpu.wait_dma2 semaphore(%arg15 : memref<!tpu.dma_semaphore, #tpu.memory_space<semaphore_mem>>) src(%dma_wait3A_1127 : memref<128x64xf32, #tpu.memory_space<vmem>>) dst(%dma_wait3A_1123 : memref<128x64xf32, #tpu.memory_space<hbm>>)
        %get3A_1128 = arith.constant 0 : i32
        %get3A_1129 = tpu.memref_slice %arg5[%add3A_1104, %get3A_1128] : memref<200x128xi32, #tpu.memory_space<vmem>> -> memref<1x128xi32, #tpu.memory_space<vmem>>
        %get3A_1130 = tpu.memref_squeeze %get3A_1129 : memref<1x128xi32, #tpu.memory_space<vmem>> -> memref<128xi32, #tpu.memory_space<vmem>>
        %get3A_1131 = arith.constant 0 : index
        %get3A_1132 = tpu.vector_load %get3A_1130[%get3A_1131] {strides = array<i32>} : memref<128xi32, #tpu.memory_space<vmem>>, vector<16xi32>,
        %get3A_1133 = vector.shape_cast %get3A_1132 : vector<16xi32> to vector<16xi32>
        %dma_start3A_1134 = arith.constant 3 : i32
        %dma_start3A_1135 = arith.constant 0 : i32
        %dma_start3A_1136 = arith.constant 0 : i32
        %dma_start3A_1137 = tpu.memref_slice %arg6[%dma_start3A_1134, %dma_start3A_1135, %dma_start3A_1136] : memref<4x128x64xf32, #tpu.memory_space<vmem>> -> memref<1x16x64xf32, #tpu.memory_space<vmem>>
        %dma_start3A_1138 = tpu.memref_squeeze %dma_start3A_1137 : memref<1x16x64xf32, #tpu.memory_space<vmem>> -> memref<16x64xf32, #tpu.memory_space<vmem>>
        %dma_start3A_1139 = arith.constant 0 : i32
        %dma_start3A_1140 = arith.constant 0 : i32
        %dma_start3A_1141 = tpu.memref_slice %arg3[%dma_start3A_1139, %dma_start3A_1140] : memref<1000000x64xf32, #tpu.memory_space<hbm>> -> memref<1000000x64xf32, #tpu.memory_space<hbm>>
        tpu.enqueue_indirect_dma source(%dma_start3A_1141 : memref<1000000x64xf32, #tpu.memory_space<hbm>>) target(%dma_start3A_1138 : memref<16x64xf32, #tpu.memory_space<vmem>>) offsets(%get3A_1133 : vector<16xi32>) semaphore(%arg11 : memref<!tpu.dma_semaphore, #tpu.memory_space<semaphore_mem>>)
        %get3A_1142 = arith.constant 0 : i32
        %get3A_1143 = tpu.memref_slice %arg5[%add3A_1104, %get3A_1142] : memref<200x128xi32, #tpu.memory_space<vmem>> -> memref<1x128xi32, #tpu.memory_space<vmem>>
        %get3A_1144 = tpu.memref_squeeze %get3A_1143 : memref<1x128xi32, #tpu.memory_space<vmem>> -> memref<128xi32, #tpu.memory_space<vmem>>
        %get3A_1145 = arith.constant 16 : index
        %get3A_1146 = tpu.vector_load %get3A_1144[%get3A_1145] {strides = array<i32>} : memref<128xi32, #tpu.memory_space<vmem>>, vector<16xi32>,
        %get3A_1147 = vector.shape_cast %get3A_1146 : vector<16xi32> to vector<16xi32>
        %dma_start3A_1148 = arith.constant 3 : i32
        %dma_start3A_1149 = arith.constant 16 : i32
        %dma_start3A_1150 = arith.constant 0 : i32
        %dma_start3A_1151 = tpu.memref_slice %arg6[%dma_start3A_1148, %dma_start3A_1149, %dma_start3A_1150] : memref<4x128x64xf32, #tpu.memory_space<vmem>> -> memref<1x16x64xf32, #tpu.memory_space<vmem>>
        %dma_start3A_1152 = tpu.memref_squeeze %dma_start3A_1151 : memref<1x16x64xf32, #tpu.memory_space<vmem>> -> memref<16x64xf32, #tpu.memory_space<vmem>>
        %dma_start3A_1153 = arith.constant 0 : i32
        %dma_start3A_1154 = arith.constant 0 : i32
        %dma_start3A_1155 = tpu.memref_slice %arg3[%dma_start3A_1153, %dma_start3A_1154] : memref<1000000x64xf32, #tpu.memory_space<hbm>> -> memref<1000000x64xf32, #tpu.memory_space<hbm>>
        tpu.enqueue_indirect_dma source(%dma_start3A_1155 : memref<1000000x64xf32, #tpu.memory_space<hbm>>) target(%dma_start3A_1152 : memref<16x64xf32, #tpu.memory_space<vmem>>) offsets(%get3A_1147 : vector<16xi32>) semaphore(%arg11 : memref<!tpu.dma_semaphore, #tpu.memory_space<semaphore_mem>>)
        %get3A_1156 = arith.constant 0 : i32
        %get3A_1157 = tpu.memref_slice %arg5[%add3A_1104, %get3A_1156] : memref<200x128xi32, #tpu.memory_space<vmem>> -> memref<1x128xi32, #tpu.memory_space<vmem>>
        %get3A_1158 = tpu.memref_squeeze %get3A_1157 : memref<1x128xi32, #tpu.memory_space<vmem>> -> memref<128xi32, #tpu.memory_space<vmem>>
        %get3A_1159 = arith.constant 32 : index
        %get3A_1160 = tpu.vector_load %get3A_1158[%get3A_1159] {strides = array<i32>} : memref<128xi32, #tpu.memory_space<vmem>>, vector<16xi32>,
        %get3A_1161 = vector.shape_cast %get3A_1160 : vector<16xi32> to vector<16xi32>
        %dma_start3A_1162 = arith.constant 3 : i32
        %dma_start3A_1163 = arith.constant 32 : i32
        %dma_start3A_1164 = arith.constant 0 : i32
        %dma_start3A_1165 = tpu.memref_slice %arg6[%dma_start3A_1162, %dma_start3A_1163, %dma_start3A_1164] : memref<4x128x64xf32, #tpu.memory_space<vmem>> -> memref<1x16x64xf32, #tpu.memory_space<vmem>>
        %dma_start3A_1166 = tpu.memref_squeeze %dma_start3A_1165 : memref<1x16x64xf32, #tpu.memory_space<vmem>> -> memref<16x64xf32, #tpu.memory_space<vmem>>
        %dma_start3A_1167 = arith.constant 0 : i32
        %dma_start3A_1168 = arith.constant 0 : i32
        %dma_start3A_1169 = tpu.memref_slice %arg3[%dma_start3A_1167, %dma_start3A_1168] : memref<1000000x64xf32, #tpu.memory_space<hbm>> -> memref<1000000x64xf32, #tpu.memory_space<hbm>>
        tpu.enqueue_indirect_dma source(%dma_start3A_1169 : memref<1000000x64xf32, #tpu.memory_space<hbm>>) target(%dma_start3A_1166 : memref<16x64xf32, #tpu.memory_space<vmem>>) offsets(%get3A_1161 : vector<16xi32>) semaphore(%arg11 : memref<!tpu.dma_semaphore, #tpu.memory_space<semaphore_mem>>)
        %get3A_1170 = arith.constant 0 : i32
        %get3A_1171 = tpu.memref_slice %arg5[%add3A_1104, %get3A_1170] : memref<200x128xi32, #tpu.memory_space<vmem>> -> memref<1x128xi32, #tpu.memory_space<vmem>>
        %get3A_1172 = tpu.memref_squeeze %get3A_1171 : memref<1x128xi32, #tpu.memory_space<vmem>> -> memref<128xi32, #tpu.memory_space<vmem>>
        %get3A_1173 = arith.constant 48 : index
        %get3A_1174 = tpu.vector_load %get3A_1172[%get3A_1173] {strides = array<i32>} : memref<128xi32, #tpu.memory_space<vmem>>, vector<16xi32>,
        %get3A_1175 = vector.shape_cast %get3A_1174 : vector<16xi32> to vector<16xi32>
        %dma_start3A_1176 = arith.constant 3 : i32
        %dma_start3A_1177 = arith.constant 48 : i32
        %dma_start3A_1178 = arith.constant 0 : i32
        %dma_start3A_1179 = tpu.memref_slice %arg6[%dma_start3A_1176, %dma_start3A_1177, %dma_start3A_1178] : memref<4x128x64xf32, #tpu.memory_space<vmem>> -> memref<1x16x64xf32, #tpu.memory_space<vmem>>
        %dma_start3A_1180 = tpu.memref_squeeze %dma_start3A_1179 : memref<1x16x64xf32, #tpu.memory_space<vmem>> -> memref<16x64xf32, #tpu.memory_space<vmem>>
        %dma_start3A_1181 = arith.constant 0 : i32
        %dma_start3A_1182 = arith.constant 0 : i32
        %dma_start3A_1183 = tpu.memref_slice %arg3[%dma_start3A_1181, %dma_start3A_1182] : memref<1000000x64xf32, #tpu.memory_space<hbm>> -> memref<1000000x64xf32, #tpu.memory_space<hbm>>
        tpu.enqueue_indirect_dma source(%dma_start3A_1183 : memref<1000000x64xf32, #tpu.memory_space<hbm>>) target(%dma_start3A_1180 : memref<16x64xf32, #tpu.memory_space<vmem>>) offsets(%get3A_1175 : vector<16xi32>) semaphore(%arg11 : memref<!tpu.dma_semaphore, #tpu.memory_space<semaphore_mem>>)
        %get3A_1184 = arith.constant 0 : i32
        %get3A_1185 = tpu.memref_slice %arg5[%add3A_1104, %get3A_1184] : memref<200x128xi32, #tpu.memory_space<vmem>> -> memref<1x128xi32, #tpu.memory_space<vmem>>
        %get3A_1186 = tpu.memref_squeeze %get3A_1185 : memref<1x128xi32, #tpu.memory_space<vmem>> -> memref<128xi32, #tpu.memory_space<vmem>>
        %get3A_1187 = arith.constant 64 : index
        %get3A_1188 = tpu.vector_load %get3A_1186[%get3A_1187] {strides = array<i32>} : memref<128xi32, #tpu.memory_space<vmem>>, vector<16xi32>,
        %get3A_1189 = vector.shape_cast %get3A_1188 : vector<16xi32> to vector<16xi32>
        %dma_start3A_1190 = arith.constant 3 : i32
        %dma_start3A_1191 = arith.constant 64 : i32
        %dma_start3A_1192 = arith.constant 0 : i32
        %dma_start3A_1193 = tpu.memref_slice %arg6[%dma_start3A_1190, %dma_start3A_1191, %dma_start3A_1192] : memref<4x128x64xf32, #tpu.memory_space<vmem>> -> memref<1x16x64xf32, #tpu.memory_space<vmem>>
        %dma_start3A_1194 = tpu.memref_squeeze %dma_start3A_1193 : memref<1x16x64xf32, #tpu.memory_space<vmem>> -> memref<16x64xf32, #tpu.memory_space<vmem>>
        %dma_start3A_1195 = arith.constant 0 : i32
        %dma_start3A_1196 = arith.constant 0 : i32
        %dma_start3A_1197 = tpu.memref_slice %arg3[%dma_start3A_1195, %dma_start3A_1196] : memref<1000000x64xf32, #tpu.memory_space<hbm>> -> memref<1000000x64xf32, #tpu.memory_space<hbm>>
        tpu.enqueue_indirect_dma source(%dma_start3A_1197 : memref<1000000x64xf32, #tpu.memory_space<hbm>>) target(%dma_start3A_1194 : memref<16x64xf32, #tpu.memory_space<vmem>>) offsets(%get3A_1189 : vector<16xi32>) semaphore(%arg11 : memref<!tpu.dma_semaphore, #tpu.memory_space<semaphore_mem>>)
        %get3A_1198 = arith.constant 0 : i32
        %get3A_1199 = tpu.memref_slice %arg5[%add3A_1104, %get3A_1198] : memref<200x128xi32, #tpu.memory_space<vmem>> -> memref<1x128xi32, #tpu.memory_space<vmem>>
        %get3A_1200 = tpu.memref_squeeze %get3A_1199 : memref<1x128xi32, #tpu.memory_space<vmem>> -> memref<128xi32, #tpu.memory_space<vmem>>
        %get3A_1201 = arith.constant 80 : index
        %get3A_1202 = tpu.vector_load %get3A_1200[%get3A_1201] {strides = array<i32>} : memref<128xi32, #tpu.memory_space<vmem>>, vector<16xi32>,
        %get3A_1203 = vector.shape_cast %get3A_1202 : vector<16xi32> to vector<16xi32>
        %dma_start3A_1204 = arith.constant 3 : i32
        %dma_start3A_1205 = arith.constant 80 : i32
        %dma_start3A_1206 = arith.constant 0 : i32
        %dma_start3A_1207 = tpu.memref_slice %arg6[%dma_start3A_1204, %dma_start3A_1205, %dma_start3A_1206] : memref<4x128x64xf32, #tpu.memory_space<vmem>> -> memref<1x16x64xf32, #tpu.memory_space<vmem>>
        %dma_start3A_1208 = tpu.memref_squeeze %dma_start3A_1207 : memref<1x16x64xf32, #tpu.memory_space<vmem>> -> memref<16x64xf32, #tpu.memory_space<vmem>>
        %dma_start3A_1209 = arith.constant 0 : i32
        %dma_start3A_1210 = arith.constant 0 : i32
        %dma_start3A_1211 = tpu.memref_slice %arg3[%dma_start3A_1209, %dma_start3A_1210] : memref<1000000x64xf32, #tpu.memory_space<hbm>> -> memref<1000000x64xf32, #tpu.memory_space<hbm>>
        tpu.enqueue_indirect_dma source(%dma_start3A_1211 : memref<1000000x64xf32, #tpu.memory_space<hbm>>) target(%dma_start3A_1208 : memref<16x64xf32, #tpu.memory_space<vmem>>) offsets(%get3A_1203 : vector<16xi32>) semaphore(%arg11 : memref<!tpu.dma_semaphore, #tpu.memory_space<semaphore_mem>>)
        %get3A_1212 = arith.constant 0 : i32
        %get3A_1213 = tpu.memref_slice %arg5[%add3A_1104, %get3A_1212] : memref<200x128xi32, #tpu.memory_space<vmem>> -> memref<1x128xi32, #tpu.memory_space<vmem>>
        %get3A_1214 = tpu.memref_squeeze %get3A_1213 : memref<1x128xi32, #tpu.memory_space<vmem>> -> memref<128xi32, #tpu.memory_space<vmem>>
        %get3A_1215 = arith.constant 96 : index
        %get3A_1216 = tpu.vector_load %get3A_1214[%get3A_1215] {strides = array<i32>} : memref<128xi32, #tpu.memory_space<vmem>>, vector<16xi32>,
        %get3A_1217 = vector.shape_cast %get3A_1216 : vector<16xi32> to vector<16xi32>
        %dma_start3A_1218 = arith.constant 3 : i32
        %dma_start3A_1219 = arith.constant 96 : i32
        %dma_start3A_1220 = arith.constant 0 : i32
        %dma_start3A_1221 = tpu.memref_slice %arg6[%dma_start3A_1218, %dma_start3A_1219, %dma_start3A_1220] : memref<4x128x64xf32, #tpu.memory_space<vmem>> -> memref<1x16x64xf32, #tpu.memory_space<vmem>>
        %dma_start3A_1222 = tpu.memref_squeeze %dma_start3A_1221 : memref<1x16x64xf32, #tpu.memory_space<vmem>> -> memref<16x64xf32, #tpu.memory_space<vmem>>
        %dma_start3A_1223 = arith.constant 0 : i32
        %dma_start3A_1224 = arith.constant 0 : i32
        %dma_start3A_1225 = tpu.memref_slice %arg3[%dma_start3A_1223, %dma_start3A_1224] : memref<1000000x64xf32, #tpu.memory_space<hbm>> -> memref<1000000x64xf32, #tpu.memory_space<hbm>>
        tpu.enqueue_indirect_dma source(%dma_start3A_1225 : memref<1000000x64xf32, #tpu.memory_space<hbm>>) target(%dma_start3A_1222 : memref<16x64xf32, #tpu.memory_space<vmem>>) offsets(%get3A_1217 : vector<16xi32>) semaphore(%arg11 : memref<!tpu.dma_semaphore, #tpu.memory_space<semaphore_mem>>)
        %get3A_1226 = arith.constant 0 : i32
        %get3A_1227 = tpu.memref_slice %arg5[%add3A_1104, %get3A_1226] : memref<200x128xi32, #tpu.memory_space<vmem>> -> memref<1x128xi32, #tpu.memory_space<vmem>>
        %get3A_1228 = tpu.memref_squeeze %get3A_1227 : memref<1x128xi32, #tpu.memory_space<vmem>> -> memref<128xi32, #tpu.memory_space<vmem>>
        %get3A_1229 = arith.constant 112 : index
        %get3A_1230 = tpu.vector_load %get3A_1228[%get3A_1229] {strides = array<i32>} : memref<128xi32, #tpu.memory_space<vmem>>, vector<16xi32>,
        %get3A_1231 = vector.shape_cast %get3A_1230 : vector<16xi32> to vector<16xi32>
        %dma_start3A_1232 = arith.constant 3 : i32
        %dma_start3A_1233 = arith.constant 112 : i32
        %dma_start3A_1234 = arith.constant 0 : i32
        %dma_start3A_1235 = tpu.memref_slice %arg6[%dma_start3A_1232, %dma_start3A_1233, %dma_start3A_1234] : memref<4x128x64xf32, #tpu.memory_space<vmem>> -> memref<1x16x64xf32, #tpu.memory_space<vmem>>
        %dma_start3A_1236 = tpu.memref_squeeze %dma_start3A_1235 : memref<1x16x64xf32, #tpu.memory_space<vmem>> -> memref<16x64xf32, #tpu.memory_space<vmem>>
        %dma_start3A_1237 = arith.constant 0 : i32
        %dma_start3A_1238 = arith.constant 0 : i32
        %dma_start3A_1239 = tpu.memref_slice %arg3[%dma_start3A_1237, %dma_start3A_1238] : memref<1000000x64xf32, #tpu.memory_space<hbm>> -> memref<1000000x64xf32, #tpu.memory_space<hbm>>
        tpu.enqueue_indirect_dma source(%dma_start3A_1239 : memref<1000000x64xf32, #tpu.memory_space<hbm>>) target(%dma_start3A_1236 : memref<16x64xf32, #tpu.memory_space<vmem>>) offsets(%get3A_1231 : vector<16xi32>) semaphore(%arg11 : memref<!tpu.dma_semaphore, #tpu.memory_space<semaphore_mem>>)
      } else {
      }
    }
    %scan3A_484 = arith.constant 50 : i32
    %add3A_485 = arith.constant 25088 : i32
    %add3A_486 = arith.addi %mul3A_2, %add3A_485 : i32
    %dma_wait3A = arith.constant 0 : i32
    %dma_wait3A_487 = arith.constant 0 : i32
    %dma_wait3A_488 = arith.constant 0 : i32
    %dma_wait3A_489 = tpu.memref_slice %arg6[%dma_wait3A, %dma_wait3A_487, %dma_wait3A_488] : memref<4x128x64xf32, #tpu.memory_space<vmem>> -> memref<1x128x64xf32, #tpu.memory_space<vmem>>
    %dma_wait3A_490 = tpu.memref_squeeze %dma_wait3A_489 : memref<1x128x64xf32, #tpu.memory_space<vmem>> -> memref<128x64xf32, #tpu.memory_space<vmem>>
    %dma_wait3A_491 = arith.constant 0 : i32
    %dma_wait3A_492 = tpu.memref_slice %arg4[%add3A_486, %dma_wait3A_491] : memref<819200x128xf32, #tpu.memory_space<hbm>> -> memref<128x64xf32, #tpu.memory_space<hbm>>
    %dma_wait3A_493 = arith.constant 0 : i32
    %dma_wait3A_494 = tpu.memref_slice %arg4[%add3A_486, %dma_wait3A_493] : memref<819200x128xf32, #tpu.memory_space<hbm>> -> memref<128x64xf32, #tpu.memory_space<hbm>>
    %dma_wait3A_495 = arith.constant 0 : i32
    %dma_wait3A_496 = arith.constant 0 : i32
    %dma_wait3A_497 = tpu.memref_slice %arg6[%dma_wait3A, %dma_wait3A_495, %dma_wait3A_496] : memref<4x128x64xf32, #tpu.memory_space<vmem>> -> memref<1x128x64xf32, #tpu.memory_space<vmem>>
    %dma_wait3A_498 = tpu.memref_squeeze %dma_wait3A_497 : memref<1x128x64xf32, #tpu.memory_space<vmem>> -> memref<128x64xf32, #tpu.memory_space<vmem>>
    tpu.wait_dma2 semaphore(%arg12 : memref<!tpu.dma_semaphore, #tpu.memory_space<semaphore_mem>>) src(%dma_wait3A_498 : memref<128x64xf32, #tpu.memory_space<vmem>>) dst(%dma_wait3A_494 : memref<128x64xf32, #tpu.memory_space<hbm>>)
    %add3A_499 = arith.constant 25216 : i32
    %add3A_500 = arith.addi %mul3A_2, %add3A_499 : i32
    %dma_wait3A_501 = arith.constant 1 : i32
    %dma_wait3A_502 = arith.constant 0 : i32
    %dma_wait3A_503 = arith.constant 0 : i32
    %dma_wait3A_504 = tpu.memref_slice %arg6[%dma_wait3A_501, %dma_wait3A_502, %dma_wait3A_503] : memref<4x128x64xf32, #tpu.memory_space<vmem>> -> memref<1x128x64xf32, #tpu.memory_space<vmem>>
    %dma_wait3A_505 = tpu.memref_squeeze %dma_wait3A_504 : memref<1x128x64xf32, #tpu.memory_space<vmem>> -> memref<128x64xf32, #tpu.memory_space<vmem>>
    %dma_wait3A_506 = arith.constant 0 : i32
    %dma_wait3A_507 = tpu.memref_slice %arg4[%add3A_500, %dma_wait3A_506] : memref<819200x128xf32, #tpu.memory_space<hbm>> -> memref<128x64xf32, #tpu.memory_space<hbm>>
    %dma_wait3A_508 = arith.constant 0 : i32
    %dma_wait3A_509 = tpu.memref_slice %arg4[%add3A_500, %dma_wait3A_508] : memref<819200x128xf32, #tpu.memory_space<hbm>> -> memref<128x64xf32, #tpu.memory_space<hbm>>
    %dma_wait3A_510 = arith.constant 0 : i32
    %dma_wait3A_511 = arith.constant 0 : i32
    %dma_wait3A_512 = tpu.memref_slice %arg6[%dma_wait3A_501, %dma_wait3A_510, %dma_wait3A_511] : memref<4x128x64xf32, #tpu.memory_space<vmem>> -> memref<1x128x64xf32, #tpu.memory_space<vmem>>
    %dma_wait3A_513 = tpu.memref_squeeze %dma_wait3A_512 : memref<1x128x64xf32, #tpu.memory_space<vmem>> -> memref<128x64xf32, #tpu.memory_space<vmem>>
    tpu.wait_dma2 semaphore(%arg13 : memref<!tpu.dma_semaphore, #tpu.memory_space<semaphore_mem>>) src(%dma_wait3A_513 : memref<128x64xf32, #tpu.memory_space<vmem>>) dst(%dma_wait3A_509 : memref<128x64xf32, #tpu.memory_space<hbm>>)
    %add3A_514 = arith.constant 25344 : i32
    %add3A_515 = arith.addi %mul3A_2, %add3A_514 : i32
    %dma_wait3A_516 = arith.constant 2 : i32
    %dma_wait3A_517 = arith.constant 0 : i32
    %dma_wait3A_518 = arith.constant 0 : i32
    %dma_wait3A_519 = tpu.memref_slice %arg6[%dma_wait3A_516, %dma_wait3A_517, %dma_wait3A_518] : memref<4x128x64xf32, #tpu.memory_space<vmem>> -> memref<1x128x64xf32, #tpu.memory_space<vmem>>
    %dma_wait3A_520 = tpu.memref_squeeze %dma_wait3A_519 : memref<1x128x64xf32, #tpu.memory_space<vmem>> -> memref<128x64xf32, #tpu.memory_space<vmem>>
    %dma_wait3A_521 = arith.constant 0 : i32
    %dma_wait3A_522 = tpu.memref_slice %arg4[%add3A_515, %dma_wait3A_521] : memref<819200x128xf32, #tpu.memory_space<hbm>> -> memref<128x64xf32, #tpu.memory_space<hbm>>
    %dma_wait3A_523 = arith.constant 0 : i32
    %dma_wait3A_524 = tpu.memref_slice %arg4[%add3A_515, %dma_wait3A_523] : memref<819200x128xf32, #tpu.memory_space<hbm>> -> memref<128x64xf32, #tpu.memory_space<hbm>>
    %dma_wait3A_525 = arith.constant 0 : i32
    %dma_wait3A_526 = arith.constant 0 : i32
    %dma_wait3A_527 = tpu.memref_slice %arg6[%dma_wait3A_516, %dma_wait3A_525, %dma_wait3A_526] : memref<4x128x64xf32, #tpu.memory_space<vmem>> -> memref<1x128x64xf32, #tpu.memory_space<vmem>>
    %dma_wait3A_528 = tpu.memref_squeeze %dma_wait3A_527 : memref<1x128x64xf32, #tpu.memory_space<vmem>> -> memref<128x64xf32, #tpu.memory_space<vmem>>
    tpu.wait_dma2 semaphore(%arg14 : memref<!tpu.dma_semaphore, #tpu.memory_space<semaphore_mem>>) src(%dma_wait3A_528 : memref<128x64xf32, #tpu.memory_space<vmem>>) dst(%dma_wait3A_524 : memref<128x64xf32, #tpu.memory_space<hbm>>)
    %add3A_529 = arith.constant 25472 : i32
    %add3A_530 = arith.addi %mul3A_2, %add3A_529 : i32
    %dma_wait3A_531 = arith.constant 3 : i32
    %dma_wait3A_532 = arith.constant 0 : i32
    %dma_wait3A_533 = arith.constant 0 : i32
    %dma_wait3A_534 = tpu.memref_slice %arg6[%dma_wait3A_531, %dma_wait3A_532, %dma_wait3A_533] : memref<4x128x64xf32, #tpu.memory_space<vmem>> -> memref<1x128x64xf32, #tpu.memory_space<vmem>>
    %dma_wait3A_535 = tpu.memref_squeeze %dma_wait3A_534 : memref<1x128x64xf32, #tpu.memory_space<vmem>> -> memref<128x64xf32, #tpu.memory_space<vmem>>
    %dma_wait3A_536 = arith.constant 0 : i32
    %dma_wait3A_537 = tpu.memref_slice %arg4[%add3A_530, %dma_wait3A_536] : memref<819200x128xf32, #tpu.memory_space<hbm>> -> memref<128x64xf32, #tpu.memory_space<hbm>>
    %dma_wait3A_538 = arith.constant 0 : i32
    %dma_wait3A_539 = tpu.memref_slice %arg4[%add3A_530, %dma_wait3A_538] : memref<819200x128xf32, #tpu.memory_space<hbm>> -> memref<128x64xf32, #tpu.memory_space<hbm>>
    %dma_wait3A_540 = arith.constant 0 : i32
    %dma_wait3A_541 = arith.constant 0 : i32
    %dma_wait3A_542 = tpu.memref_slice %arg6[%dma_wait3A_531, %dma_wait3A_540, %dma_wait3A_541] : memref<4x128x64xf32, #tpu.memory_space<vmem>> -> memref<1x128x64xf32, #tpu.memory_space<vmem>>
    %dma_wait3A_543 = tpu.memref_squeeze %dma_wait3A_542 : memref<1x128x64xf32, #tpu.memory_space<vmem>> -> memref<128x64xf32, #tpu.memory_space<vmem>>
    tpu.wait_dma2 semaphore(%arg15 : memref<!tpu.dma_semaphore, #tpu.memory_space<semaphore_mem>>) src(%dma_wait3A_543 : memref<128x64xf32, #tpu.memory_space<vmem>>) dst(%dma_wait3A_539 : memref<128x64xf32, #tpu.memory_space<hbm>>)
    return
  }
}

</mosaic_0001>

<sc_bundles>
// kernel: kernel.3.cloned.1.call-start
scs
__scs_entry_jumppad:
0x0: {  	(pc) =	sbr.rel $0x88, $3  }
0x1: {  	(tag) =	ssettag $0x0;
	lr =	simm.s32 $0x1  }
0x2: {  	[smem:$0x3F9F] =	sst lr;
	_ =	strace $0xD0000000  }
0x3: {  	_ = 	snop  }
0x4: {  	_ = 	snop  }
0x5: {  	_ = 	snop  }
0x6: {  	_ = 	snop  }
0x7: {  	_ = 	snop  }
__scs_overlays_trampoline_lowered:
0x8: {  	[smem:$0x3FAE] =	sst s0  }
0x9: {  	[smem:$0x3FAF] =	sst s1  }
0xa: {  	[smem:$0x3FB0] =	sst s2  }
0xb: {  	[smem:$0x3FB1] =	sst s3  }
0xc: {  	[smem:$0x3FB2] =	sst s4  }
0xd: {  	[smem:$0x3FB3] =	sst s5  }
0xe: {  	[smem:$0x3FB4] =	sst s6  }
0xf: {  	[smem:$0x3FB5] =	sst s7  }
0x10: {  	[smem:$0x3FB6] =	sst s8  }
0x11: {  	[smem:$0x3FB7] =	sst s9;
	s0 =	simm.s32 @!p0 $0x0  }
0x12: {  	s1 =	sld [smem:$0x3F9D];
	s0 =	simm.s32 @p0 $0x1  }
0x13: {  	[smem:$0x3FB8] =	sst s0;
	s0 =	simm.s32 @!p1 $0x0  }
0x14: {  	s2 =	sld [smem:$0x3F9C];
	s0 =	simm.s32 @p1 $0x1  }
0x15: {  	[smem:$0x3FB9] =	sst s0;
	s0 =	simm.s32 @!p2 $0x0  }
0x16: {  	s3 =	sld [smem:$0x3FDB];
	s0 =	simm.s32 @p2 $0x1  }
0x17: {  	s4 =	simm.s32 $0x1BF5;
	[smem:$0x3FBB] =	sst s0  }
0x18: {  	s0 =	sld [smem:$0x3F9E];
	_ =	swait.ge [sflag:s4], $0x0  }
0x19: {  	s7 =	sld [smem:$0x3F9F]  }
0x1a: {  	s8 =	sadd.s32 $0xFFFFE003, lr  }
0x1b: {  	s9 =	sadd.s32 $0xFFFFFEF7, lr;
	s5 =	simm.s32 $0xFFFFFFFF;
	p2 =	slt.u32 s8, $0xFFFFF086  }
0x1c: {  	p1 =	slt.u32 s9, $0xF7A;
	s5 =	simm.s32 @!p2 $0x0  }
0x1d: {  	s5 =	simm.s32 @p1 $0x1;
	p0 =	seq.s32 s7, s2  }
0x1e: {  	s7 =	smul.u32 @!p0 $0xF7A, s2;
	p2 =	seq.s32 @!p0 s5, $0x0  }
0x1f: {  	s9 =	smul.u32 $0xF7A, s1;
	s8 =	simm.s32 @!p0 $0x1BF5;
	p2 =	por !p2, p0  }
0x20: {  	[sflag:s8] =	ssyncset.s32 @!p0 $0xFFFFF086;
	s6 =	sadd.s32 @!p0 s3, s7;
	s7 =	simm.s32 @!p0 $0x108  }
0x21: {  	s3 =	sadd.s32 s3, s9;
	s6 =	sadd.s32 @!p0 $0x88, s6;
	s7 =	simm.s32 @p2 $0x1082  }
0x22: {  	[simem:s7], [sflag:s8] =	dma.local @!p0 [hbm:s6], $0xF7A  }
0x23: {  	s9 =	sor.u32 $0xD0000000, s2;
	s6 =	simm.s32 $0x108;
	_ =	swait.ge @!p0 [sflag:s8], $0x0  }
0x24: {  	s3 =	sadd.s32 $0x88, s3;
	s6 =	simm.s32 @!p1 $0x1082;
	[sflag:s4] =	ssyncset.s32 $0xFFFFF086  }
0x25: {  	[simem:s6], [sflag:s4] =	dma.local [hbm:s3], $0xF7A  }
0x26: {  	[smem:$0x3F9F] =	sst s1;
	(tag) =	ssettag s2;
	_ =	strace s9  }
0x27: {  	s1 =	sld [smem:$0x3FAF]  }
0x28: {  	s2 =	sld [smem:$0x3FB0]  }
0x29: {  	s4 =	sld [smem:$0x3FB2]  }
0x2a: {  	p0 =	seq.s32 s5, $0x0;
	s5 =	sld [smem:$0x3FB3]  }
0x2b: {  	s6 =	sld [smem:$0x3FB4]  }
0x2c: {  	s7 =	sld [smem:$0x3FB5]  }
0x2d: {  	s3 =	simm.s32 $0x108;
	s8 =	sld [smem:$0x3FB6]  }
0x2e: {  	s3 =	simm.s32 @!p0 $0x1082;
	s9 =	sld [smem:$0x3FB7]  }
0x2f: {  	lr =	sadd.s32 s0, s3;
	s0 =	sld [smem:$0x3FAE]  }
0x30: {  	s3 =	sld [smem:$0x3FB1]  }
0x31: {  	[smem:$0x3FBA] =	sst s10  }
0x32: {  	s10 =	sld [smem:$0x3FB8];
	_ =	sdelay $0x3  }
0x33: {  	p0 =	seq.s32 s10, $0x1;
	s10 =	sld [smem:$0x3FBA];
	_ =	sdelay $0x3  }
0x34: {  	[smem:$0x3FBA] =	sst s10  }
0x35: {  	s10 =	sld [smem:$0x3FB9];
	_ =	sdelay $0x3  }
0x36: {  	p1 =	seq.s32 s10, $0x1;
	s10 =	sld [smem:$0x3FBA];
	_ =	sdelay $0x3  }
0x37: {  	[smem:$0x3FBA] =	sst s10  }
0x38: {  	s10 =	sld [smem:$0x3FBB]  }
0x39: {  	_ = 	snop;
	(pc) =	sbr.ind lr, $3  }
0x3a: {  	_ = 	snop  }
0x3b: {  	_ = 	snop  }
0x3c: {  	p2 =	seq.s32 s10, $0x1;
	s10 =	sld [smem:$0x3FBA]  }
0x3d: {  	_ =	shalt  }
0x3e: {  	_ =	shalt  }
0x3f: {  	_ =	shalt  }
0x40: {  	_ =	shalt  }
0x41: {  	_ =	shalt  }
0x42: {  	_ =	shalt  }
0x43: {  	_ =	shalt  }
0x44: {  	_ =	shalt  }
0x45: {  	_ =	shalt  }
0x46: {  	_ =	shalt  }
0x47: {  	_ =	shalt  }
0x48: {  	_ =	shalt  }
0x49: {  	_ =	shalt  }
0x4a: {  	_ =	shalt  }
0x4b: {  	_ =	shalt  }
0x4c: {  	_ =	shalt  }
0x4d: {  	_ =	shalt  }
0x4e: {  	_ =	shalt  }
0x4f: {  	_ =	shalt  }
0x50: {  	_ =	shalt  }
0x51: {  	_ =	shalt  }
0x52: {  	_ =	shalt  }
0x53: {  	_ =	shalt  }
0x54: {  	_ =	shalt  }
0x55: {  	_ =	shalt  }
0x56: {  	_ =	shalt  }
0x57: {  	_ =	shalt  }
0x58: {  	_ =	shalt  }
0x59: {  	_ =	shalt  }
0x5a: {  	_ =	shalt  }
0x5b: {  	_ =	shalt  }
0x5c: {  	_ =	shalt  }
0x5d: {  	_ =	shalt  }
0x5e: {  	_ =	shalt  }
0x5f: {  	_ =	shalt  }
0x60: {  	_ =	shalt  }
0x61: {  	_ =	shalt  }
0x62: {  	_ =	shalt  }
0x63: {  	_ =	shalt  }
0x64: {  	_ =	shalt  }
0x65: {  	_ =	shalt  }
0x66: {  	_ =	shalt  }
0x67: {  	_ =	shalt  }
0x68: {  	_ =	shalt  }
0x69: {  	_ =	shalt  }
0x6a: {  	_ =	shalt  }
0x6b: {  	_ =	shalt  }
0x6c: {  	_ =	shalt  }
0x6d: {  	_ =	shalt  }
0x6e: {  	_ =	shalt  }
0x6f: {  	_ =	shalt  }
0x70: {  	_ =	shalt  }
0x71: {  	_ =	shalt  }
0x72: {  	_ =	shalt  }
0x73: {  	_ =	shalt  }
0x74: {  	_ =	shalt  }
0x75: {  	_ =	shalt  }
0x76: {  	_ =	shalt  }
0x77: {  	_ =	shalt  }
0x78: {  	_ =	shalt  }
0x79: {  	_ =	shalt  }
0x7a: {  	_ =	shalt  }
0x7b: {  	_ =	shalt  }
0x7c: {  	_ =	shalt  }
0x7d: {  	_ =	shalt  }
0x7e: {  	_ =	shalt  }
0x7f: {  	_ =	shalt  }
0x80: {  	_ =	shalt  }
0x81: {  	_ =	shalt  }
0x82: {  	_ =	shalt  }
0x83: {  	_ =	shalt  }
0x84: {  	_ =	shalt  }
0x85: {  	_ =	shalt  }
0x86: {  	_ =	shalt  }
0x87: {  	_ =	shalt  }
.Lfunc_end0:
.L_simem_size_0:
called_computation.1_lowered:
.L_overlay_start_0:
0x88: {  	s2 =	sld [smem:$0x3FD9]  }
0x89: {  	s3 =	sld [smem:$0x3FFE];
	_ =	sdelay $0x1  }
0x8a: {  	s1 =	srdreg.scid  }
0x8b: {  	s0 =	sand.u32 $0x1, s1  }
0x8c: {  	s17 =	sshll.u32 s0, $0xA;
	s2 =	sadd.s32 s3, s2  }
0x8d: {  	s2 =	sadd.s32 s2, s17  }
0x8e: {  	[smem:$0x3FC6] =	sst s2  }
0x8f: {  	_ = 	snop  }
0x90: {  	s2 =	sld [smem:$0x3FD0];
	(tm) =	ssettm $0x1  }
0x91: {  	s18 =	sld [smem:$0x3FFB];
	_ =	sdelay $0x3  }
0x92: {  	_ =	strace s18  }
0x93: {  	s3 =	sld [smem:$0x3FFC];
	_ =	sdelay $0x3  }
0x94: {  	_ =	strace s3  }
0x95: {  	s3 =	sld [smem:$0x3FFD];
	_ =	sdelay $0x3  }
0x96: {  	_ =	strace s3  }
0x97: {  	_ =	strace $0x8FFFFFFF  }
0x98: {  	s19 =	sld [smem:$0x3FDB];
	_ =	sdelay $0x1  }
0x99: {  	s4 =	simm.s32 $_scs_section_size  }
0x9a: {  	s5 =	simm.s32 $_size__tile_overlayer_lowered;
	s6 =	simm.s32 $_tile_overlayer_lowered  }
0x9b: {  	s22 =	simm.s32 $0x1BFF;
	s21 =	sshll.u32 s6, $0x1;
	s3 =	sadd.s32 s4, s19  }
0x9c: {  	s7 =	simm.s32 $0x0;
	s20 =	sshll.u32 s5, $0x1;
	s5 =	sadd.s32 s21, s3  }
0x9d: {  	[timem:s7], [sflag:s22] =	dma.local [hbm:s5], s20  }
0x9e: {  	_ =	swait.ge [sflag:s22], s20  }
0x9f: {  	s4 =	ssub.s32 $0x0, s20;
	[sflag:s22] =	ssyncset.done $0x0  }
0xa0: {  	[sflag:s22] =	ssyncadd.s32 s4;
	_ =	sdelay $0x1  }
0xa1: {  	s23 =	simm.s32 $0x1B8B  }
0xa2: {  	_ =	swait.ge [sflag:s23], $0x1  }
0xa3: {  	[sflag:s23] =	ssyncset.done $0x0  }
0xa4: {  	s25 =	simm.s32 $0x1B8E;
	s24 =	sld [smem:$0x3FFE];
	[sflag:s23] =	ssyncadd.s32 $0xFFFFFFFF  }
0xa5: {  	s26 =	simm.s32 $execute0_lowered;
	[smem:$0x3FD2] =	sst s25  }
0xa6: {  	s5 =	sshll.u32 s26, $0x1;
	_ =	strace $0x80000046;
	[dreg:$0x1] =	wrdreg $0xFFFFFFFF  }
0xa7: {  	s28 =	simm.s32 $_size_execute0_lowered;
	s3 =	sadd.s32 s3, s5;
	[dreg:$0x0] =	wrdreg $0x0  }
0xa8: {  	s5 =	sshll.u32 s28, $0x1;
	[dreg:$0x2] =	wrdreg s3  }
0xa9: {  	[dreg:$0x3] =	wrdreg s5  }
0xaa: {  	[dreg:$0x4] =	wrdreg $0xC0  }
0xab: {  	_ =	task [dreg:s7], $0x5FFFF  }
0xac: {  	[dreg:$0x1] =	wrdreg $0xFFFFFFFF  }
0xad: {  	[dreg:$0x0] =	wrdreg $0x60  }
0xae: {  	[dreg:$0x2] =	wrdreg s2  }
0xaf: {  	[dreg:$0x3] =	wrdreg s24  }
0xb0: {  	[dreg:$0x4] =	wrdreg $0x9  }
0xb1: {  	_ =	task.clear_ibuf [dreg:s7], $0x5FFFF;
	_ =	strace $0x90000046  }
0xb2: {  	s29 =	simm.s32 $0x9;
	_ =	strace $0x80000048  }
0xb3: {  	_ =	swait.ge [sflag:s29], $0x1  }
0xb4: {  	[sflag:s29] =	ssyncadd.s32 $0xFFFFFFFF  }
0xb5: {  	_ =	strace $0x90000048  }
0xb6: {  	_ =	sfence  }
0xb7: {  	s30 =	sld [smem:$0x0];
	_ =	sdelay $0x2  }
0xb8: {  	s31 =	sshll.u32 s1, $0xD;
	s1 =	sshrl.u32 s1, $0x2  }
0xb9: {  	s3 =	sand.u32 $0x4000, s31;
	s1 =	sadd.s32 s1, s30  }
0xba: {  	s0 =	sor.u32 s3, s0;
	s1 =	sshll.u32 s1, $0x11  }
0xbb: {  	s0 =	sor.u32 s1, s0  }
0xbc: {  	s0 =	sadd.s32 $0x8F2B, s0  }
0xbd: {  	[sflag:s0] =	ssyncadd.remote.s32 $0x1  }
0xbe: {  	_ =	sfence.sel $0xFFFF  }
0xbf: {  	[dreg:$0x0] =	wrdreg $0xFFFFFFFF;
	(pc) =	sbr.abs _section_cstart, $3  }
0xc0: {  	[dreg:$0x1] =	wrdreg $0xFFFFFFFF  }
0xc1: {  	_ =	task.clear_ibuf [dreg:s7], $0x2FFFF;
	_ =	strace $0x9FFFFFFF  }
0xc2: {  	(tm) =	ssettm $0x7FFFFFFF  }
0xc3: {  	_ =	shalt  }
tec
execute0_lowered:
.L_overlay_start_1:
0x0: {  	(tag) =	ssettag $0x1  }
0x1: {  	s0 =	rddreg [dreg:$0x0]  }
0x2: {  	s1 =	rddreg [dreg:$0x1];
	s2 =	simm.s32 $0x0;
	s3 =	srdreg.scid  }
0x3: {  	s10 =	stileid.u32;
	s11 =	simm.s32 $0x6400;
	s19 =	simm.s32 $0x8400  }
0x4: {  	s28 =	simm.s32 $0xA400;
	s12 =	simm.s32 $0xC800;
	s13 =	simm.s32 $0xCC00  }
0x5: {  	s14 =	simm.s32 $0xD000;
	s15 =	simm.s32 $0xD400;
	s16 =	simm.s32 $0xD800  }
0x6: {  	s17 =	simm.s32 $0xDC00;
	s18 =	simm.s32 $0xE000;
	s20 =	simm.s32 $0x1  }
0x7: {  	s21 =	simm.s32 $0x40;
	s22 =	simm.s32 $0x80;
	s29 =	simm.s32 $0x6  }
0x8: {  	s30 =	simm.s32 $0x7;
	s31 =	simm.s32 $0x8;
	[smem:$0x7FF] =	sst s2  }
0x9: {  	s4 =	sand.u32 $0x1, s3;
	s5 =	sshll.u32 s10, $0x1;
	s6 =	smul.u32 $0xC800, s10  }
0xa: {  	s3 =	sadd.s32 $0xF42E00, s1;
	s1 =	sadd.s32 $0xA00, s1;
	s23 =	smul.u32 $0x640000, s10  }
0xb: {  	s10 =	simm.s32 $0xC400;
	_ =	strace $0x80000047;
	s7 =	smul.u32 $0x6400, s4  }
0xc: {  	s5 =	sor.u32 s4, s5;
	s8 =	ssub.s32 $0x2, s4;
	s4 =	smul.u32 $0x320000, s4  }
0xd: {  	s5 =	smul.u32 $0x6400, s5;
	s9 =	sshrl.u32 s8, $0x1;
	s6 =	sadd.s32 s7, s6  }
0xe: {  	s8 =	ssub.s32 s8, s9;
	s4 =	sadd.s32 s4, s23;
	s23 =	simm.s32 $0x2  }
0xf: {  	s5 =	sshrl.u32 s5, $0x3;
	s6 =	sshll.u32 s6, $0x4;
	s25 =	smax.u32 s8, $0x1  }
.Ltmp0:
0x10: {  	s26 =	sshrl.u32 s4, $0x3;
	s0 =	sadd.s32 s0, s5;
	(pc) =	sbr.rel .LBB2_1-.Ltmp0, $4  }
0x11: {  	s24 =	sadd.s32 s6, s1;
	[dreg:$0x4] =	wrdreg s25;
	s9 =	sadd.s32 s26, s1  }
0x12: {  	s5 =	simm.s32 $0xC000;
	s25 =	simm.s32 $0x4;
	s26 =	simm.s32 $0x5  }
0x13: {  	s1 =	simm.s32 $0x0;
	[dreg:$0x3] =	wrdreg s0;
	s6 =	sadd.s32 $0x800, s24  }
0x14: {  	vm0 =	vmmov $0xffff;
	s7 =	sadd.s32 $0x1000, s24;
	s8 =	sadd.s32 $0x1800, s24;
	s24 =	simm.s32 $0x3  }
.LBB2_4:
0x15: {  	_ =	swait.ge [sflag:s26], $0x2000  }
0x16: {  	[sflag:s26] =	ssyncset.done $0x0  }
0x17: {  	[sflag:s26] =	ssyncadd.s32 $0xFFFFE000  }
0x18: {  	_ =	swait.ge [sflag:s29], $0x2000  }
0x19: {  	[sflag:s29] =	ssyncset.done $0x0  }
0x1a: {  	[sflag:s29] =	ssyncadd.s32 $0xFFFFE000  }
0x1b: {  	_ =	swait.ge [sflag:s30], $0x2000  }
0x1c: {  	[sflag:s30] =	ssyncset.done $0x0  }
0x1d: {  	[sflag:s30] =	ssyncadd.s32 $0xFFFFE000  }
0x1e: {  	_ =	swait.ge [sflag:s31], $0x2000  }
0x1f: {  	s1 =	rddreg [dreg:$0x5]  }
0x20: {  	s0 =	rddreg [dreg:$0x4];
	s1 =	sadd.s32 $0x1, s1  }
0x21: {  	p0 =	sne.s32 s1, s0  }
.Ltmp1:
0x22: {  	_ = 	snop;
	(pc) =	sbr.rel @!p0 .LBB2_5-.Ltmp1, $3  }
0x23: {  	_ =	sdelay $0x1  }
0x24: {  	[sflag:s31] =	ssyncset.done $0x0  }
0x25: {  	[sflag:s31] =	ssyncadd.s32 $0xFFFFE000  }
.LBB2_1:
0x26: {  	[dreg:$0x5] =	wrdreg s1  }
0x27: {  	s0 =	rddreg [dreg:$0x3];
	s4 =	simm.s32 $0x9  }
0x28: {  	[tilespmem:s2], [sflag:$0x9] =	stream.linear.gather [hbm4b:s0+s2], $0x6400, $0x38;
	[tilespmem:$0xE400] =	vst v63  }
0x29: {  	_ =	swait.ge [sflag:s4], $0x6400  }
0x2a: {  	[sflag:s4] =	ssyncset.done $0x0  }
0x2b: {  	[sflag:s4] =	ssyncadd.s32 $0xFFFF9C00  }
0x2c: {  	v0 =	vld [tilespmem:$0x0];
	_ =	sdelay $0x7  }
0x2d: {  	[tilespmem:s11], [sflag:$0x1] =	stream.indirect_vreg.gather [hbm4b:s3+s2], $0x40, v0, vm0, $0xb8;
	[tilespmem:$0xE400] =	vst v63  }
0x2e: {  	v0 =	vld [tilespmem:$0x10];
	_ =	sdelay $0x6  }
0x2f: {  	s1 =	simm.s32 $0x6800  }
0x30: {  	[tilespmem:s1], [sflag:$0x1] =	stream.indirect_vreg.gather [hbm4b:s3+s2], $0x40, v0, vm0, $0xb8;
	[tilespmem:$0xE400] =	vst v63  }
0x31: {  	v0 =	vld [tilespmem:$0x20];
	_ =	sdelay $0x6  }
0x32: {  	s4 =	simm.s32 $0x6C00  }
0x33: {  	[tilespmem:s4], [sflag:$0x1] =	stream.indirect_vreg.gather [hbm4b:s3+s2], $0x40, v0, vm0, $0xb8;
	[tilespmem:$0xE400] =	vst v63  }
0x34: {  	v0 =	vld [tilespmem:$0x30];
	_ =	sdelay $0x6  }
0x35: {  	s1 =	simm.s32 $0x7000  }
0x36: {  	[tilespmem:s1], [sflag:$0x1] =	stream.indirect_vreg.gather [hbm4b:s3+s2], $0x40, v0, vm0, $0xb8;
	[tilespmem:$0xE400] =	vst v63  }
0x37: {  	v0 =	vld [tilespmem:$0x40];
	_ =	sdelay $0x6  }
0x38: {  	s4 =	simm.s32 $0x7400  }
0x39: {  	[tilespmem:s4], [sflag:$0x1] =	stream.indirect_vreg.gather [hbm4b:s3+s2], $0x40, v0, vm0, $0xb8;
	[tilespmem:$0xE400] =	vst v63  }
0x3a: {  	v0 =	vld [tilespmem:$0x50];
	_ =	sdelay $0x6  }
0x3b: {  	s1 =	simm.s32 $0x7800  }
0x3c: {  	[tilespmem:s1], [sflag:$0x1] =	stream.indirect_vreg.gather [hbm4b:s3+s2], $0x40, v0, vm0, $0xb8;
	[tilespmem:$0xE400] =	vst v63  }
0x3d: {  	v0 =	vld [tilespmem:$0x60];
	_ =	sdelay $0x6  }
0x3e: {  	s4 =	simm.s32 $0x7C00  }
0x3f: {  	[tilespmem:s4], [sflag:$0x1] =	stream.indirect_vreg.gather [hbm4b:s3+s2], $0x40, v0, vm0, $0xb8;
	[tilespmem:$0xE400] =	vst v63  }
0x40: {  	v0 =	vld [tilespmem:$0x70];
	_ =	sdelay $0x6  }
0x41: {  	s1 =	simm.s32 $0x8000  }
0x42: {  	[tilespmem:s1], [sflag:$0x1] =	stream.indirect_vreg.gather [hbm4b:s3+s2], $0x40, v0, vm0, $0xb8;
	[tilespmem:$0xE400] =	vst v63  }
0x43: {  	v0 =	vld [tilespmem:$0x80];
	_ =	sdelay $0x7  }
0x44: {  	[tilespmem:s19], [sflag:$0x2] =	stream.indirect_vreg.gather [hbm4b:s3+s2], $0x40, v0, vm0, $0xb8;
	[tilespmem:$0xE400] =	vst v63  }
0x45: {  	v0 =	vld [tilespmem:$0x90];
	_ =	sdelay $0x6  }
0x46: {  	s4 =	simm.s32 $0x8800  }
0x47: {  	[tilespmem:s4], [sflag:$0x2] =	stream.indirect_vreg.gather [hbm4b:s3+s2], $0x40, v0, vm0, $0xb8;
	[tilespmem:$0xE400] =	vst v63  }
0x48: {  	v0 =	vld [tilespmem:$0xA0];
	_ =	sdelay $0x6  }
0x49: {  	s1 =	simm.s32 $0x8C00  }
0x4a: {  	[tilespmem:s1], [sflag:$0x2] =	stream.indirect_vreg.gather [hbm4b:s3+s2], $0x40, v0, vm0, $0xb8;
	[tilespmem:$0xE400] =	vst v63  }
0x4b: {  	v0 =	vld [tilespmem:$0xB0];
	_ =	sdelay $0x6  }
0x4c: {  	s4 =	simm.s32 $0x9000  }
0x4d: {  	[tilespmem:s4], [sflag:$0x2] =	stream.indirect_vreg.gather [hbm4b:s3+s2], $0x40, v0, vm0, $0xb8;
	[tilespmem:$0xE400] =	vst v63  }
0x4e: {  	v0 =	vld [tilespmem:$0xC0];
	_ =	sdelay $0x6  }
0x4f: {  	s1 =	simm.s32 $0x9400  }
0x50: {  	[tilespmem:s1], [sflag:$0x2] =	stream.indirect_vreg.gather [hbm4b:s3+s2], $0x40, v0, vm0, $0xb8;
	[tilespmem:$0xE400] =	vst v63  }
0x51: {  	v0 =	vld [tilespmem:$0xD0];
	_ =	sdelay $0x6  }
0x52: {  	s4 =	simm.s32 $0x9800  }
0x53: {  	[tilespmem:s4], [sflag:$0x2] =	stream.indirect_vreg.gather [hbm4b:s3+s2], $0x40, v0, vm0, $0xb8;
	[tilespmem:$0xE400] =	vst v63  }
0x54: {  	v0 =	vld [tilespmem:$0xE0];
	_ =	sdelay $0x6  }
0x55: {  	s1 =	simm.s32 $0x9C00  }
0x56: {  	[tilespmem:s1], [sflag:$0x2] =	stream.indirect_vreg.gather [hbm4b:s3+s2], $0x40, v0, vm0, $0xb8;
	[tilespmem:$0xE400] =	vst v63  }
0x57: {  	v0 =	vld [tilespmem:$0xF0];
	_ =	sdelay $0x6  }
0x58: {  	s4 =	simm.s32 $0xA000  }
0x59: {  	[tilespmem:s4], [sflag:$0x2] =	stream.indirect_vreg.gather [hbm4b:s3+s2], $0x40, v0, vm0, $0xb8;
	[tilespmem:$0xE400] =	vst v63  }
0x5a: {  	v0 =	vld [tilespmem:$0x100];
	_ =	sdelay $0x7  }
0x5b: {  	[tilespmem:s28], [sflag:$0x3] =	stream.indirect_vreg.gather [hbm4b:s3+s2], $0x40, v0, vm0, $0xb8;
	[tilespmem:$0xE400] =	vst v63  }
0x5c: {  	v0 =	vld [tilespmem:$0x110];
	_ =	sdelay $0x6  }
0x5d: {  	s1 =	simm.s32 $0xA800  }
0x5e: {  	[tilespmem:s1], [sflag:$0x3] =	stream.indirect_vreg.gather [hbm4b:s3+s2], $0x40, v0, vm0, $0xb8;
	[tilespmem:$0xE400] =	vst v63  }
0x5f: {  	v0 =	vld [tilespmem:$0x120];
	_ =	sdelay $0x6  }
0x60: {  	s4 =	simm.s32 $0xAC00  }
0x61: {  	[tilespmem:s4], [sflag:$0x3] =	stream.indirect_vreg.gather [hbm4b:s3+s2], $0x40, v0, vm0, $0xb8;
	[tilespmem:$0xE400] =	vst v63  }
0x62: {  	v0 =	vld [tilespmem:$0x130];
	_ =	sdelay $0x6  }
0x63: {  	s1 =	simm.s32 $0xB000  }
0x64: {  	[tilespmem:s1], [sflag:$0x3] =	stream.indirect_vreg.gather [hbm4b:s3+s2], $0x40, v0, vm0, $0xb8;
	[tilespmem:$0xE400] =	vst v63  }
0x65: {  	v0 =	vld [tilespmem:$0x140];
	_ =	sdelay $0x6  }
0x66: {  	s4 =	simm.s32 $0xB400  }
0x67: {  	[tilespmem:s4], [sflag:$0x3] =	stream.indirect_vreg.gather [hbm4b:s3+s2], $0x40, v0, vm0, $0xb8;
	[tilespmem:$0xE400] =	vst v63  }
0x68: {  	v0 =	vld [tilespmem:$0x150];
	_ =	sdelay $0x6  }
0x69: {  	s1 =	simm.s32 $0xB800  }
0x6a: {  	[tilespmem:s1], [sflag:$0x3] =	stream.indirect_vreg.gather [hbm4b:s3+s2], $0x40, v0, vm0, $0xb8;
	[tilespmem:$0xE400] =	vst v63  }
0x6b: {  	v0 =	vld [tilespmem:$0x160];
	_ =	sdelay $0x6  }
0x6c: {  	s4 =	simm.s32 $0xBC00  }
0x6d: {  	[tilespmem:s4], [sflag:$0x3] =	stream.indirect_vreg.gather [hbm4b:s3+s2], $0x40, v0, vm0, $0xb8;
	[tilespmem:$0xE400] =	vst v63  }
0x6e: {  	v0 =	vld [tilespmem:$0x170];
	_ =	sdelay $0x7  }
0x6f: {  	[tilespmem:s5], [sflag:$0x3] =	stream.indirect_vreg.gather [hbm4b:s3+s2], $0x40, v0, vm0, $0xb8;
	[tilespmem:$0xE400] =	vst v63  }
0x70: {  	v0 =	vld [tilespmem:$0x180];
	_ =	sdelay $0x7  }
0x71: {  	[tilespmem:s10], [sflag:$0x4] =	stream.indirect_vreg.gather [hbm4b:s3+s2], $0x40, v0, vm0, $0xb8;
	[tilespmem:$0xE400] =	vst v63  }
0x72: {  	v0 =	vld [tilespmem:$0x190];
	_ =	sdelay $0x7  }
0x73: {  	[tilespmem:s12], [sflag:$0x4] =	stream.indirect_vreg.gather [hbm4b:s3+s2], $0x40, v0, vm0, $0xb8;
	[tilespmem:$0xE400] =	vst v63  }
0x74: {  	v0 =	vld [tilespmem:$0x1A0];
	_ =	sdelay $0x7  }
0x75: {  	[tilespmem:s13], [sflag:$0x4] =	stream.indirect_vreg.gather [hbm4b:s3+s2], $0x40, v0, vm0, $0xb8;
	[tilespmem:$0xE400] =	vst v63  }
0x76: {  	v0 =	vld [tilespmem:$0x1B0];
	_ =	sdelay $0x7  }
0x77: {  	[tilespmem:s14], [sflag:$0x4] =	stream.indirect_vreg.gather [hbm4b:s3+s2], $0x40, v0, vm0, $0xb8;
	[tilespmem:$0xE400] =	vst v63  }
0x78: {  	v0 =	vld [tilespmem:$0x1C0];
	_ =	sdelay $0x7  }
0x79: {  	[tilespmem:s15], [sflag:$0x4] =	stream.indirect_vreg.gather [hbm4b:s3+s2], $0x40, v0, vm0, $0xb8;
	[tilespmem:$0xE400] =	vst v63  }
0x7a: {  	v0 =	vld [tilespmem:$0x1D0];
	_ =	sdelay $0x7  }
0x7b: {  	[tilespmem:s16], [sflag:$0x4] =	stream.indirect_vreg.gather [hbm4b:s3+s2], $0x40, v0, vm0, $0xb8;
	[tilespmem:$0xE400] =	vst v63  }
0x7c: {  	v0 =	vld [tilespmem:$0x1E0];
	_ =	sdelay $0x7  }
0x7d: {  	[tilespmem:s17], [sflag:$0x4] =	stream.indirect_vreg.gather [hbm4b:s3+s2], $0x40, v0, vm0, $0xb8;
	[tilespmem:$0xE400] =	vst v63  }
0x7e: {  	v0 =	vld [tilespmem:$0x1F0];
	_ =	sdelay $0x6  }
0x7f: {  	s0 =	simm.s32 $0x3F0;
	s1 =	simm.s32 $0x0  }
0x80: {  	[tilespmem:s18], [sflag:$0x4] =	stream.indirect_vreg.gather [hbm4b:s3+s2], $0x40, v0, vm0, $0xb8;
	[tilespmem:$0xE400] =	vst v63  }
.LBB2_2:
0x81: {  	_ =	swait.ge [sflag:s20], $0x400  }
0x82: {  	[sflag:s20] =	ssyncset.done $0x0  }
0x83: {  	[sflag:s20] =	ssyncadd.s32 $0xFFFFFC00  }
0x84: {  	_ =	swait.ge [sflag:s20], $0x400  }
0x85: {  	[sflag:s20] =	ssyncset.done $0x0  }
0x86: {  	[sflag:s20] =	ssyncadd.s32 $0xFFFFFC00  }
0x87: {  	_ =	swait.ge [sflag:s20], $0x400  }
0x88: {  	[sflag:s20] =	ssyncset.done $0x0  }
0x89: {  	[sflag:s20] =	ssyncadd.s32 $0xFFFFFC00  }
0x8a: {  	_ =	swait.ge [sflag:s20], $0x400  }
0x8b: {  	[sflag:s20] =	ssyncset.done $0x0  }
0x8c: {  	[sflag:s20] =	ssyncadd.s32 $0xFFFFFC00  }
0x8d: {  	_ =	swait.ge [sflag:s20], $0x400  }
0x8e: {  	[sflag:s20] =	ssyncset.done $0x0  }
0x8f: {  	[sflag:s20] =	ssyncadd.s32 $0xFFFFFC00  }
0x90: {  	_ =	swait.ge [sflag:s20], $0x400  }
0x91: {  	[sflag:s20] =	ssyncset.done $0x0  }
0x92: {  	[sflag:s20] =	ssyncadd.s32 $0xFFFFFC00  }
0x93: {  	_ =	swait.ge [sflag:s20], $0x400  }
0x94: {  	[sflag:s20] =	ssyncset.done $0x0  }
0x95: {  	[sflag:s20] =	ssyncadd.s32 $0xFFFFFC00  }
0x96: {  	_ =	swait.ge [sflag:s20], $0x400  }
0x97: {  	[sflag:s20] =	ssyncset.done $0x0  }
0x98: {  	s4 =	sadd.s32 s1, s9;
	[sflag:s20] =	ssyncadd.s32 $0xFFFFFC00  }
0x99: {  	[hbm4b:s4+s21] =	stream.strided.scatter [tilespmem:s11], [sflag:$0x5], $0x2000, s22, s21, $0x38;
	[tilespmem:$0xE400] =	vst v63  }
0x9a: {  	_ =	swait.ge [sflag:s23], $0x400  }
0x9b: {  	[sflag:s23] =	ssyncset.done $0x0  }
0x9c: {  	[sflag:s23] =	ssyncadd.s32 $0xFFFFFC00  }
0x9d: {  	_ =	swait.ge [sflag:s23], $0x400  }
0x9e: {  	[sflag:s23] =	ssyncset.done $0x0  }
0x9f: {  	[sflag:s23] =	ssyncadd.s32 $0xFFFFFC00  }
0xa0: {  	_ =	swait.ge [sflag:s23], $0x400  }
0xa1: {  	[sflag:s23] =	ssyncset.done $0x0  }
0xa2: {  	[sflag:s23] =	ssyncadd.s32 $0xFFFFFC00  }
0xa3: {  	_ =	swait.ge [sflag:s23], $0x400  }
0xa4: {  	[sflag:s23] =	ssyncset.done $0x0  }
0xa5: {  	[sflag:s23] =	ssyncadd.s32 $0xFFFFFC00  }
0xa6: {  	_ =	swait.ge [sflag:s23], $0x400  }
0xa7: {  	[sflag:s23] =	ssyncset.done $0x0  }
0xa8: {  	[sflag:s23] =	ssyncadd.s32 $0xFFFFFC00  }
0xa9: {  	_ =	swait.ge [sflag:s23], $0x400  }
0xaa: {  	[sflag:s23] =	ssyncset.done $0x0  }
0xab: {  	[sflag:s23] =	ssyncadd.s32 $0xFFFFFC00  }
0xac: {  	_ =	swait.ge [sflag:s23], $0x400  }
0xad: {  	[sflag:s23] =	ssyncset.done $0x0  }
0xae: {  	[sflag:s23] =	ssyncadd.s32 $0xFFFFFC00  }
0xaf: {  	_ =	swait.ge [sflag:s23], $0x400  }
0xb0: {  	[sflag:s23] =	ssyncset.done $0x0  }
0xb1: {  	s4 =	sadd.s32 s1, s6;
	[sflag:s23] =	ssyncadd.s32 $0xFFFFFC00  }
0xb2: {  	[hbm4b:s4+s21] =	stream.strided.scatter [tilespmem:s19], [sflag:$0x6], $0x2000, s22, s21, $0x38;
	[tilespmem:$0xE400] =	vst v63  }
0xb3: {  	_ =	swait.ge [sflag:s24], $0x400  }
0xb4: {  	[sflag:s24] =	ssyncset.done $0x0  }
0xb5: {  	[sflag:s24] =	ssyncadd.s32 $0xFFFFFC00  }
0xb6: {  	_ =	swait.ge [sflag:s24], $0x400  }
0xb7: {  	[sflag:s24] =	ssyncset.done $0x0  }
0xb8: {  	[sflag:s24] =	ssyncadd.s32 $0xFFFFFC00  }
0xb9: {  	_ =	swait.ge [sflag:s24], $0x400  }
0xba: {  	[sflag:s24] =	ssyncset.done $0x0  }
0xbb: {  	[sflag:s24] =	ssyncadd.s32 $0xFFFFFC00  }
0xbc: {  	_ =	swait.ge [sflag:s24], $0x400  }
0xbd: {  	[sflag:s24] =	ssyncset.done $0x0  }
0xbe: {  	[sflag:s24] =	ssyncadd.s32 $0xFFFFFC00  }
0xbf: {  	_ =	swait.ge [sflag:s24], $0x400  }
0xc0: {  	[sflag:s24] =	ssyncset.done $0x0  }
0xc1: {  	[sflag:s24] =	ssyncadd.s32 $0xFFFFFC00  }
0xc2: {  	_ =	swait.ge [sflag:s24], $0x400  }
0xc3: {  	[sflag:s24] =	ssyncset.done $0x0  }
0xc4: {  	[sflag:s24] =	ssyncadd.s32 $0xFFFFFC00  }
0xc5: {  	_ =	swait.ge [sflag:s24], $0x400  }
0xc6: {  	[sflag:s24] =	ssyncset.done $0x0  }
0xc7: {  	[sflag:s24] =	ssyncadd.s32 $0xFFFFFC00  }
0xc8: {  	_ =	swait.ge [sflag:s24], $0x400  }
0xc9: {  	[sflag:s24] =	ssyncset.done $0x0  }
0xca: {  	s4 =	sadd.s32 s1, s7;
	[sflag:s24] =	ssyncadd.s32 $0xFFFFFC00  }
0xcb: {  	[hbm4b:s4+s21] =	stream.strided.scatter [tilespmem:s28], [sflag:$0x7], $0x2000, s22, s21, $0x38;
	[tilespmem:$0xE400] =	vst v63  }
0xcc: {  	_ =	swait.ge [sflag:s25], $0x400  }
0xcd: {  	[sflag:s25] =	ssyncset.done $0x0  }
0xce: {  	[sflag:s25] =	ssyncadd.s32 $0xFFFFFC00  }
0xcf: {  	_ =	swait.ge [sflag:s25], $0x400  }
0xd0: {  	[sflag:s25] =	ssyncset.done $0x0  }
0xd1: {  	[sflag:s25] =	ssyncadd.s32 $0xFFFFFC00  }
0xd2: {  	_ =	swait.ge [sflag:s25], $0x400  }
0xd3: {  	[sflag:s25] =	ssyncset.done $0x0  }
0xd4: {  	[sflag:s25] =	ssyncadd.s32 $0xFFFFFC00  }
0xd5: {  	_ =	swait.ge [sflag:s25], $0x400  }
0xd6: {  	[sflag:s25] =	ssyncset.done $0x0  }
0xd7: {  	[sflag:s25] =	ssyncadd.s32 $0xFFFFFC00  }
0xd8: {  	_ =	swait.ge [sflag:s25], $0x400  }
0xd9: {  	[sflag:s25] =	ssyncset.done $0x0  }
0xda: {  	[sflag:s25] =	ssyncadd.s32 $0xFFFFFC00  }
0xdb: {  	_ =	swait.ge [sflag:s25], $0x400  }
0xdc: {  	[sflag:s25] =	ssyncset.done $0x0  }
0xdd: {  	[sflag:s25] =	ssyncadd.s32 $0xFFFFFC00  }
0xde: {  	_ =	swait.ge [sflag:s25], $0x400  }
0xdf: {  	p0 =	seq.s32 s1, $0x62000;
	[sflag:s25] =	ssyncset.done $0x0  }
.Ltmp2:
0xe0: {  	[sflag:s25] =	ssyncadd.s32 $0xFFFFFC00;
	(pc) =	sbr.rel @p0 .LBB2_4-.Ltmp2, $4  }
0xe1: {  	_ =	swait.ge [sflag:s25], $0x400  }
0xe2: {  	[sflag:s25] =	ssyncset.done $0x0  }
0xe3: {  	s4 =	sadd.s32 s1, s8;
	[sflag:s25] =	ssyncadd.s32 $0xFFFFFC00  }
0xe4: {  	[hbm4b:s4+s21] =	stream.strided.scatter [tilespmem:s10], [sflag:$0x8], $0x2000, s22, s21, $0x38;
	[tilespmem:$0xE400] =	vst v63  }
0xe5: {  	_ =	swait.ge [sflag:s26], $0x2000  }
0xe6: {  	[sflag:s26] =	ssyncset.done $0x0  }
0xe7: {  	[sflag:s26] =	ssyncadd.s32 $0xFFFFE000  }
0xe8: {  	v0 =	vld [tilespmem:s0+$0xFFFFFE10];
	_ =	sdelay $0x7  }
0xe9: {  	[tilespmem:s11], [sflag:$0x1] =	stream.indirect_vreg.gather [hbm4b:s3+s2], $0x40, v0, vm0, $0xb8;
	[tilespmem:$0xE400] =	vst v63  }
0xea: {  	v0 =	vld [tilespmem:s0+$0xFFFFFE20];
	_ =	sdelay $0x6  }
0xeb: {  	s4 =	simm.s32 $0x6800  }
0xec: {  	[tilespmem:s4], [sflag:$0x1] =	stream.indirect_vreg.gather [hbm4b:s3+s2], $0x40, v0, vm0, $0xb8;
	[tilespmem:$0xE400] =	vst v63  }
0xed: {  	v0 =	vld [tilespmem:s0+$0xFFFFFE30];
	_ =	sdelay $0x6  }
0xee: {  	s4 =	simm.s32 $0x6C00  }
0xef: {  	[tilespmem:s4], [sflag:$0x1] =	stream.indirect_vreg.gather [hbm4b:s3+s2], $0x40, v0, vm0, $0xb8;
	[tilespmem:$0xE400] =	vst v63  }
0xf0: {  	v0 =	vld [tilespmem:s0+$0xFFFFFE40];
	_ =	sdelay $0x6  }
0xf1: {  	s4 =	simm.s32 $0x7000  }
0xf2: {  	[tilespmem:s4], [sflag:$0x1] =	stream.indirect_vreg.gather [hbm4b:s3+s2], $0x40, v0, vm0, $0xb8;
	[tilespmem:$0xE400] =	vst v63  }
0xf3: {  	v0 =	vld [tilespmem:s0+$0xFFFFFE50];
	_ =	sdelay $0x6  }
0xf4: {  	s4 =	simm.s32 $0x7400  }
0xf5: {  	[tilespmem:s4], [sflag:$0x1] =	stream.indirect_vreg.gather [hbm4b:s3+s2], $0x40, v0, vm0, $0xb8;
	[tilespmem:$0xE400] =	vst v63  }
0xf6: {  	v0 =	vld [tilespmem:s0+$0xFFFFFE60];
	_ =	sdelay $0x6  }
0xf7: {  	s4 =	simm.s32 $0x7800  }
0xf8: {  	[tilespmem:s4], [sflag:$0x1] =	stream.indirect_vreg.gather [hbm4b:s3+s2], $0x40, v0, vm0, $0xb8;
	[tilespmem:$0xE400] =	vst v63  }
0xf9: {  	v0 =	vld [tilespmem:s0+$0xFFFFFE70];
	_ =	sdelay $0x6  }
0xfa: {  	s4 =	simm.s32 $0x7C00  }
0xfb: {  	[tilespmem:s4], [sflag:$0x1] =	stream.indirect_vreg.gather [hbm4b:s3+s2], $0x40, v0, vm0, $0xb8;
	[tilespmem:$0xE400] =	vst v63  }
0xfc: {  	v0 =	vld [tilespmem:s0+$0xFFFFFE80];
	_ =	sdelay $0x6  }
0xfd: {  	s4 =	simm.s32 $0x8000  }
0xfe: {  	[tilespmem:s4], [sflag:$0x1] =	stream.indirect_vreg.gather [hbm4b:s3+s2], $0x40, v0, vm0, $0xb8;
	[tilespmem:$0xE400] =	vst v63  }
0xff: {  	_ =	swait.ge [sflag:s29], $0x2000  }
0x100: {  	[sflag:s29] =	ssyncset.done $0x0  }
0x101: {  	[sflag:s29] =	ssyncadd.s32 $0xFFFFE000  }
0x102: {  	v61 =	vld [tilespmem:s0+$0xFFFFFE90];
	_ =	sdelay $0x7  }
0x103: {  	[tilespmem:s19], [sflag:$0x2] =	stream.indirect_vreg.gather [hbm4b:s3+s2], $0x40, v61, vm0, $0xb8;
	[tilespmem:$0xE400] =	vst v63  }
0x104: {  	v0 =	vld [tilespmem:s0+$0xFFFFFEA0];
	_ =	sdelay $0x6  }
0x105: {  	s4 =	simm.s32 $0x8800  }
0x106: {  	[tilespmem:s4], [sflag:$0x2] =	stream.indirect_vreg.gather [hbm4b:s3+s2], $0x40, v0, vm0, $0xb8;
	[tilespmem:$0xE400] =	vst v63  }
0x107: {  	v0 =	vld [tilespmem:s0+$0xFFFFFEB0];
	_ =	sdelay $0x6  }
0x108: {  	s4 =	simm.s32 $0x8C00  }
0x109: {  	[tilespmem:s4], [sflag:$0x2] =	stream.indirect_vreg.gather [hbm4b:s3+s2], $0x40, v0, vm0, $0xb8;
	[tilespmem:$0xE400] =	vst v63  }
0x10a: {  	v0 =	vld [tilespmem:s0+$0xFFFFFEC0];
	_ =	sdelay $0x6  }
0x10b: {  	s4 =	simm.s32 $0x9000  }
0x10c: {  	[tilespmem:s4], [sflag:$0x2] =	stream.indirect_vreg.gather [hbm4b:s3+s2], $0x40, v0, vm0, $0xb8;
	[tilespmem:$0xE400] =	vst v63  }
0x10d: {  	v0 =	vld [tilespmem:s0+$0xFFFFFED0];
	_ =	sdelay $0x6  }
0x10e: {  	s4 =	simm.s32 $0x9400  }
0x10f: {  	[tilespmem:s4], [sflag:$0x2] =	stream.indirect_vreg.gather [hbm4b:s3+s2], $0x40, v0, vm0, $0xb8;
	[tilespmem:$0xE400] =	vst v63  }
0x110: {  	v0 =	vld [tilespmem:s0+$0xFFFFFEE0];
	_ =	sdelay $0x6  }
0x111: {  	s4 =	simm.s32 $0x9800  }
0x112: {  	[tilespmem:s4], [sflag:$0x2] =	stream.indirect_vreg.gather [hbm4b:s3+s2], $0x40, v0, vm0, $0xb8;
	[tilespmem:$0xE400] =	vst v63  }
0x113: {  	v0 =	vld [tilespmem:s0+$0xFFFFFEF0];
	_ =	sdelay $0x6  }
0x114: {  	s4 =	simm.s32 $0x9C00  }
0x115: {  	[tilespmem:s4], [sflag:$0x2] =	stream.indirect_vreg.gather [hbm4b:s3+s2], $0x40, v0, vm0, $0xb8;
	[tilespmem:$0xE400] =	vst v63  }
0x116: {  	v0 =	vld [tilespmem:s0+$0xFFFFFF00];
	_ =	sdelay $0x6  }
0x117: {  	s4 =	simm.s32 $0xA000  }
0x118: {  	[tilespmem:s4], [sflag:$0x2] =	stream.indirect_vreg.gather [hbm4b:s3+s2], $0x40, v0, vm0, $0xb8;
	[tilespmem:$0xE400] =	vst v63  }
0x119: {  	_ =	swait.ge [sflag:s30], $0x2000  }
0x11a: {  	[sflag:s30] =	ssyncset.done $0x0  }
0x11b: {  	[sflag:s30] =	ssyncadd.s32 $0xFFFFE000  }
0x11c: {  	v62 =	vld [tilespmem:s0+$0xFFFFFF10];
	_ =	sdelay $0x7  }
0x11d: {  	[tilespmem:s28], [sflag:$0x3] =	stream.indirect_vreg.gather [hbm4b:s3+s2], $0x40, v62, vm0, $0xb8;
	[tilespmem:$0xE400] =	vst v63  }
0x11e: {  	v0 =	vld [tilespmem:s0+$0xFFFFFF20];
	_ =	sdelay $0x6  }
0x11f: {  	s4 =	simm.s32 $0xA800  }
0x120: {  	[tilespmem:s4], [sflag:$0x3] =	stream.indirect_vreg.gather [hbm4b:s3+s2], $0x40, v0, vm0, $0xb8;
	[tilespmem:$0xE400] =	vst v63  }
0x121: {  	v0 =	vld [tilespmem:s0+$0xFFFFFF30];
	_ =	sdelay $0x6  }
0x122: {  	s4 =	simm.s32 $0xAC00  }
0x123: {  	[tilespmem:s4], [sflag:$0x3] =	stream.indirect_vreg.gather [hbm4b:s3+s2], $0x40, v0, vm0, $0xb8;
	[tilespmem:$0xE400] =	vst v63  }
0x124: {  	v0 =	vld [tilespmem:s0+$0xFFFFFF40];
	_ =	sdelay $0x6  }
0x125: {  	s4 =	simm.s32 $0xB000  }
0x126: {  	[tilespmem:s4], [sflag:$0x3] =	stream.indirect_vreg.gather [hbm4b:s3+s2], $0x40, v0, vm0, $0xb8;
	[tilespmem:$0xE400] =	vst v63  }
0x127: {  	v0 =	vld [tilespmem:s0+$0xFFFFFF50];
	_ =	sdelay $0x6  }
0x128: {  	s4 =	simm.s32 $0xB400  }
0x129: {  	[tilespmem:s4], [sflag:$0x3] =	stream.indirect_vreg.gather [hbm4b:s3+s2], $0x40, v0, vm0, $0xb8;
	[tilespmem:$0xE400] =	vst v63  }
0x12a: {  	v0 =	vld [tilespmem:s0+$0xFFFFFF60];
	_ =	sdelay $0x6  }
0x12b: {  	s4 =	simm.s32 $0xB800  }
0x12c: {  	[tilespmem:s4], [sflag:$0x3] =	stream.indirect_vreg.gather [hbm4b:s3+s2], $0x40, v0, vm0, $0xb8;
	[tilespmem:$0xE400] =	vst v63  }
0x12d: {  	v0 =	vld [tilespmem:s0+$0xFFFFFF70];
	_ =	sdelay $0x6  }
0x12e: {  	s4 =	simm.s32 $0xBC00  }
0x12f: {  	[tilespmem:s4], [sflag:$0x3] =	stream.indirect_vreg.gather [hbm4b:s3+s2], $0x40, v0, vm0, $0xb8;
	[tilespmem:$0xE400] =	vst v63  }
0x130: {  	v0 =	vld [tilespmem:s0+$0xFFFFFF80];
	_ =	sdelay $0x7  }
0x131: {  	[tilespmem:s5], [sflag:$0x3] =	stream.indirect_vreg.gather [hbm4b:s3+s2], $0x40, v0, vm0, $0xb8;
	[tilespmem:$0xE400] =	vst v63  }
0x132: {  	_ =	swait.ge [sflag:s31], $0x2000  }
0x133: {  	[sflag:s31] =	ssyncset.done $0x0  }
0x134: {  	[sflag:s31] =	ssyncadd.s32 $0xFFFFE000  }
0x135: {  	v63 =	vld [tilespmem:s0+$0xFFFFFF90];
	_ =	sdelay $0x7  }
0x136: {  	[tilespmem:s10], [sflag:$0x4] =	stream.indirect_vreg.gather [hbm4b:s3+s2], $0x40, v63, vm0, $0xb8;
	[tilespmem:$0xE400] =	vst v63  }
0x137: {  	v0 =	vld [tilespmem:s0+$0xFFFFFFA0];
	_ =	sdelay $0x7  }
0x138: {  	[tilespmem:s12], [sflag:$0x4] =	stream.indirect_vreg.gather [hbm4b:s3+s2], $0x40, v0, vm0, $0xb8;
	[tilespmem:$0xE400] =	vst v63  }
0x139: {  	v0 =	vld [tilespmem:s0+$0xFFFFFFB0];
	_ =	sdelay $0x7  }
0x13a: {  	[tilespmem:s13], [sflag:$0x4] =	stream.indirect_vreg.gather [hbm4b:s3+s2], $0x40, v0, vm0, $0xb8;
	[tilespmem:$0xE400] =	vst v63  }
0x13b: {  	v0 =	vld [tilespmem:s0+$0xFFFFFFC0];
	_ =	sdelay $0x7  }
0x13c: {  	[tilespmem:s14], [sflag:$0x4] =	stream.indirect_vreg.gather [hbm4b:s3+s2], $0x40, v0, vm0, $0xb8;
	[tilespmem:$0xE400] =	vst v63  }
0x13d: {  	v0 =	vld [tilespmem:s0+$0xFFFFFFD0];
	_ =	sdelay $0x7  }
0x13e: {  	[tilespmem:s15], [sflag:$0x4] =	stream.indirect_vreg.gather [hbm4b:s3+s2], $0x40, v0, vm0, $0xb8;
	[tilespmem:$0xE400] =	vst v63  }
0x13f: {  	v0 =	vld [tilespmem:s0+$0xFFFFFFE0];
	_ =	sdelay $0x7  }
0x140: {  	[tilespmem:s16], [sflag:$0x4] =	stream.indirect_vreg.gather [hbm4b:s3+s2], $0x40, v0, vm0, $0xb8;
	[tilespmem:$0xE400] =	vst v63  }
0x141: {  	v0 =	vld [tilespmem:s0+$0xFFFFFFF0];
	_ =	sdelay $0x7  }
0x142: {  	[tilespmem:s17], [sflag:$0x4] =	stream.indirect_vreg.gather [hbm4b:s3+s2], $0x40, v0, vm0, $0xb8;
	[tilespmem:$0xE400] =	vst v63  }
0x143: {  	v0 =	vld [tilespmem:s0+$0x0];
	_ =	sdelay $0x3  }
.Ltmp3:
0x144: {  	_ = 	snop;
	(pc) =	sbr.rel .LBB2_2-.Ltmp3, $3  }
0x145: {  	_ =	sdelay $0x1  }
0x146: {  	s1 =	sadd.s32 $0x2000, s1;
	s0 =	sadd.s32 $0x200, s0  }
0x147: {  	[tilespmem:s18], [sflag:$0x4] =	stream.indirect_vreg.gather [hbm4b:s3+s2], $0x40, v0, vm0, $0xb8;
	[tilespmem:$0xE400] =	vst v63  }
.LBB2_5:
0x148: {  	_ =	sfence.sel $0x180000  }
0x149: {  	[bflag:$0x0] =	sbarrier.arrive $0xFFFF  }
0x14a: {  	_ =	strace $0x90000047  }
0x14b: {  	s0 =	stileid.u32;
	[bflag:$0x2] =	sbarrier.arrive $0xFFFF  }
0x14c: {  	p0 =	sne.s32 s0, $0x0;
	s0 =	rddreg [dreg:$0x2]  }
0x14d: {  	s0 =	sadd.s32 @!p0 $0x100000, s0  }
0x14e: {  	[sflag:s0] =	ssyncadd.tile.s32 @!p0 $0x1;
	_ =	shalt  }
.Lfunc_end2:
_tile_overlayer_lowered:
.L_overlay_start_2:
0x14f: {  	(tag) =	ssettag $0x2  }
0x150: {  	s0 =	rddreg [dreg:$0x0];
	s2 =	stileid.u32  }
0x151: {  	s1 =	rddreg [dreg:$0x1];
	p0 =	sne.s32 s2, $0x0  }
0x152: {  	s3 =	rddreg [dreg:$0x2];
	[bflag:$0x3] =	sbarrier.arrive $0xFFFF;
	s2 =	simm.s32 @!p0 $0x1C09  }
0x153: {  	[timem:s3], [sflag:s2] =	dma.local @!p0 [hbm:s0], s1  }
0x154: {  	s0 =	simm.s32 @!p0 $0x9  }
0x155: {  	_ =	swait.ge @!p0 [sflag:s0], s1  }
0x156: {  	s1 =	ssub.s32 @!p0 $0x0, s1;
	[sflag:s0] =	ssyncset.done @!p0 $0x0  }
0x157: {  	[sflag:s0] =	ssyncadd.s32 @!p0 s1  }
0x158: {  	[bflag:$0x3] =	sbarrier.arrive $0xFFFF  }
0x159: {  	_ =	shalt  }

// kernel: sparse-core-data-format-call.cloned.1.call-start
scs
called_computation_lowered:
.L_overlay_start_0:
0x0: {  	s2 =	sld [smem:$0x3FD9]  }
0x1: {  	s3 =	sld [smem:$0x3FFE];
	_ =	sdelay $0x1  }
0x2: {  	s1 =	srdreg.scid  }
0x3: {  	s0 =	sand.u32 $0x1, s1  }
0x4: {  	s18 =	sshll.u32 s0, $0xA;
	s2 =	sadd.s32 s3, s2  }
0x5: {  	s2 =	sadd.s32 s2, s18  }
0x6: {  	[smem:$0x3FC6] =	sst s2  }
0x7: {  	_ = 	snop  }
0x8: {  	s2 =	sld [smem:$0x3FD0];
	(tm) =	ssettm $0x1  }
0x9: {  	s19 =	sld [smem:$0x3FFB];
	_ =	sdelay $0x3  }
0xa: {  	_ =	strace s19  }
0xb: {  	s3 =	sld [smem:$0x3FFC];
	_ =	sdelay $0x3  }
0xc: {  	_ =	strace s3  }
0xd: {  	s3 =	sld [smem:$0x3FFD];
	_ =	sdelay $0x3  }
0xe: {  	_ =	strace s3  }
0xf: {  	_ =	strace $0x8FFFFFFF  }
0x10: {  	s20 =	sld [smem:$0x3FDB];
	_ =	sdelay $0x1  }
0x11: {  	s4 =	simm.s32 $_scs_section_size  }
0x12: {  	s5 =	simm.s32 $_size__tile_overlayer_lowered;
	s6 =	simm.s32 $_tile_overlayer_lowered  }
0x13: {  	s23 =	simm.s32 $0x1BFF;
	s22 =	sshll.u32 s6, $0x1;
	s3 =	sadd.s32 s4, s20  }
0x14: {  	s7 =	simm.s32 $0x0;
	s21 =	sshll.u32 s5, $0x1;
	s5 =	sadd.s32 s22, s3  }
0x15: {  	[timem:s7], [sflag:s23] =	dma.local [hbm:s5], s21  }
0x16: {  	_ =	swait.ge [sflag:s23], s21  }
0x17: {  	s4 =	ssub.s32 $0x0, s21;
	[sflag:s23] =	ssyncset.done $0x0  }
0x18: {  	[sflag:s23] =	ssyncadd.s32 s4;
	_ =	sdelay $0x1  }
0x19: {  	s24 =	simm.s32 $0x1B8B  }
0x1a: {  	_ =	swait.ge [sflag:s24], $0x1  }
0x1b: {  	[sflag:s24] =	ssyncset.done $0x0  }
0x1c: {  	s26 =	simm.s32 $0x1B8E;
	s25 =	sld [smem:$0x3FFE];
	[sflag:s24] =	ssyncadd.s32 $0xFFFFFFFF  }
0x1d: {  	s27 =	simm.s32 $execute0_lowered;
	[smem:$0x3FD2] =	sst s26  }
0x1e: {  	s5 =	sshll.u32 s27, $0x1;
	_ =	strace $0x80000049;
	[dreg:$0x1] =	wrdreg $0xFFFFFFFF  }
0x1f: {  	s28 =	simm.s32 $_size_execute0_lowered;
	s3 =	sadd.s32 s3, s5;
	[dreg:$0x0] =	wrdreg $0x0  }
0x20: {  	s5 =	sshll.u32 s28, $0x1;
	[dreg:$0x2] =	wrdreg s3  }
0x21: {  	[dreg:$0x3] =	wrdreg s5  }
0x22: {  	[dreg:$0x4] =	wrdreg $0xC0  }
0x23: {  	_ =	task [dreg:s7], $0x5FFFF  }
0x24: {  	[dreg:$0x1] =	wrdreg $0xFFFFFFFF  }
0x25: {  	[dreg:$0x0] =	wrdreg $0x60  }
0x26: {  	[dreg:$0x2] =	wrdreg s25  }
0x27: {  	[dreg:$0x3] =	wrdreg s2  }
0x28: {  	[dreg:$0x4] =	wrdreg $0x9  }
0x29: {  	_ =	task.clear_ibuf [dreg:s7], $0x5FFFF;
	_ =	strace $0x90000049  }
0x2a: {  	s29 =	simm.s32 $0x9;
	_ =	strace $0x8000004B  }
0x2b: {  	_ =	swait.ge [sflag:s29], $0x1  }
0x2c: {  	[sflag:s29] =	ssyncadd.s32 $0xFFFFFFFF  }
0x2d: {  	_ =	strace $0x9000004B  }
0x2e: {  	_ =	sfence  }
0x2f: {  	s30 =	sld [smem:$0x0];
	_ =	sdelay $0x2  }
0x30: {  	s31 =	sshll.u32 s1, $0xD;
	s1 =	sshrl.u32 s1, $0x2  }
0x31: {  	s3 =	sand.u32 $0x4000, s31;
	s1 =	sadd.s32 s1, s30  }
0x32: {  	s0 =	sor.u32 s3, s0;
	s1 =	sshll.u32 s1, $0x11  }
0x33: {  	s0 =	sor.u32 s1, s0  }
0x34: {  	s0 =	sadd.s32 $0x8F2B, s0  }
0x35: {  	[sflag:s0] =	ssyncadd.remote.s32 $0x1  }
0x36: {  	_ =	sfence.sel $0xFFFF  }
0x37: {  	[dreg:$0x0] =	wrdreg $0xFFFFFFFF;
	(pc) =	sbr.abs _section_cstart, $3  }
0x38: {  	[dreg:$0x1] =	wrdreg $0xFFFFFFFF  }
0x39: {  	_ =	task.clear_ibuf [dreg:s7], $0x2FFFF;
	_ =	strace $0x9FFFFFFF  }
0x3a: {  	(tm) =	ssettm $0x7FFFFFFF  }
0x3b: {  	_ =	shalt  }
tec
execute0_lowered:
.L_overlay_start_1:
0x0: {  	(tag) =	ssettag $0x1  }
0x1: {  	s0 =	srdreg.scid  }
0x2: {  	s1 =	sshll.u32 s0, $0x4  }
0x3: {  	s0 =	stileid.u32;
	s1 =	sand.u32 $0x10, s1  }
0x4: {  	s1 =	sor.u32 s0, s1  }
0x5: {  	s6 =	rddreg [dreg:$0x0];
	s4 =	simm.s32 $0x1;
	s2 =	sshll.u32 s1, $0x7  }
0x6: {  	s7 =	simm.s32 $0x2;
	s12 =	simm.s32 $0x0;
	s1 =	ssub.s32 $0x1000, s2  }
0x7: {  	s8 =	simm.s32 $0x8000;
	s13 =	simm.s32 $0x0;
	s3 =	sand.u32 $0xF80, s1  }
0x8: {  	s9 =	simm.s32 $0x0;
	s5 =	sshrl.u32 s1, $0xC;
	p0 =	sne.s32 s3, $0x0  }
.Ltmp0:
0x9: {  	s1 =	rddreg [dreg:$0x2];
	s4 =	simm.s32 @!p0 $0x0;
	(pc) =	sbr.rel .LBB1_1-.Ltmp0, $4  }
0xa: {  	s11 =	simm.s32 $0x0;
	s3 =	rddreg [dreg:$0x1];
	s5 =	sadd.s32 s4, s5  }
0xb: {  	_ =	strace $0x8000004A;
	s4 =	simm.s32 $0x1;
	s5 =	smul.u32 $0xC8, s5  }
0xc: {  	s6 =	sadd.s32 $0xA00, s6;
	s10 =	smov.u32 s2;
	[sflag:s4] =	ssyncpa.u1 $0x0  }
0xd: {  	p0 =	por $0x0, $0x0;
	[sflag:s7] =	ssyncpa.u1 $0x0;
	s7 =	sor.u32 $0x1, s5  }
.LBB1_4:
0xe: {  	s16 =	sshll.u32 s13, $0x3;
	s17 =	sand.u32 $0x78, s13  }
0xf: {  	s30 =	sand.u32 $0x7E00, s13;
	s12 =	sshll.u32 s12, $0xF;
	s16 =	sand.u32 $0xC00, s16  }
0x10: {  	[tilespmem:s15+$0x810 ss:$0x81] =	vst.msk $0xffff, v2;
	s31 =	sand.u32 $0x7, s13;
	s16 =	sor.u32 s17, s16;
	s17 =	sadd.s32 s3, s30  }
0x11: {  	[tilespmem:s15+$0x1020 ss:$0x81] =	vst.msk $0xffff, v0;
	s13 =	sshll.u32 s31, $0x12;
	s12 =	sadd.s32 s12, s17;
	s16 =	sshrl.u32 s16, $0x3  }
0x12: {  	[tilespmem:s15+$0x0 ss:$0x81] =	vst.msk $0xffff, v1;
	s13 =	sor.u32 $0x400, s13;
	s12 =	sadd.s32 s16, s12  }
0x13: {  	[hbm4b:s12+s13] =	stream.strided.scatter [tilespmem:s14], [sflag:$0x2], $0x2000, s8, s13, $0x20;
	[tilespmem:$0x8080] =	vst v63  }
.LBB1_5:
0x14: {  	s14 =	sadd.s32 $0x1, s9  }
0x15: {  	s12 =	sadd.s32 $0x1000, s10;
	s16 =	smov.u32 s10;
	p2 =	sgt.s32 s14, $0xC7  }
0x16: {  	s16 =	smov.u32 @p2 s12  }
0x17: {  	s14 =	simm.s32 @p2 $0x0;
	p2 =	sgt.s32 s16, $0xFFF  }
0x18: {  	s16 =	smov.u32 @p2 s2;
	p2 =	sne.s32 s11, s7  }
.Ltmp1:
0x19: {  	p1 =	slt.u32 s11, $0x2;
	(pc) =	sbr.rel @!p2 .LBB1_6-.Ltmp1, $4  }
0x1a: {  	s15 =	simm.s32 @!p1 $0x2  }
0x1b: {  	s13 =	smov.u32 s10;
	p0 =	por !p0, !p0;
	_ =	swait.ge @!p1 [sflag:s15], $0x2000  }
0x1c: {  	s12 =	smov.u32 s9;
	[sflag:s15] =	ssyncset.done @!p1 $0x0;
	s9 =	smov.u32 s14  }
0x1d: {  	s11 =	sadd.s32 $0x1, s11;
	[sflag:s15] =	ssyncadd.s32 @!p1 $0xFFFFE000;
	s10 =	smov.u32 s16  }
.LBB1_1:
0x1e: {  	p1 =	sge.u32 s11, s5  }
0x1f: {  	s14 =	sand.u32 @!p1 $0x1FFFFFF, s9  }
0x20: {  	s15 =	smulhi.u32 @!p1 $0x147AE15, s14;
	_ =	sdelay $0x1  }
0x21: {  	s15 =	smul.u32 @!p1 $0xC8, s15  }
0x22: {  	s16 =	sxor.u32 @!p1 $0xFFFFFFFF, s11;
	s17 =	smul.u32 @!p1 $0xC80, s10  }
0x23: {  	s31 =	sadd.s32 $0xFFFFFFFF, s11;
	s16 =	sshll.u32 @!p1 s16, $0xD;
	s14 =	ssub.s32 @!p1 s14, s15  }
0x24: {  	s15 =	sand.u32 @!p1 $0x2000, s16;
	s16 =	sadd.s32 @!p1 s6, s17;
	s14 =	sshll.u32 @!p1 s14, $0x4  }
0x25: {  	s17 =	simm.s32 @!p1 $0x6400;
	s14 =	sadd.s32 @!p1 s14, s16;
	s16 =	simm.s32 @!p1 $0x40  }
0x26: {  	[tilespmem:s15], [sflag:$0x1] =	stream.strided.gather @!p1 [hbm4b:s14+s16], $0x2000, s17, s16, $0x38;
	[tilespmem:$0x8080] =	vst v63  }
0x27: {  	p1 =	sge.u32 s31, s5  }
.Ltmp2:
0x28: {  	_ = 	snop;
	(pc) =	sbr.rel @p1 .LBB1_5-.Ltmp2, $1  }
0x29: {  	_ =	sdelay $0x3  }
0x2a: {  	s14 =	simm.s32 $0x1  }
0x2b: {  	_ =	swait.ge [sflag:s4], $0x2000;
	s14 =	simm.s32 @!p0 $0x0  }
0x2c: {  	[sflag:s4] =	ssyncset.done $0x0;
	s15 =	sshll.u32 s14, $0xD  }
0x2d: {  	[sflag:s4] =	ssyncadd.s32 $0xFFFFE000;
	s18 =	sor.u32 $0x20, s15  }
0x2e: {  	s14 =	smul.u32 $0x8100, s14;
	v3 =	vld [tilespmem:s18+$0x10]  }
0x2f: {  	s30 =	sand.u32 $0x1, s11;
	v2 =	vld [tilespmem:s18+$0xFFFFFFF0]  }
0x30: {  	s15 =	smul.u32 $0x8100, s30;
	s14 =	sshrl.u32 s14, $0x2;
	v0 =	vld [tilespmem:s18+$0x0]  }
0x31: {  	v1 =	vld [tilespmem:s18+$0xFFFFFFE0];
	s16 =	sor.u32 $0x4000, s14  }
0x32: {  	s31 =	sshrl.u32 s15, $0x2;
	s15 =	sadd.s32 $0x0, s16  }
0x33: {  	s17 =	simm.s32 $0x4;
	s18 =	sadd.s32 $0x40, s18;
	s14 =	sor.u32 $0x4000, s31;
	[tilespmem:s15+$0x1830 ss:$0x81] =	vst.msk $0xffff, v3  }
.LBB1_3:
0x34: {  	v3 =	vld [tilespmem:s18+$0x10];
	p1 =	sne.s32 s17, $0x1FC;
	[tilespmem:s15+$0x810 ss:$0x81] =	vst.msk $0xffff, v2;
	s19 =	smov.u32 s17;
	s17 =	sadd.s32 $0x4, s17  }
.Ltmp3:
0x35: {  	v2 =	vld [tilespmem:s18+$0xFFFFFFF0];
	[tilespmem:s15+$0x1020 ss:$0x81] =	vst.msk $0xffff, v0;
	(pc) =	sbr.rel @p1 .LBB1_3-.Ltmp3, $4  }
0x36: {  	v0 =	vld [tilespmem:s18+$0x0];
	[tilespmem:s15+$0x0 ss:$0x81] =	vst.msk $0xffff, v1  }
0x37: {  	s15 =	sshra.s32 s19, $0x2;
	v1 =	vld [tilespmem:s18+$0xFFFFFFE0]  }
0x38: {  	s15 =	sadd.s32 s15, s16  }
0x39: {  	s18 =	sadd.s32 $0x40, s18;
	[tilespmem:s15+$0x1830 ss:$0x81] =	vst.msk $0xffff, v3  }
.Ltmp4:
0x3a: {  	_ = 	snop;
	(pc) =	sbr.rel .LBB1_4-.Ltmp4, $1  }
0x3b: {  	_ =	sdelay $0x3  }
.LBB1_6:
0x3c: {  	_ =	sfence.sel $0x180000  }
0x3d: {  	s2 =	simm.s32 $0x1;
	[bflag:$0x0] =	sbarrier.arrive $0xFFFF  }
0x3e: {  	s31 =	simm.s32 $0x2;
	[sflag:s2] =	ssyncpa.u1 $0x1  }
0x3f: {  	[sflag:s31] =	ssyncpa.u1 $0x1  }
0x40: {  	p0 =	sne.s32 s0, $0x0;
	_ =	strace $0x9000004A  }
0x41: {  	s0 =	sadd.s32 @!p0 $0x100000, s1;
	[bflag:$0x2] =	sbarrier.arrive $0xFFFF  }
0x42: {  	[sflag:s0] =	ssyncadd.tile.s32 @!p0 $0x1;
	_ =	shalt  }
.Lfunc_end1:
_tile_overlayer_lowered:
.L_overlay_start_2:
0x43: {  	(tag) =	ssettag $0x2  }
0x44: {  	s0 =	rddreg [dreg:$0x0];
	s2 =	stileid.u32  }
0x45: {  	s1 =	rddreg [dreg:$0x1];
	p0 =	sne.s32 s2, $0x0  }
0x46: {  	s3 =	rddreg [dreg:$0x2];
	[bflag:$0x3] =	sbarrier.arrive $0xFFFF;
	s2 =	simm.s32 @!p0 $0x1C01  }
0x47: {  	[timem:s3], [sflag:s2] =	dma.local @!p0 [hbm:s0], s1  }
0x48: {  	s0 =	simm.s32 @!p0 $0x1  }
0x49: {  	_ =	swait.ge @!p0 [sflag:s0], s1  }
0x4a: {  	s1 =	ssub.s32 @!p0 $0x0, s1;
	[sflag:s0] =	ssyncset.done @!p0 $0x0  }
0x4b: {  	[sflag:s0] =	ssyncadd.s32 @!p0 s1  }
0x4c: {  	[bflag:$0x3] =	sbarrier.arrive $0xFFFF  }
0x4d: {  	_ =	shalt  }

</sc_bundles>
